<compile_context>
chip_gen: v7x
topology: tpu7x:2x2x1
jax: 0.10.2.dev20260603
libtpu: 0.0.44.dev20260713+nightly
codegen_flags: <defaults>
</compile_context>

<pallas_src>
import functools

import jax
import jax.numpy as jnp
import numpy as np
from jax import lax
from jax.experimental import pallas as pl
from jax.experimental.pallas import tpu as pltpu
from jax.experimental.pallas import tpu_sc as plsc

SEQ_VEC_SHAPE = 32
MAX_SEQ_LENGTH = 200
VOCAB_ROWS = 100000
BATCH = 4096

_NC = 2
_NS = 16
_NW = _NC * _NS
_BBLK = BATCH // _NW
_TC = 4
_NCHUNK = MAX_SEQ_LENGTH // _TC
_SCALE = float(np.sqrt(float(SEQ_VEC_SHAPE)))
_D = SEQ_VEC_SHAPE


def _pos_table() -> np.ndarray:
    initial_positions = np.arange(MAX_SEQ_LENGTH)[:, np.newaxis]
    positions = np.repeat(initial_positions, SEQ_VEC_SHAPE, axis=1)
    angle_rads = positions * (1.0 / 1000.0)
    s = np.sin(angle_rads)[::2]
    c = 1.0 - np.cos(angle_rads)[1::2]
    return np.vstack([s, c]).astype(np.float32)


_POS = _pos_table()


@functools.partial(
    pl.kernel,
    mesh=plsc.VectorSubcoreMesh(core_axis_name="c", subcore_axis_name="s"),
    out_type=jax.ShapeDtypeStruct((MAX_SEQ_LENGTH, _D // 8, _NW, 8 * _BBLK),
                                  jnp.float32),
    scratch_types=[
        pltpu.VMEM((_TC, _BBLK), jnp.int32),
        pltpu.VMEM((_TC * _BBLK, _D), jnp.float32),
        pltpu.VMEM((_TC, _D // 8, 8 * _BBLK), jnp.float32),
        pltpu.VMEM((MAX_SEQ_LENGTH * _D,), jnp.float32),
        pltpu.SemaphoreType.DMA,
    ],
    compiler_params=pltpu.CompilerParams(
        use_tc_tiling_on_sc=False, needs_layout_passes=False
    ),
)
def _sc_embed(idx_hbm, table_hbm, pos_hbm, out_hbm, idx_v, rows_v, out_v, pos_v, sem):
    wid = lax.axis_index("s") * _NC + lax.axis_index("c")
    lanes = lax.iota(jnp.int32, 16)

    pltpu.sync_copy(pos_hbm, pos_v)

    def chunk_body(c, carry):
        t0 = c * _TC
        pltpu.sync_copy(
            idx_hbm.at[pl.ds(t0, _TC), pl.ds(wid * _BBLK, _BBLK)], idx_v
        )
        copies = [
            pltpu.async_copy(
                table_hbm.at[idx_v.at[j]], rows_v.at[pl.ds(j * _BBLK, _BBLK), :], sem
            )
            for j in range(_TC)
        ]
        for cp in copies:
            cp.wait()

        def d_body(g, carry2):
            for k in range(4):
                d0 = g * 4 + k
                dvec = (jnp.zeros((16,), jnp.int32) + d0 + lanes) & (_D - 1)
                dtv = dvec >> 3
                zbase = (dvec & 7) * _BBLK + lanes
                ps = [
                    plsc.load_gather(
                        pos_v, [(t0 + j) * _D + dvec]
                    )
                    for j in range(_TC)
                ]
                vals = [
                    plsc.load_gather(
                        rows_v,
                        [lanes + (j * _BBLK + b0 * 16), dvec],
                    )
                    * _SCALE
                    + ps[j]
                    for j in range(_TC)
                    for b0 in range(_BBLK // 16)
                ]
                for j in range(_TC):
                    jvec = jnp.zeros((16,), jnp.int32) + j
                    for b0 in range(_BBLK // 16):
                        plsc.store_scatter(
                            out_v,
                            [jvec, dtv, zbase + b0 * 16],
                            vals[j * (_BBLK // 16) + b0],
                        )
            return carry2

        lax.fori_loop(0, _D // 4, d_body, 0)

        pltpu.sync_copy(out_v, out_hbm.at[pl.ds(t0, _TC), :, wid, :])
        return carry

    lax.fori_loop(0, _NCHUNK, chunk_body, 0)


def kernel(x, seq_vectors):
    idx_t_major = x.T
    pos = jnp.asarray(_POS).reshape(-1)
    out4 = _sc_embed(idx_t_major, seq_vectors, pos)
    out5 = out4.reshape(MAX_SEQ_LENGTH, 4, _NW, 8, _BBLK)
    return out5.transpose(2, 4, 0, 1, 3).reshape(BATCH, MAX_SEQ_LENGTH, _D)

# --- scband reference (transcript-rebuilt; emitter-appended) ---
"""Pipeline reference for scband-positional-encoding-layer-85959475462883 (READ-ONLY COPY).

The authoritative reference and input builder live on the scoring server;
editing this copy changes nothing except your own understanding.
"""

import jax, jax.numpy as jnp
import numpy as np

SEQ_VEC_SHAPE = 32
MAX_SEQ_LENGTH = 200
VOCAB = 100000
BATCH = 4096


def _encode_position(seq_vec_shape, max_seq_length):
    initial_positions = np.arange(max_seq_length)[:, np.newaxis]
    positions = np.repeat(initial_positions, seq_vec_shape, axis=1)
    angle_rates = 1.0 / 1000.0
    angle_rads = positions * angle_rates
    s = np.sin(angle_rads)[::2]
    c = 1.0 - np.cos(angle_rads)[1::2]
    stacked_sc = np.vstack([s, c])
    return jnp.asarray(stacked_sc, dtype=jnp.float32)


def setup_inputs(seed: int = 0) -> dict:
    key = jax.random.key(seed)
    k1, k2 = jax.random.split(key)
    x = jax.random.randint(k1, (BATCH, MAX_SEQ_LENGTH), 0, VOCAB, dtype=jnp.int32)
    seq_vectors = jax.random.normal(k2, (VOCAB, SEQ_VEC_SHAPE), dtype=jnp.float32)
    return {"x": x, "seq_vectors": seq_vectors}


def reference(x, seq_vectors):
    # AtchleyFactorVectorizer: embedding lookup
    emb = jnp.take(seq_vectors, x, axis=0)
    # scale by sqrt(d)
    emb = emb * jnp.sqrt(jnp.asarray(SEQ_VEC_SHAPE, dtype=jnp.float32))
    # add positional encoding
    pos = _encode_position(SEQ_VEC_SHAPE, MAX_SEQ_LENGTH)
    out = emb + pos[jnp.newaxis, :MAX_SEQ_LENGTH, :]
    return out

if __name__ == "__main__":
    import jax
    _d = setup_inputs()
    print(jax.jit(kernel)(*tuple(_d.values())))

</pallas_src>

<mosaic_0001>
#map = affine_map<(d0, d1) -> (0, 0)>
#map1 = affine_map<(d0, d1) -> (0)>
#map2 = affine_map<(d0, d1) -> (0, 0, 0, 0)>
module attributes {stable_mosaic.version = 14 : i64} {
  func.func @_sc_embed(%arg0: i32, %arg1: i32, %arg2: memref<200x4096xi32, #tpu.memory_space<hbm>>, %arg3: memref<100000x32xf32, #tpu.memory_space<hbm>>, %arg4: memref<6400xf32, #tpu.memory_space<hbm>>, %arg5: memref<200x4x32x1024xf32, #tpu.memory_space<hbm>>, %arg6: memref<4x128xi32, #tpu.memory_space<vmem>>, %arg7: memref<512x32xf32, #tpu.memory_space<vmem>>, %arg8: memref<4x4x1024xf32, #tpu.memory_space<vmem>>, %arg9: memref<6400xf32, #tpu.memory_space<vmem>>, %arg10: memref<!tpu.dma_semaphore, #tpu.memory_space<semaphore_mem>>) attributes {dimension_semantics = [#tpu.dimension_semantics<core_parallel>, #tpu.dimension_semantics<subcore_parallel>], iteration_bounds = array<i64: 2, 16>, scalar_prefetch = 0 : i64, scratch_operands = 5 : i64, tpu.core_type = #tpu.core_type<sc_vector_subcore>, window_params = [{transform_indices = #map}, {transform_indices = #map}, {transform_indices = #map1}, {transform_indices = #map2}]} {
    %mul3A = arith.constant 2 : i32
    %mul3A_0 = arith.muli %arg1, %mul3A : i32
    %add3A = arith.addi %mul3A_0, %arg0 : i32
    %iota3A = tpu.iota {dimensions = array<i32: 0>} : vector<16xi32>
    "tpu.region"() ({
      %run_scoped3A = tpu.sem_alloc : memref<!tpu.dma_semaphore, #tpu.memory_space<semaphore_mem>>
      tpu.enqueue_dma source(%arg4 : memref<6400xf32, #tpu.memory_space<hbm>>) target(%arg9 : memref<6400xf32, #tpu.memory_space<vmem>>) target_semaphore(%run_scoped3A : memref<!tpu.dma_semaphore, #tpu.memory_space<semaphore_mem>>)
      tpu.wait_dma2 semaphore(%run_scoped3A : memref<!tpu.dma_semaphore, #tpu.memory_space<semaphore_mem>>) src(%arg4 : memref<6400xf32, #tpu.memory_space<hbm>>) dst(%arg9 : memref<6400xf32, #tpu.memory_space<vmem>>)
      tpu.yield
    }) : () -> ()
    %scan3A = arith.constant 0 : i32
    %scan3A_1 = arith.constant 0 : i32
    %scan3A_2 = arith.constant 50 : i32
    %scan3A_3 = arith.addi %scan3A_1, %scan3A_2 : i32
    %scan3A_4 = arith.constant 1 : i32
    scf.for %scan3A_6 = %scan3A_1 to %scan3A_3 step %scan3A_4  : i32 {
      %mul3A_7 = arith.constant 4 : i32
      %mul3A_8 = arith.muli %scan3A_6, %mul3A_7 : i32
      %mul3A_9 = arith.constant 128 : i32
      %mul3A_10 = arith.muli %add3A, %mul3A_9 : i32
      "tpu.region"() ({
        %run_scoped3A = tpu.sem_alloc : memref<!tpu.dma_semaphore, #tpu.memory_space<semaphore_mem>>
        %dma_start3A_95 = tpu.memref_slice %arg2[%mul3A_8, %mul3A_10] : memref<200x4096xi32, #tpu.memory_space<hbm>> -> memref<4x128xi32, #tpu.memory_space<hbm>>
        %dma_start3A_96 = tpu.memref_slice %arg2[%mul3A_8, %mul3A_10] : memref<200x4096xi32, #tpu.memory_space<hbm>> -> memref<4x128xi32, #tpu.memory_space<hbm>>
        tpu.enqueue_dma source(%dma_start3A_96 : memref<4x128xi32, #tpu.memory_space<hbm>>) target(%arg6 : memref<4x128xi32, #tpu.memory_space<vmem>>) target_semaphore(%run_scoped3A : memref<!tpu.dma_semaphore, #tpu.memory_space<semaphore_mem>>)
        %dma_wait3A_97 = tpu.memref_slice %arg2[%mul3A_8, %mul3A_10] : memref<200x4096xi32, #tpu.memory_space<hbm>> -> memref<4x128xi32, #tpu.memory_space<hbm>>
        %dma_wait3A_98 = tpu.memref_slice %arg2[%mul3A_8, %mul3A_10] : memref<200x4096xi32, #tpu.memory_space<hbm>> -> memref<4x128xi32, #tpu.memory_space<hbm>>
        tpu.wait_dma2 semaphore(%run_scoped3A : memref<!tpu.dma_semaphore, #tpu.memory_space<semaphore_mem>>) src(%dma_wait3A_98 : memref<4x128xi32, #tpu.memory_space<hbm>>) dst(%arg6 : memref<4x128xi32, #tpu.memory_space<vmem>>)
        tpu.yield
      }) : () -> ()
      %dma_start3A = arith.constant 0 : i32
      %dma_start3A_11 = arith.constant 0 : i32
      %dma_start3A_12 = arith.constant 0 : i32
      %dma_start3A_13 = tpu.memref_slice %arg7[%dma_start3A_11, %dma_start3A_12] : memref<512x32xf32, #tpu.memory_space<vmem>> -> memref<128x32xf32, #tpu.memory_space<vmem>>
      %dma_start3A_14 = arith.constant 0 : i32
      %dma_start3A_15 = tpu.memref_slice %arg6[%dma_start3A, %dma_start3A_14] : memref<4x128xi32, #tpu.memory_space<vmem>> -> memref<1x128xi32, #tpu.memory_space<vmem>>
      %dma_start3A_16 = tpu.memref_squeeze %dma_start3A_15 : memref<1x128xi32, #tpu.memory_space<vmem>> -> memref<128xi32, #tpu.memory_space<vmem>>
      %dma_start3A_17 = arith.constant 0 : i32
      %dma_start3A_18 = arith.constant 0 : i32
      %dma_start3A_19 = tpu.memref_slice %arg3[%dma_start3A_17, %dma_start3A_18] : memref<100000x32xf32, #tpu.memory_space<hbm>> -> memref<100000x32xf32, #tpu.memory_space<hbm>>
      tpu.enqueue_indirect_dma source(%dma_start3A_19 : memref<100000x32xf32, #tpu.memory_space<hbm>>) target(%dma_start3A_13 : memref<128x32xf32, #tpu.memory_space<vmem>>) offsets(%dma_start3A_16 : memref<128xi32, #tpu.memory_space<vmem>>) semaphore(%arg10 : memref<!tpu.dma_semaphore, #tpu.memory_space<semaphore_mem>>)
      %dma_start3A_20 = arith.constant 1 : i32
      %dma_start3A_21 = arith.constant 128 : i32
      %dma_start3A_22 = arith.constant 0 : i32
      %dma_start3A_23 = tpu.memref_slice %arg7[%dma_start3A_21, %dma_start3A_22] : memref<512x32xf32, #tpu.memory_space<vmem>> -> memref<128x32xf32, #tpu.memory_space<vmem>>
      %dma_start3A_24 = arith.constant 0 : i32
      %dma_start3A_25 = tpu.memref_slice %arg6[%dma_start3A_20, %dma_start3A_24] : memref<4x128xi32, #tpu.memory_space<vmem>> -> memref<1x128xi32, #tpu.memory_space<vmem>>
      %dma_start3A_26 = tpu.memref_squeeze %dma_start3A_25 : memref<1x128xi32, #tpu.memory_space<vmem>> -> memref<128xi32, #tpu.memory_space<vmem>>
      %dma_start3A_27 = arith.constant 0 : i32
      %dma_start3A_28 = arith.constant 0 : i32
      %dma_start3A_29 = tpu.memref_slice %arg3[%dma_start3A_27, %dma_start3A_28] : memref<100000x32xf32, #tpu.memory_space<hbm>> -> memref<100000x32xf32, #tpu.memory_space<hbm>>
      tpu.enqueue_indirect_dma source(%dma_start3A_29 : memref<100000x32xf32, #tpu.memory_space<hbm>>) target(%dma_start3A_23 : memref<128x32xf32, #tpu.memory_space<vmem>>) offsets(%dma_start3A_26 : memref<128xi32, #tpu.memory_space<vmem>>) semaphore(%arg10 : memref<!tpu.dma_semaphore, #tpu.memory_space<semaphore_mem>>)
      %dma_start3A_30 = arith.constant 2 : i32
      %dma_start3A_31 = arith.constant 256 : i32
      %dma_start3A_32 = arith.constant 0 : i32
      %dma_start3A_33 = tpu.memref_slice %arg7[%dma_start3A_31, %dma_start3A_32] : memref<512x32xf32, #tpu.memory_space<vmem>> -> memref<128x32xf32, #tpu.memory_space<vmem>>
      %dma_start3A_34 = arith.constant 0 : i32
      %dma_start3A_35 = tpu.memref_slice %arg6[%dma_start3A_30, %dma_start3A_34] : memref<4x128xi32, #tpu.memory_space<vmem>> -> memref<1x128xi32, #tpu.memory_space<vmem>>
      %dma_start3A_36 = tpu.memref_squeeze %dma_start3A_35 : memref<1x128xi32, #tpu.memory_space<vmem>> -> memref<128xi32, #tpu.memory_space<vmem>>
      %dma_start3A_37 = arith.constant 0 : i32
      %dma_start3A_38 = arith.constant 0 : i32
      %dma_start3A_39 = tpu.memref_slice %arg3[%dma_start3A_37, %dma_start3A_38] : memref<100000x32xf32, #tpu.memory_space<hbm>> -> memref<100000x32xf32, #tpu.memory_space<hbm>>
      tpu.enqueue_indirect_dma source(%dma_start3A_39 : memref<100000x32xf32, #tpu.memory_space<hbm>>) target(%dma_start3A_33 : memref<128x32xf32, #tpu.memory_space<vmem>>) offsets(%dma_start3A_36 : memref<128xi32, #tpu.memory_space<vmem>>) semaphore(%arg10 : memref<!tpu.dma_semaphore, #tpu.memory_space<semaphore_mem>>)
      %dma_start3A_40 = arith.constant 3 : i32
      %dma_start3A_41 = arith.constant 384 : i32
      %dma_start3A_42 = arith.constant 0 : i32
      %dma_start3A_43 = tpu.memref_slice %arg7[%dma_start3A_41, %dma_start3A_42] : memref<512x32xf32, #tpu.memory_space<vmem>> -> memref<128x32xf32, #tpu.memory_space<vmem>>
      %dma_start3A_44 = arith.constant 0 : i32
      %dma_start3A_45 = tpu.memref_slice %arg6[%dma_start3A_40, %dma_start3A_44] : memref<4x128xi32, #tpu.memory_space<vmem>> -> memref<1x128xi32, #tpu.memory_space<vmem>>
      %dma_start3A_46 = tpu.memref_squeeze %dma_start3A_45 : memref<1x128xi32, #tpu.memory_space<vmem>> -> memref<128xi32, #tpu.memory_space<vmem>>
      %dma_start3A_47 = arith.constant 0 : i32
      %dma_start3A_48 = arith.constant 0 : i32
      %dma_start3A_49 = tpu.memref_slice %arg3[%dma_start3A_47, %dma_start3A_48] : memref<100000x32xf32, #tpu.memory_space<hbm>> -> memref<100000x32xf32, #tpu.memory_space<hbm>>
      tpu.enqueue_indirect_dma source(%dma_start3A_49 : memref<100000x32xf32, #tpu.memory_space<hbm>>) target(%dma_start3A_43 : memref<128x32xf32, #tpu.memory_space<vmem>>) offsets(%dma_start3A_46 : memref<128xi32, #tpu.memory_space<vmem>>) semaphore(%arg10 : memref<!tpu.dma_semaphore, #tpu.memory_space<semaphore_mem>>)
      %dma_wait3A = arith.constant 0 : i32
      %dma_wait3A_50 = arith.constant 0 : i32
      %dma_wait3A_51 = arith.constant 0 : i32
      %dma_wait3A_52 = tpu.memref_slice %arg7[%dma_wait3A_50, %dma_wait3A_51] : memref<512x32xf32, #tpu.memory_space<vmem>> -> memref<128x32xf32, #tpu.memory_space<vmem>>
      %dma_wait3A_53 = arith.constant 0 : i32
      %dma_wait3A_54 = tpu.memref_slice %arg6[%dma_wait3A, %dma_wait3A_53] : memref<4x128xi32, #tpu.memory_space<vmem>> -> memref<1x128xi32, #tpu.memory_space<vmem>>
      %dma_wait3A_55 = tpu.memref_squeeze %dma_wait3A_54 : memref<1x128xi32, #tpu.memory_space<vmem>> -> memref<128xi32, #tpu.memory_space<vmem>>
      %dma_wait3A_56 = arith.constant 0 : i32
      %dma_wait3A_57 = arith.constant 0 : i32
      %dma_wait3A_58 = tpu.memref_slice %arg3[%dma_wait3A_56, %dma_wait3A_57] : memref<100000x32xf32, #tpu.memory_space<hbm>> -> memref<100000x32xf32, #tpu.memory_space<hbm>>
      tpu.wait_indirect_dma semaphore(%arg10 : memref<!tpu.dma_semaphore, #tpu.memory_space<semaphore_mem>>) src(%dma_wait3A_58 : memref<100000x32xf32, #tpu.memory_space<hbm>>) dst(%dma_wait3A_52 : memref<128x32xf32, #tpu.memory_space<vmem>>)
      %dma_wait3A_59 = arith.constant 1 : i32
      %dma_wait3A_60 = arith.constant 128 : i32
      %dma_wait3A_61 = arith.constant 0 : i32
      %dma_wait3A_62 = tpu.memref_slice %arg7[%dma_wait3A_60, %dma_wait3A_61] : memref<512x32xf32, #tpu.memory_space<vmem>> -> memref<128x32xf32, #tpu.memory_space<vmem>>
      %dma_wait3A_63 = arith.constant 0 : i32
      %dma_wait3A_64 = tpu.memref_slice %arg6[%dma_wait3A_59, %dma_wait3A_63] : memref<4x128xi32, #tpu.memory_space<vmem>> -> memref<1x128xi32, #tpu.memory_space<vmem>>
      %dma_wait3A_65 = tpu.memref_squeeze %dma_wait3A_64 : memref<1x128xi32, #tpu.memory_space<vmem>> -> memref<128xi32, #tpu.memory_space<vmem>>
      %dma_wait3A_66 = arith.constant 0 : i32
      %dma_wait3A_67 = arith.constant 0 : i32
      %dma_wait3A_68 = tpu.memref_slice %arg3[%dma_wait3A_66, %dma_wait3A_67] : memref<100000x32xf32, #tpu.memory_space<hbm>> -> memref<100000x32xf32, #tpu.memory_space<hbm>>
      tpu.wait_indirect_dma semaphore(%arg10 : memref<!tpu.dma_semaphore, #tpu.memory_space<semaphore_mem>>) src(%dma_wait3A_68 : memref<100000x32xf32, #tpu.memory_space<hbm>>) dst(%dma_wait3A_62 : memref<128x32xf32, #tpu.memory_space<vmem>>)
      %dma_wait3A_69 = arith.constant 2 : i32
      %dma_wait3A_70 = arith.constant 256 : i32
      %dma_wait3A_71 = arith.constant 0 : i32
      %dma_wait3A_72 = tpu.memref_slice %arg7[%dma_wait3A_70, %dma_wait3A_71] : memref<512x32xf32, #tpu.memory_space<vmem>> -> memref<128x32xf32, #tpu.memory_space<vmem>>
      %dma_wait3A_73 = arith.constant 0 : i32
      %dma_wait3A_74 = tpu.memref_slice %arg6[%dma_wait3A_69, %dma_wait3A_73] : memref<4x128xi32, #tpu.memory_space<vmem>> -> memref<1x128xi32, #tpu.memory_space<vmem>>
      %dma_wait3A_75 = tpu.memref_squeeze %dma_wait3A_74 : memref<1x128xi32, #tpu.memory_space<vmem>> -> memref<128xi32, #tpu.memory_space<vmem>>
      %dma_wait3A_76 = arith.constant 0 : i32
      %dma_wait3A_77 = arith.constant 0 : i32
      %dma_wait3A_78 = tpu.memref_slice %arg3[%dma_wait3A_76, %dma_wait3A_77] : memref<100000x32xf32, #tpu.memory_space<hbm>> -> memref<100000x32xf32, #tpu.memory_space<hbm>>
      tpu.wait_indirect_dma semaphore(%arg10 : memref<!tpu.dma_semaphore, #tpu.memory_space<semaphore_mem>>) src(%dma_wait3A_78 : memref<100000x32xf32, #tpu.memory_space<hbm>>) dst(%dma_wait3A_72 : memref<128x32xf32, #tpu.memory_space<vmem>>)
      %dma_wait3A_79 = arith.constant 3 : i32
      %dma_wait3A_80 = arith.constant 384 : i32
      %dma_wait3A_81 = arith.constant 0 : i32
      %dma_wait3A_82 = tpu.memref_slice %arg7[%dma_wait3A_80, %dma_wait3A_81] : memref<512x32xf32, #tpu.memory_space<vmem>> -> memref<128x32xf32, #tpu.memory_space<vmem>>
      %dma_wait3A_83 = arith.constant 0 : i32
      %dma_wait3A_84 = tpu.memref_slice %arg6[%dma_wait3A_79, %dma_wait3A_83] : memref<4x128xi32, #tpu.memory_space<vmem>> -> memref<1x128xi32, #tpu.memory_space<vmem>>
      %dma_wait3A_85 = tpu.memref_squeeze %dma_wait3A_84 : memref<1x128xi32, #tpu.memory_space<vmem>> -> memref<128xi32, #tpu.memory_space<vmem>>
      %dma_wait3A_86 = arith.constant 0 : i32
      %dma_wait3A_87 = arith.constant 0 : i32
      %dma_wait3A_88 = tpu.memref_slice %arg3[%dma_wait3A_86, %dma_wait3A_87] : memref<100000x32xf32, #tpu.memory_space<hbm>> -> memref<100000x32xf32, #tpu.memory_space<hbm>>
      tpu.wait_indirect_dma semaphore(%arg10 : memref<!tpu.dma_semaphore, #tpu.memory_space<semaphore_mem>>) src(%dma_wait3A_88 : memref<100000x32xf32, #tpu.memory_space<hbm>>) dst(%dma_wait3A_82 : memref<128x32xf32, #tpu.memory_space<vmem>>)
      %scan3A_89 = arith.constant 0 : i32
      %scan3A_90 = arith.constant 0 : i32
      %scan3A_91 = arith.constant 8 : i32
      %scan3A_92 = arith.addi %scan3A_90, %scan3A_91 : i32
      %scan3A_93 = arith.constant 1 : i32
      scf.for %scan3A_95 = %scan3A_90 to %scan3A_92 step %scan3A_93  : i32 {
        %mul3A_96 = arith.constant 4 : i32
        %mul3A_97 = arith.muli %scan3A_95, %mul3A_96 : i32
        %add3A_98 = arith.constant 0 : i32
        %add3A_99 = arith.addi %mul3A_97, %add3A_98 : i32
        %broadcast_in_dim3A = arith.constant 0 : i32
        %broadcast_in_dim3A_100 = vector.broadcast %broadcast_in_dim3A : i32 to vector<16xi32>
        %add3A_101 = vector.broadcast %add3A_99 : i32 to vector<16xi32>
        %add3A_102 = arith.addi %broadcast_in_dim3A_100, %add3A_101 : vector<16xi32>
        %add3A_103 = arith.addi %add3A_102, %iota3A : vector<16xi32>
        %and3A = arith.constant 31 : i32
        %and3A_104 = vector.broadcast %and3A : i32 to vector<16xi32>
        %and3A_105 = arith.andi %add3A_103, %and3A_104 : vector<16xi32>
        %shift_right_arithmetic3A = arith.constant 3 : i32
        %shift_right_arithmetic3A_106 = vector.broadcast %shift_right_arithmetic3A : i32 to vector<16xi32>
        %shift_right_arithmetic3A_107 = arith.shrsi %and3A_105, %shift_right_arithmetic3A_106 : vector<16xi32>
        %and3A_108 = arith.constant 7 : i32
        %and3A_109 = vector.broadcast %and3A_108 : i32 to vector<16xi32>
        %and3A_110 = arith.andi %and3A_105, %and3A_109 : vector<16xi32>
        %mul3A_111 = arith.constant 128 : i32
        %mul3A_112 = vector.broadcast %mul3A_111 : i32 to vector<16xi32>
        %mul3A_113 = arith.muli %and3A_110, %mul3A_112 : vector<16xi32>
        %add3A_114 = arith.addi %mul3A_113, %iota3A : vector<16xi32>
        %add3A_115 = arith.constant 0 : i32
        %add3A_116 = arith.addi %mul3A_8, %add3A_115 : i32
        %mul3A_117 = arith.constant 32 : i32
        %mul3A_118 = arith.muli %add3A_116, %mul3A_117 : i32
        %add3A_119 = vector.broadcast %mul3A_118 : i32 to vector<16xi32>
        %add3A_120 = arith.addi %add3A_119, %and3A_105 : vector<16xi32>
        %gather3A = tpu.vector_load_idx %arg9[%add3A_120] : memref<6400xf32, #tpu.memory_space<vmem>>[vector<16xi32>], vector<16xf32>,
        %add3A_121 = arith.constant 1 : i32
        %add3A_122 = arith.addi %mul3A_8, %add3A_121 : i32
        %mul3A_123 = arith.constant 32 : i32
        %mul3A_124 = arith.muli %add3A_122, %mul3A_123 : i32
        %add3A_125 = vector.broadcast %mul3A_124 : i32 to vector<16xi32>
        %add3A_126 = arith.addi %add3A_125, %and3A_105 : vector<16xi32>
        %gather3A_127 = tpu.vector_load_idx %arg9[%add3A_126] : memref<6400xf32, #tpu.memory_space<vmem>>[vector<16xi32>], vector<16xf32>,
        %add3A_128 = arith.constant 2 : i32
        %add3A_129 = arith.addi %mul3A_8, %add3A_128 : i32
        %mul3A_130 = arith.constant 32 : i32
        %mul3A_131 = arith.muli %add3A_129, %mul3A_130 : i32
        %add3A_132 = vector.broadcast %mul3A_131 : i32 to vector<16xi32>
        %add3A_133 = arith.addi %add3A_132, %and3A_105 : vector<16xi32>
        %gather3A_134 = tpu.vector_load_idx %arg9[%add3A_133] : memref<6400xf32, #tpu.memory_space<vmem>>[vector<16xi32>], vector<16xf32>,
        %add3A_135 = arith.constant 3 : i32
        %add3A_136 = arith.addi %mul3A_8, %add3A_135 : i32
        %mul3A_137 = arith.constant 32 : i32
        %mul3A_138 = arith.muli %add3A_136, %mul3A_137 : i32
        %add3A_139 = vector.broadcast %mul3A_138 : i32 to vector<16xi32>
        %add3A_140 = arith.addi %add3A_139, %and3A_105 : vector<16xi32>
        %gather3A_141 = tpu.vector_load_idx %arg9[%add3A_140] : memref<6400xf32, #tpu.memory_space<vmem>>[vector<16xi32>], vector<16xf32>,
        %add3A_142 = arith.constant 0 : i32
        %add3A_143 = vector.broadcast %add3A_142 : i32 to vector<16xi32>
        %add3A_144 = arith.addi %iota3A, %add3A_143 : vector<16xi32>
        %gather3A_145 = tpu.vector_load_idx %arg7[%add3A_144, %and3A_105] : memref<512x32xf32, #tpu.memory_space<vmem>>[vector<16xi32>, vector<16xi32>], vector<16xf32>,
        %mul3A_146 = arith.constant 5.65685415 : f32
        %mul3A_147 = vector.broadcast %mul3A_146 : f32 to vector<16xf32>
        %mul3A_148 = arith.mulf %gather3A_145, %mul3A_147 : vector<16xf32>
        %add3A_149 = arith.addf %mul3A_148, %gather3A : vector<16xf32>
        %add3A_150 = arith.constant 16 : i32
        %add3A_151 = vector.broadcast %add3A_150 : i32 to vector<16xi32>
        %add3A_152 = arith.addi %iota3A, %add3A_151 : vector<16xi32>
        %gather3A_153 = tpu.vector_load_idx %arg7[%add3A_152, %and3A_105] : memref<512x32xf32, #tpu.memory_space<vmem>>[vector<16xi32>, vector<16xi32>], vector<16xf32>,
        %mul3A_154 = arith.constant 5.65685415 : f32
        %mul3A_155 = vector.broadcast %mul3A_154 : f32 to vector<16xf32>
        %mul3A_156 = arith.mulf %gather3A_153, %mul3A_155 : vector<16xf32>
        %add3A_157 = arith.addf %mul3A_156, %gather3A : vector<16xf32>
        %add3A_158 = arith.constant 32 : i32
        %add3A_159 = vector.broadcast %add3A_158 : i32 to vector<16xi32>
        %add3A_160 = arith.addi %iota3A, %add3A_159 : vector<16xi32>
        %gather3A_161 = tpu.vector_load_idx %arg7[%add3A_160, %and3A_105] : memref<512x32xf32, #tpu.memory_space<vmem>>[vector<16xi32>, vector<16xi32>], vector<16xf32>,
        %mul3A_162 = arith.constant 5.65685415 : f32
        %mul3A_163 = vector.broadcast %mul3A_162 : f32 to vector<16xf32>
        %mul3A_164 = arith.mulf %gather3A_161, %mul3A_163 : vector<16xf32>
        %add3A_165 = arith.addf %mul3A_164, %gather3A : vector<16xf32>
        %add3A_166 = arith.constant 48 : i32
        %add3A_167 = vector.broadcast %add3A_166 : i32 to vector<16xi32>
        %add3A_168 = arith.addi %iota3A, %add3A_167 : vector<16xi32>
        %gather3A_169 = tpu.vector_load_idx %arg7[%add3A_168, %and3A_105] : memref<512x32xf32, #tpu.memory_space<vmem>>[vector<16xi32>, vector<16xi32>], vector<16xf32>,
        %mul3A_170 = arith.constant 5.65685415 : f32
        %mul3A_171 = vector.broadcast %mul3A_170 : f32 to vector<16xf32>
        %mul3A_172 = arith.mulf %gather3A_169, %mul3A_171 : vector<16xf32>
        %add3A_173 = arith.addf %mul3A_172, %gather3A : vector<16xf32>
        %add3A_174 = arith.constant 64 : i32
        %add3A_175 = vector.broadcast %add3A_174 : i32 to vector<16xi32>
        %add3A_176 = arith.addi %iota3A, %add3A_175 : vector<16xi32>
        %gather3A_177 = tpu.vector_load_idx %arg7[%add3A_176, %and3A_105] : memref<512x32xf32, #tpu.memory_space<vmem>>[vector<16xi32>, vector<16xi32>], vector<16xf32>,
        %mul3A_178 = arith.constant 5.65685415 : f32
        %mul3A_179 = vector.broadcast %mul3A_178 : f32 to vector<16xf32>
        %mul3A_180 = arith.mulf %gather3A_177, %mul3A_179 : vector<16xf32>
        %add3A_181 = arith.addf %mul3A_180, %gather3A : vector<16xf32>
        %add3A_182 = arith.constant 80 : i32
        %add3A_183 = vector.broadcast %add3A_182 : i32 to vector<16xi32>
        %add3A_184 = arith.addi %iota3A, %add3A_183 : vector<16xi32>
        %gather3A_185 = tpu.vector_load_idx %arg7[%add3A_184, %and3A_105] : memref<512x32xf32, #tpu.memory_space<vmem>>[vector<16xi32>, vector<16xi32>], vector<16xf32>,
        %mul3A_186 = arith.constant 5.65685415 : f32
        %mul3A_187 = vector.broadcast %mul3A_186 : f32 to vector<16xf32>
        %mul3A_188 = arith.mulf %gather3A_185, %mul3A_187 : vector<16xf32>
        %add3A_189 = arith.addf %mul3A_188, %gather3A : vector<16xf32>
        %add3A_190 = arith.constant 96 : i32
        %add3A_191 = vector.broadcast %add3A_190 : i32 to vector<16xi32>
        %add3A_192 = arith.addi %iota3A, %add3A_191 : vector<16xi32>
        %gather3A_193 = tpu.vector_load_idx %arg7[%add3A_192, %and3A_105] : memref<512x32xf32, #tpu.memory_space<vmem>>[vector<16xi32>, vector<16xi32>], vector<16xf32>,
        %mul3A_194 = arith.constant 5.65685415 : f32
        %mul3A_195 = vector.broadcast %mul3A_194 : f32 to vector<16xf32>
        %mul3A_196 = arith.mulf %gather3A_193, %mul3A_195 : vector<16xf32>
        %add3A_197 = arith.addf %mul3A_196, %gather3A : vector<16xf32>
        %add3A_198 = arith.constant 112 : i32
        %add3A_199 = vector.broadcast %add3A_198 : i32 to vector<16xi32>
        %add3A_200 = arith.addi %iota3A, %add3A_199 : vector<16xi32>
        %gather3A_201 = tpu.vector_load_idx %arg7[%add3A_200, %and3A_105] : memref<512x32xf32, #tpu.memory_space<vmem>>[vector<16xi32>, vector<16xi32>], vector<16xf32>,
        %mul3A_202 = arith.constant 5.65685415 : f32
        %mul3A_203 = vector.broadcast %mul3A_202 : f32 to vector<16xf32>
        %mul3A_204 = arith.mulf %gather3A_201, %mul3A_203 : vector<16xf32>
        %add3A_205 = arith.addf %mul3A_204, %gather3A : vector<16xf32>
        %add3A_206 = arith.constant 128 : i32
        %add3A_207 = vector.broadcast %add3A_206 : i32 to vector<16xi32>
        %add3A_208 = arith.addi %iota3A, %add3A_207 : vector<16xi32>
        %gather3A_209 = tpu.vector_load_idx %arg7[%add3A_208, %and3A_105] : memref<512x32xf32, #tpu.memory_space<vmem>>[vector<16xi32>, vector<16xi32>], vector<16xf32>,
        %mul3A_210 = arith.constant 5.65685415 : f32
        %mul3A_211 = vector.broadcast %mul3A_210 : f32 to vector<16xf32>
        %mul3A_212 = arith.mulf %gather3A_209, %mul3A_211 : vector<16xf32>
        %add3A_213 = arith.addf %mul3A_212, %gather3A_127 : vector<16xf32>
        %add3A_214 = arith.constant 144 : i32
        %add3A_215 = vector.broadcast %add3A_214 : i32 to vector<16xi32>
        %add3A_216 = arith.addi %iota3A, %add3A_215 : vector<16xi32>
        %gather3A_217 = tpu.vector_load_idx %arg7[%add3A_216, %and3A_105] : memref<512x32xf32, #tpu.memory_space<vmem>>[vector<16xi32>, vector<16xi32>], vector<16xf32>,
        %mul3A_218 = arith.constant 5.65685415 : f32
        %mul3A_219 = vector.broadcast %mul3A_218 : f32 to vector<16xf32>
        %mul3A_220 = arith.mulf %gather3A_217, %mul3A_219 : vector<16xf32>
        %add3A_221 = arith.addf %mul3A_220, %gather3A_127 : vector<16xf32>
        %add3A_222 = arith.constant 160 : i32
        %add3A_223 = vector.broadcast %add3A_222 : i32 to vector<16xi32>
        %add3A_224 = arith.addi %iota3A, %add3A_223 : vector<16xi32>
        %gather3A_225 = tpu.vector_load_idx %arg7[%add3A_224, %and3A_105] : memref<512x32xf32, #tpu.memory_space<vmem>>[vector<16xi32>, vector<16xi32>], vector<16xf32>,
        %mul3A_226 = arith.constant 5.65685415 : f32
        %mul3A_227 = vector.broadcast %mul3A_226 : f32 to vector<16xf32>
        %mul3A_228 = arith.mulf %gather3A_225, %mul3A_227 : vector<16xf32>
        %add3A_229 = arith.addf %mul3A_228, %gather3A_127 : vector<16xf32>
        %add3A_230 = arith.constant 176 : i32
        %add3A_231 = vector.broadcast %add3A_230 : i32 to vector<16xi32>
        %add3A_232 = arith.addi %iota3A, %add3A_231 : vector<16xi32>
        %gather3A_233 = tpu.vector_load_idx %arg7[%add3A_232, %and3A_105] : memref<512x32xf32, #tpu.memory_space<vmem>>[vector<16xi32>, vector<16xi32>], vector<16xf32>,
        %mul3A_234 = arith.constant 5.65685415 : f32
        %mul3A_235 = vector.broadcast %mul3A_234 : f32 to vector<16xf32>
        %mul3A_236 = arith.mulf %gather3A_233, %mul3A_235 : vector<16xf32>
        %add3A_237 = arith.addf %mul3A_236, %gather3A_127 : vector<16xf32>
        %add3A_238 = arith.constant 192 : i32
        %add3A_239 = vector.broadcast %add3A_238 : i32 to vector<16xi32>
        %add3A_240 = arith.addi %iota3A, %add3A_239 : vector<16xi32>
        %gather3A_241 = tpu.vector_load_idx %arg7[%add3A_240, %and3A_105] : memref<512x32xf32, #tpu.memory_space<vmem>>[vector<16xi32>, vector<16xi32>], vector<16xf32>,
        %mul3A_242 = arith.constant 5.65685415 : f32
        %mul3A_243 = vector.broadcast %mul3A_242 : f32 to vector<16xf32>
        %mul3A_244 = arith.mulf %gather3A_241, %mul3A_243 : vector<16xf32>
        %add3A_245 = arith.addf %mul3A_244, %gather3A_127 : vector<16xf32>
        %add3A_246 = arith.constant 208 : i32
        %add3A_247 = vector.broadcast %add3A_246 : i32 to vector<16xi32>
        %add3A_248 = arith.addi %iota3A, %add3A_247 : vector<16xi32>
        %gather3A_249 = tpu.vector_load_idx %arg7[%add3A_248, %and3A_105] : memref<512x32xf32, #tpu.memory_space<vmem>>[vector<16xi32>, vector<16xi32>], vector<16xf32>,
        %mul3A_250 = arith.constant 5.65685415 : f32
        %mul3A_251 = vector.broadcast %mul3A_250 : f32 to vector<16xf32>
        %mul3A_252 = arith.mulf %gather3A_249, %mul3A_251 : vector<16xf32>
        %add3A_253 = arith.addf %mul3A_252, %gather3A_127 : vector<16xf32>
        %add3A_254 = arith.constant 224 : i32
        %add3A_255 = vector.broadcast %add3A_254 : i32 to vector<16xi32>
        %add3A_256 = arith.addi %iota3A, %add3A_255 : vector<16xi32>
        %gather3A_257 = tpu.vector_load_idx %arg7[%add3A_256, %and3A_105] : memref<512x32xf32, #tpu.memory_space<vmem>>[vector<16xi32>, vector<16xi32>], vector<16xf32>,
        %mul3A_258 = arith.constant 5.65685415 : f32
        %mul3A_259 = vector.broadcast %mul3A_258 : f32 to vector<16xf32>
        %mul3A_260 = arith.mulf %gather3A_257, %mul3A_259 : vector<16xf32>
        %add3A_261 = arith.addf %mul3A_260, %gather3A_127 : vector<16xf32>
        %add3A_262 = arith.constant 240 : i32
        %add3A_263 = vector.broadcast %add3A_262 : i32 to vector<16xi32>
        %add3A_264 = arith.addi %iota3A, %add3A_263 : vector<16xi32>
        %gather3A_265 = tpu.vector_load_idx %arg7[%add3A_264, %and3A_105] : memref<512x32xf32, #tpu.memory_space<vmem>>[vector<16xi32>, vector<16xi32>], vector<16xf32>,
        %mul3A_266 = arith.constant 5.65685415 : f32
        %mul3A_267 = vector.broadcast %mul3A_266 : f32 to vector<16xf32>
        %mul3A_268 = arith.mulf %gather3A_265, %mul3A_267 : vector<16xf32>
        %add3A_269 = arith.addf %mul3A_268, %gather3A_127 : vector<16xf32>
        %add3A_270 = arith.constant 256 : i32
        %add3A_271 = vector.broadcast %add3A_270 : i32 to vector<16xi32>
        %add3A_272 = arith.addi %iota3A, %add3A_271 : vector<16xi32>
        %gather3A_273 = tpu.vector_load_idx %arg7[%add3A_272, %and3A_105] : memref<512x32xf32, #tpu.memory_space<vmem>>[vector<16xi32>, vector<16xi32>], vector<16xf32>,
        %mul3A_274 = arith.constant 5.65685415 : f32
        %mul3A_275 = vector.broadcast %mul3A_274 : f32 to vector<16xf32>
        %mul3A_276 = arith.mulf %gather3A_273, %mul3A_275 : vector<16xf32>
        %add3A_277 = arith.addf %mul3A_276, %gather3A_134 : vector<16xf32>
        %add3A_278 = arith.constant 272 : i32
        %add3A_279 = vector.broadcast %add3A_278 : i32 to vector<16xi32>
        %add3A_280 = arith.addi %iota3A, %add3A_279 : vector<16xi32>
        %gather3A_281 = tpu.vector_load_idx %arg7[%add3A_280, %and3A_105] : memref<512x32xf32, #tpu.memory_space<vmem>>[vector<16xi32>, vector<16xi32>], vector<16xf32>,
        %mul3A_282 = arith.constant 5.65685415 : f32
        %mul3A_283 = vector.broadcast %mul3A_282 : f32 to vector<16xf32>
        %mul3A_284 = arith.mulf %gather3A_281, %mul3A_283 : vector<16xf32>
        %add3A_285 = arith.addf %mul3A_284, %gather3A_134 : vector<16xf32>
        %add3A_286 = arith.constant 288 : i32
        %add3A_287 = vector.broadcast %add3A_286 : i32 to vector<16xi32>
        %add3A_288 = arith.addi %iota3A, %add3A_287 : vector<16xi32>
        %gather3A_289 = tpu.vector_load_idx %arg7[%add3A_288, %and3A_105] : memref<512x32xf32, #tpu.memory_space<vmem>>[vector<16xi32>, vector<16xi32>], vector<16xf32>,
        %mul3A_290 = arith.constant 5.65685415 : f32
        %mul3A_291 = vector.broadcast %mul3A_290 : f32 to vector<16xf32>
        %mul3A_292 = arith.mulf %gather3A_289, %mul3A_291 : vector<16xf32>
        %add3A_293 = arith.addf %mul3A_292, %gather3A_134 : vector<16xf32>
        %add3A_294 = arith.constant 304 : i32
        %add3A_295 = vector.broadcast %add3A_294 : i32 to vector<16xi32>
        %add3A_296 = arith.addi %iota3A, %add3A_295 : vector<16xi32>
        %gather3A_297 = tpu.vector_load_idx %arg7[%add3A_296, %and3A_105] : memref<512x32xf32, #tpu.memory_space<vmem>>[vector<16xi32>, vector<16xi32>], vector<16xf32>,
        %mul3A_298 = arith.constant 5.65685415 : f32
        %mul3A_299 = vector.broadcast %mul3A_298 : f32 to vector<16xf32>
        %mul3A_300 = arith.mulf %gather3A_297, %mul3A_299 : vector<16xf32>
        %add3A_301 = arith.addf %mul3A_300, %gather3A_134 : vector<16xf32>
        %add3A_302 = arith.constant 320 : i32
        %add3A_303 = vector.broadcast %add3A_302 : i32 to vector<16xi32>
        %add3A_304 = arith.addi %iota3A, %add3A_303 : vector<16xi32>
        %gather3A_305 = tpu.vector_load_idx %arg7[%add3A_304, %and3A_105] : memref<512x32xf32, #tpu.memory_space<vmem>>[vector<16xi32>, vector<16xi32>], vector<16xf32>,
        %mul3A_306 = arith.constant 5.65685415 : f32
        %mul3A_307 = vector.broadcast %mul3A_306 : f32 to vector<16xf32>
        %mul3A_308 = arith.mulf %gather3A_305, %mul3A_307 : vector<16xf32>
        %add3A_309 = arith.addf %mul3A_308, %gather3A_134 : vector<16xf32>
        %add3A_310 = arith.constant 336 : i32
        %add3A_311 = vector.broadcast %add3A_310 : i32 to vector<16xi32>
        %add3A_312 = arith.addi %iota3A, %add3A_311 : vector<16xi32>
        %gather3A_313 = tpu.vector_load_idx %arg7[%add3A_312, %and3A_105] : memref<512x32xf32, #tpu.memory_space<vmem>>[vector<16xi32>, vector<16xi32>], vector<16xf32>,
        %mul3A_314 = arith.constant 5.65685415 : f32
        %mul3A_315 = vector.broadcast %mul3A_314 : f32 to vector<16xf32>
        %mul3A_316 = arith.mulf %gather3A_313, %mul3A_315 : vector<16xf32>
        %add3A_317 = arith.addf %mul3A_316, %gather3A_134 : vector<16xf32>
        %add3A_318 = arith.constant 352 : i32
        %add3A_319 = vector.broadcast %add3A_318 : i32 to vector<16xi32>
        %add3A_320 = arith.addi %iota3A, %add3A_319 : vector<16xi32>
        %gather3A_321 = tpu.vector_load_idx %arg7[%add3A_320, %and3A_105] : memref<512x32xf32, #tpu.memory_space<vmem>>[vector<16xi32>, vector<16xi32>], vector<16xf32>,
        %mul3A_322 = arith.constant 5.65685415 : f32
        %mul3A_323 = vector.broadcast %mul3A_322 : f32 to vector<16xf32>
        %mul3A_324 = arith.mulf %gather3A_321, %mul3A_323 : vector<16xf32>
        %add3A_325 = arith.addf %mul3A_324, %gather3A_134 : vector<16xf32>
        %add3A_326 = arith.constant 368 : i32
        %add3A_327 = vector.broadcast %add3A_326 : i32 to vector<16xi32>
        %add3A_328 = arith.addi %iota3A, %add3A_327 : vector<16xi32>
        %gather3A_329 = tpu.vector_load_idx %arg7[%add3A_328, %and3A_105] : memref<512x32xf32, #tpu.memory_space<vmem>>[vector<16xi32>, vector<16xi32>], vector<16xf32>,
        %mul3A_330 = arith.constant 5.65685415 : f32
        %mul3A_331 = vector.broadcast %mul3A_330 : f32 to vector<16xf32>
        %mul3A_332 = arith.mulf %gather3A_329, %mul3A_331 : vector<16xf32>
        %add3A_333 = arith.addf %mul3A_332, %gather3A_134 : vector<16xf32>
        %add3A_334 = arith.constant 384 : i32
        %add3A_335 = vector.broadcast %add3A_334 : i32 to vector<16xi32>
        %add3A_336 = arith.addi %iota3A, %add3A_335 : vector<16xi32>
        %gather3A_337 = tpu.vector_load_idx %arg7[%add3A_336, %and3A_105] : memref<512x32xf32, #tpu.memory_space<vmem>>[vector<16xi32>, vector<16xi32>], vector<16xf32>,
        %mul3A_338 = arith.constant 5.65685415 : f32
        %mul3A_339 = vector.broadcast %mul3A_338 : f32 to vector<16xf32>
        %mul3A_340 = arith.mulf %gather3A_337, %mul3A_339 : vector<16xf32>
        %add3A_341 = arith.addf %mul3A_340, %gather3A_141 : vector<16xf32>
        %add3A_342 = arith.constant 400 : i32
        %add3A_343 = vector.broadcast %add3A_342 : i32 to vector<16xi32>
        %add3A_344 = arith.addi %iota3A, %add3A_343 : vector<16xi32>
        %gather3A_345 = tpu.vector_load_idx %arg7[%add3A_344, %and3A_105] : memref<512x32xf32, #tpu.memory_space<vmem>>[vector<16xi32>, vector<16xi32>], vector<16xf32>,
        %mul3A_346 = arith.constant 5.65685415 : f32
        %mul3A_347 = vector.broadcast %mul3A_346 : f32 to vector<16xf32>
        %mul3A_348 = arith.mulf %gather3A_345, %mul3A_347 : vector<16xf32>
        %add3A_349 = arith.addf %mul3A_348, %gather3A_141 : vector<16xf32>
        %add3A_350 = arith.constant 416 : i32
        %add3A_351 = vector.broadcast %add3A_350 : i32 to vector<16xi32>
        %add3A_352 = arith.addi %iota3A, %add3A_351 : vector<16xi32>
        %gather3A_353 = tpu.vector_load_idx %arg7[%add3A_352, %and3A_105] : memref<512x32xf32, #tpu.memory_space<vmem>>[vector<16xi32>, vector<16xi32>], vector<16xf32>,
        %mul3A_354 = arith.constant 5.65685415 : f32
        %mul3A_355 = vector.broadcast %mul3A_354 : f32 to vector<16xf32>
        %mul3A_356 = arith.mulf %gather3A_353, %mul3A_355 : vector<16xf32>
        %add3A_357 = arith.addf %mul3A_356, %gather3A_141 : vector<16xf32>
        %add3A_358 = arith.constant 432 : i32
        %add3A_359 = vector.broadcast %add3A_358 : i32 to vector<16xi32>
        %add3A_360 = arith.addi %iota3A, %add3A_359 : vector<16xi32>
        %gather3A_361 = tpu.vector_load_idx %arg7[%add3A_360, %and3A_105] : memref<512x32xf32, #tpu.memory_space<vmem>>[vector<16xi32>, vector<16xi32>], vector<16xf32>,
        %mul3A_362 = arith.constant 5.65685415 : f32
        %mul3A_363 = vector.broadcast %mul3A_362 : f32 to vector<16xf32>
        %mul3A_364 = arith.mulf %gather3A_361, %mul3A_363 : vector<16xf32>
        %add3A_365 = arith.addf %mul3A_364, %gather3A_141 : vector<16xf32>
        %add3A_366 = arith.constant 448 : i32
        %add3A_367 = vector.broadcast %add3A_366 : i32 to vector<16xi32>
        %add3A_368 = arith.addi %iota3A, %add3A_367 : vector<16xi32>
        %gather3A_369 = tpu.vector_load_idx %arg7[%add3A_368, %and3A_105] : memref<512x32xf32, #tpu.memory_space<vmem>>[vector<16xi32>, vector<16xi32>], vector<16xf32>,
        %mul3A_370 = arith.constant 5.65685415 : f32
        %mul3A_371 = vector.broadcast %mul3A_370 : f32 to vector<16xf32>
        %mul3A_372 = arith.mulf %gather3A_369, %mul3A_371 : vector<16xf32>
        %add3A_373 = arith.addf %mul3A_372, %gather3A_141 : vector<16xf32>
        %add3A_374 = arith.constant 464 : i32
        %add3A_375 = vector.broadcast %add3A_374 : i32 to vector<16xi32>
        %add3A_376 = arith.addi %iota3A, %add3A_375 : vector<16xi32>
        %gather3A_377 = tpu.vector_load_idx %arg7[%add3A_376, %and3A_105] : memref<512x32xf32, #tpu.memory_space<vmem>>[vector<16xi32>, vector<16xi32>], vector<16xf32>,
        %mul3A_378 = arith.constant 5.65685415 : f32
        %mul3A_379 = vector.broadcast %mul3A_378 : f32 to vector<16xf32>
        %mul3A_380 = arith.mulf %gather3A_377, %mul3A_379 : vector<16xf32>
        %add3A_381 = arith.addf %mul3A_380, %gather3A_141 : vector<16xf32>
        %add3A_382 = arith.constant 480 : i32
        %add3A_383 = vector.broadcast %add3A_382 : i32 to vector<16xi32>
        %add3A_384 = arith.addi %iota3A, %add3A_383 : vector<16xi32>
        %gather3A_385 = tpu.vector_load_idx %arg7[%add3A_384, %and3A_105] : memref<512x32xf32, #tpu.memory_space<vmem>>[vector<16xi32>, vector<16xi32>], vector<16xf32>,
        %mul3A_386 = arith.constant 5.65685415 : f32
        %mul3A_387 = vector.broadcast %mul3A_386 : f32 to vector<16xf32>
        %mul3A_388 = arith.mulf %gather3A_385, %mul3A_387 : vector<16xf32>
        %add3A_389 = arith.addf %mul3A_388, %gather3A_141 : vector<16xf32>
        %add3A_390 = arith.constant 496 : i32
        %add3A_391 = vector.broadcast %add3A_390 : i32 to vector<16xi32>
        %add3A_392 = arith.addi %iota3A, %add3A_391 : vector<16xi32>
        %gather3A_393 = tpu.vector_load_idx %arg7[%add3A_392, %and3A_105] : memref<512x32xf32, #tpu.memory_space<vmem>>[vector<16xi32>, vector<16xi32>], vector<16xf32>,
        %mul3A_394 = arith.constant 5.65685415 : f32
        %mul3A_395 = vector.broadcast %mul3A_394 : f32 to vector<16xf32>
        %mul3A_396 = arith.mulf %gather3A_393, %mul3A_395 : vector<16xf32>
        %add3A_397 = arith.addf %mul3A_396, %gather3A_141 : vector<16xf32>
        %broadcast_in_dim3A_398 = arith.constant 0 : i32
        %broadcast_in_dim3A_399 = vector.broadcast %broadcast_in_dim3A_398 : i32 to vector<16xi32>
        %add3A_400 = arith.constant 0 : i32
        %add3A_401 = vector.broadcast %add3A_400 : i32 to vector<16xi32>
        %add3A_402 = arith.addi %broadcast_in_dim3A_399, %add3A_401 : vector<16xi32>
        %add3A_403 = arith.constant 0 : i32
        %add3A_404 = vector.broadcast %add3A_403 : i32 to vector<16xi32>
        %add3A_405 = arith.addi %add3A_114, %add3A_404 : vector<16xi32>
        tpu.vector_store_idx %arg8[%add3A_402, %shift_right_arithmetic3A_107, %add3A_405], %add3A_149 : memref<4x4x1024xf32, #tpu.memory_space<vmem>>[vector<16xi32>, vector<16xi32>, vector<16xi32>], vector<16xf32>,
        %add3A_406 = arith.constant 16 : i32
        %add3A_407 = vector.broadcast %add3A_406 : i32 to vector<16xi32>
        %add3A_408 = arith.addi %add3A_114, %add3A_407 : vector<16xi32>
        tpu.vector_store_idx %arg8[%add3A_402, %shift_right_arithmetic3A_107, %add3A_408], %add3A_157 : memref<4x4x1024xf32, #tpu.memory_space<vmem>>[vector<16xi32>, vector<16xi32>, vector<16xi32>], vector<16xf32>,
        %add3A_409 = arith.constant 32 : i32
        %add3A_410 = vector.broadcast %add3A_409 : i32 to vector<16xi32>
        %add3A_411 = arith.addi %add3A_114, %add3A_410 : vector<16xi32>
        tpu.vector_store_idx %arg8[%add3A_402, %shift_right_arithmetic3A_107, %add3A_411], %add3A_165 : memref<4x4x1024xf32, #tpu.memory_space<vmem>>[vector<16xi32>, vector<16xi32>, vector<16xi32>], vector<16xf32>,
        %add3A_412 = arith.constant 48 : i32
        %add3A_413 = vector.broadcast %add3A_412 : i32 to vector<16xi32>
        %add3A_414 = arith.addi %add3A_114, %add3A_413 : vector<16xi32>
        tpu.vector_store_idx %arg8[%add3A_402, %shift_right_arithmetic3A_107, %add3A_414], %add3A_173 : memref<4x4x1024xf32, #tpu.memory_space<vmem>>[vector<16xi32>, vector<16xi32>, vector<16xi32>], vector<16xf32>,
        %add3A_415 = arith.constant 64 : i32
        %add3A_416 = vector.broadcast %add3A_415 : i32 to vector<16xi32>
        %add3A_417 = arith.addi %add3A_114, %add3A_416 : vector<16xi32>
        tpu.vector_store_idx %arg8[%add3A_402, %shift_right_arithmetic3A_107, %add3A_417], %add3A_181 : memref<4x4x1024xf32, #tpu.memory_space<vmem>>[vector<16xi32>, vector<16xi32>, vector<16xi32>], vector<16xf32>,
        %add3A_418 = arith.constant 80 : i32
        %add3A_419 = vector.broadcast %add3A_418 : i32 to vector<16xi32>
        %add3A_420 = arith.addi %add3A_114, %add3A_419 : vector<16xi32>
        tpu.vector_store_idx %arg8[%add3A_402, %shift_right_arithmetic3A_107, %add3A_420], %add3A_189 : memref<4x4x1024xf32, #tpu.memory_space<vmem>>[vector<16xi32>, vector<16xi32>, vector<16xi32>], vector<16xf32>,
        %add3A_421 = arith.constant 96 : i32
        %add3A_422 = vector.broadcast %add3A_421 : i32 to vector<16xi32>
        %add3A_423 = arith.addi %add3A_114, %add3A_422 : vector<16xi32>
        tpu.vector_store_idx %arg8[%add3A_402, %shift_right_arithmetic3A_107, %add3A_423], %add3A_197 : memref<4x4x1024xf32, #tpu.memory_space<vmem>>[vector<16xi32>, vector<16xi32>, vector<16xi32>], vector<16xf32>,
        %add3A_424 = arith.constant 112 : i32
        %add3A_425 = vector.broadcast %add3A_424 : i32 to vector<16xi32>
        %add3A_426 = arith.addi %add3A_114, %add3A_425 : vector<16xi32>
        tpu.vector_store_idx %arg8[%add3A_402, %shift_right_arithmetic3A_107, %add3A_426], %add3A_205 : memref<4x4x1024xf32, #tpu.memory_space<vmem>>[vector<16xi32>, vector<16xi32>, vector<16xi32>], vector<16xf32>,
        %broadcast_in_dim3A_427 = arith.constant 0 : i32
        %broadcast_in_dim3A_428 = vector.broadcast %broadcast_in_dim3A_427 : i32 to vector<16xi32>
        %add3A_429 = arith.constant 1 : i32
        %add3A_430 = vector.broadcast %add3A_429 : i32 to vector<16xi32>
        %add3A_431 = arith.addi %broadcast_in_dim3A_428, %add3A_430 : vector<16xi32>
        %add3A_432 = arith.constant 0 : i32
        %add3A_433 = vector.broadcast %add3A_432 : i32 to vector<16xi32>
        %add3A_434 = arith.addi %add3A_114, %add3A_433 : vector<16xi32>
        tpu.vector_store_idx %arg8[%add3A_431, %shift_right_arithmetic3A_107, %add3A_434], %add3A_213 : memref<4x4x1024xf32, #tpu.memory_space<vmem>>[vector<16xi32>, vector<16xi32>, vector<16xi32>], vector<16xf32>,
        %add3A_435 = arith.constant 16 : i32
        %add3A_436 = vector.broadcast %add3A_435 : i32 to vector<16xi32>
        %add3A_437 = arith.addi %add3A_114, %add3A_436 : vector<16xi32>
        tpu.vector_store_idx %arg8[%add3A_431, %shift_right_arithmetic3A_107, %add3A_437], %add3A_221 : memref<4x4x1024xf32, #tpu.memory_space<vmem>>[vector<16xi32>, vector<16xi32>, vector<16xi32>], vector<16xf32>,
        %add3A_438 = arith.constant 32 : i32
        %add3A_439 = vector.broadcast %add3A_438 : i32 to vector<16xi32>
        %add3A_440 = arith.addi %add3A_114, %add3A_439 : vector<16xi32>
        tpu.vector_store_idx %arg8[%add3A_431, %shift_right_arithmetic3A_107, %add3A_440], %add3A_229 : memref<4x4x1024xf32, #tpu.memory_space<vmem>>[vector<16xi32>, vector<16xi32>, vector<16xi32>], vector<16xf32>,
        %add3A_441 = arith.constant 48 : i32
        %add3A_442 = vector.broadcast %add3A_441 : i32 to vector<16xi32>
        %add3A_443 = arith.addi %add3A_114, %add3A_442 : vector<16xi32>
        tpu.vector_store_idx %arg8[%add3A_431, %shift_right_arithmetic3A_107, %add3A_443], %add3A_237 : memref<4x4x1024xf32, #tpu.memory_space<vmem>>[vector<16xi32>, vector<16xi32>, vector<16xi32>], vector<16xf32>,
        %add3A_444 = arith.constant 64 : i32
        %add3A_445 = vector.broadcast %add3A_444 : i32 to vector<16xi32>
        %add3A_446 = arith.addi %add3A_114, %add3A_445 : vector<16xi32>
        tpu.vector_store_idx %arg8[%add3A_431, %shift_right_arithmetic3A_107, %add3A_446], %add3A_245 : memref<4x4x1024xf32, #tpu.memory_space<vmem>>[vector<16xi32>, vector<16xi32>, vector<16xi32>], vector<16xf32>,
        %add3A_447 = arith.constant 80 : i32
        %add3A_448 = vector.broadcast %add3A_447 : i32 to vector<16xi32>
        %add3A_449 = arith.addi %add3A_114, %add3A_448 : vector<16xi32>
        tpu.vector_store_idx %arg8[%add3A_431, %shift_right_arithmetic3A_107, %add3A_449], %add3A_253 : memref<4x4x1024xf32, #tpu.memory_space<vmem>>[vector<16xi32>, vector<16xi32>, vector<16xi32>], vector<16xf32>,
        %add3A_450 = arith.constant 96 : i32
        %add3A_451 = vector.broadcast %add3A_450 : i32 to vector<16xi32>
        %add3A_452 = arith.addi %add3A_114, %add3A_451 : vector<16xi32>
        tpu.vector_store_idx %arg8[%add3A_431, %shift_right_arithmetic3A_107, %add3A_452], %add3A_261 : memref<4x4x1024xf32, #tpu.memory_space<vmem>>[vector<16xi32>, vector<16xi32>, vector<16xi32>], vector<16xf32>,
        %add3A_453 = arith.constant 112 : i32
        %add3A_454 = vector.broadcast %add3A_453 : i32 to vector<16xi32>
        %add3A_455 = arith.addi %add3A_114, %add3A_454 : vector<16xi32>
        tpu.vector_store_idx %arg8[%add3A_431, %shift_right_arithmetic3A_107, %add3A_455], %add3A_269 : memref<4x4x1024xf32, #tpu.memory_space<vmem>>[vector<16xi32>, vector<16xi32>, vector<16xi32>], vector<16xf32>,
        %broadcast_in_dim3A_456 = arith.constant 0 : i32
        %broadcast_in_dim3A_457 = vector.broadcast %broadcast_in_dim3A_456 : i32 to vector<16xi32>
        %add3A_458 = arith.constant 2 : i32
        %add3A_459 = vector.broadcast %add3A_458 : i32 to vector<16xi32>
        %add3A_460 = arith.addi %broadcast_in_dim3A_457, %add3A_459 : vector<16xi32>
        %add3A_461 = arith.constant 0 : i32
        %add3A_462 = vector.broadcast %add3A_461 : i32 to vector<16xi32>
        %add3A_463 = arith.addi %add3A_114, %add3A_462 : vector<16xi32>
        tpu.vector_store_idx %arg8[%add3A_460, %shift_right_arithmetic3A_107, %add3A_463], %add3A_277 : memref<4x4x1024xf32, #tpu.memory_space<vmem>>[vector<16xi32>, vector<16xi32>, vector<16xi32>], vector<16xf32>,
        %add3A_464 = arith.constant 16 : i32
        %add3A_465 = vector.broadcast %add3A_464 : i32 to vector<16xi32>
        %add3A_466 = arith.addi %add3A_114, %add3A_465 : vector<16xi32>
        tpu.vector_store_idx %arg8[%add3A_460, %shift_right_arithmetic3A_107, %add3A_466], %add3A_285 : memref<4x4x1024xf32, #tpu.memory_space<vmem>>[vector<16xi32>, vector<16xi32>, vector<16xi32>], vector<16xf32>,
        %add3A_467 = arith.constant 32 : i32
        %add3A_468 = vector.broadcast %add3A_467 : i32 to vector<16xi32>
        %add3A_469 = arith.addi %add3A_114, %add3A_468 : vector<16xi32>
        tpu.vector_store_idx %arg8[%add3A_460, %shift_right_arithmetic3A_107, %add3A_469], %add3A_293 : memref<4x4x1024xf32, #tpu.memory_space<vmem>>[vector<16xi32>, vector<16xi32>, vector<16xi32>], vector<16xf32>,
        %add3A_470 = arith.constant 48 : i32
        %add3A_471 = vector.broadcast %add3A_470 : i32 to vector<16xi32>
        %add3A_472 = arith.addi %add3A_114, %add3A_471 : vector<16xi32>
        tpu.vector_store_idx %arg8[%add3A_460, %shift_right_arithmetic3A_107, %add3A_472], %add3A_301 : memref<4x4x1024xf32, #tpu.memory_space<vmem>>[vector<16xi32>, vector<16xi32>, vector<16xi32>], vector<16xf32>,
        %add3A_473 = arith.constant 64 : i32
        %add3A_474 = vector.broadcast %add3A_473 : i32 to vector<16xi32>
        %add3A_475 = arith.addi %add3A_114, %add3A_474 : vector<16xi32>
        tpu.vector_store_idx %arg8[%add3A_460, %shift_right_arithmetic3A_107, %add3A_475], %add3A_309 : memref<4x4x1024xf32, #tpu.memory_space<vmem>>[vector<16xi32>, vector<16xi32>, vector<16xi32>], vector<16xf32>,
        %add3A_476 = arith.constant 80 : i32
        %add3A_477 = vector.broadcast %add3A_476 : i32 to vector<16xi32>
        %add3A_478 = arith.addi %add3A_114, %add3A_477 : vector<16xi32>
        tpu.vector_store_idx %arg8[%add3A_460, %shift_right_arithmetic3A_107, %add3A_478], %add3A_317 : memref<4x4x1024xf32, #tpu.memory_space<vmem>>[vector<16xi32>, vector<16xi32>, vector<16xi32>], vector<16xf32>,
        %add3A_479 = arith.constant 96 : i32
        %add3A_480 = vector.broadcast %add3A_479 : i32 to vector<16xi32>
        %add3A_481 = arith.addi %add3A_114, %add3A_480 : vector<16xi32>
        tpu.vector_store_idx %arg8[%add3A_460, %shift_right_arithmetic3A_107, %add3A_481], %add3A_325 : memref<4x4x1024xf32, #tpu.memory_space<vmem>>[vector<16xi32>, vector<16xi32>, vector<16xi32>], vector<16xf32>,
        %add3A_482 = arith.constant 112 : i32
        %add3A_483 = vector.broadcast %add3A_482 : i32 to vector<16xi32>
        %add3A_484 = arith.addi %add3A_114, %add3A_483 : vector<16xi32>
        tpu.vector_store_idx %arg8[%add3A_460, %shift_right_arithmetic3A_107, %add3A_484], %add3A_333 : memref<4x4x1024xf32, #tpu.memory_space<vmem>>[vector<16xi32>, vector<16xi32>, vector<16xi32>], vector<16xf32>,
        %broadcast_in_dim3A_485 = arith.constant 0 : i32
        %broadcast_in_dim3A_486 = vector.broadcast %broadcast_in_dim3A_485 : i32 to vector<16xi32>
        %add3A_487 = arith.constant 3 : i32
        %add3A_488 = vector.broadcast %add3A_487 : i32 to vector<16xi32>
        %add3A_489 = arith.addi %broadcast_in_dim3A_486, %add3A_488 : vector<16xi32>
        %add3A_490 = arith.constant 0 : i32
        %add3A_491 = vector.broadcast %add3A_490 : i32 to vector<16xi32>
        %add3A_492 = arith.addi %add3A_114, %add3A_491 : vector<16xi32>
        tpu.vector_store_idx %arg8[%add3A_489, %shift_right_arithmetic3A_107, %add3A_492], %add3A_341 : memref<4x4x1024xf32, #tpu.memory_space<vmem>>[vector<16xi32>, vector<16xi32>, vector<16xi32>], vector<16xf32>,
        %add3A_493 = arith.constant 16 : i32
        %add3A_494 = vector.broadcast %add3A_493 : i32 to vector<16xi32>
        %add3A_495 = arith.addi %add3A_114, %add3A_494 : vector<16xi32>
        tpu.vector_store_idx %arg8[%add3A_489, %shift_right_arithmetic3A_107, %add3A_495], %add3A_349 : memref<4x4x1024xf32, #tpu.memory_space<vmem>>[vector<16xi32>, vector<16xi32>, vector<16xi32>], vector<16xf32>,
        %add3A_496 = arith.constant 32 : i32
        %add3A_497 = vector.broadcast %add3A_496 : i32 to vector<16xi32>
        %add3A_498 = arith.addi %add3A_114, %add3A_497 : vector<16xi32>
        tpu.vector_store_idx %arg8[%add3A_489, %shift_right_arithmetic3A_107, %add3A_498], %add3A_357 : memref<4x4x1024xf32, #tpu.memory_space<vmem>>[vector<16xi32>, vector<16xi32>, vector<16xi32>], vector<16xf32>,
        %add3A_499 = arith.constant 48 : i32
        %add3A_500 = vector.broadcast %add3A_499 : i32 to vector<16xi32>
        %add3A_501 = arith.addi %add3A_114, %add3A_500 : vector<16xi32>
        tpu.vector_store_idx %arg8[%add3A_489, %shift_right_arithmetic3A_107, %add3A_501], %add3A_365 : memref<4x4x1024xf32, #tpu.memory_space<vmem>>[vector<16xi32>, vector<16xi32>, vector<16xi32>], vector<16xf32>,
        %add3A_502 = arith.constant 64 : i32
        %add3A_503 = vector.broadcast %add3A_502 : i32 to vector<16xi32>
        %add3A_504 = arith.addi %add3A_114, %add3A_503 : vector<16xi32>
        tpu.vector_store_idx %arg8[%add3A_489, %shift_right_arithmetic3A_107, %add3A_504], %add3A_373 : memref<4x4x1024xf32, #tpu.memory_space<vmem>>[vector<16xi32>, vector<16xi32>, vector<16xi32>], vector<16xf32>,
        %add3A_505 = arith.constant 80 : i32
        %add3A_506 = vector.broadcast %add3A_505 : i32 to vector<16xi32>
        %add3A_507 = arith.addi %add3A_114, %add3A_506 : vector<16xi32>
        tpu.vector_store_idx %arg8[%add3A_489, %shift_right_arithmetic3A_107, %add3A_507], %add3A_381 : memref<4x4x1024xf32, #tpu.memory_space<vmem>>[vector<16xi32>, vector<16xi32>, vector<16xi32>], vector<16xf32>,
        %add3A_508 = arith.constant 96 : i32
        %add3A_509 = vector.broadcast %add3A_508 : i32 to vector<16xi32>
        %add3A_510 = arith.addi %add3A_114, %add3A_509 : vector<16xi32>
        tpu.vector_store_idx %arg8[%add3A_489, %shift_right_arithmetic3A_107, %add3A_510], %add3A_389 : memref<4x4x1024xf32, #tpu.memory_space<vmem>>[vector<16xi32>, vector<16xi32>, vector<16xi32>], vector<16xf32>,
        %add3A_511 = arith.constant 112 : i32
        %add3A_512 = vector.broadcast %add3A_511 : i32 to vector<16xi32>
        %add3A_513 = arith.addi %add3A_114, %add3A_512 : vector<16xi32>
        tpu.vector_store_idx %arg8[%add3A_489, %shift_right_arithmetic3A_107, %add3A_513], %add3A_397 : memref<4x4x1024xf32, #tpu.memory_space<vmem>>[vector<16xi32>, vector<16xi32>, vector<16xi32>], vector<16xf32>,
        %mul3A_514 = arith.constant 4 : i32
        %mul3A_515 = arith.muli %scan3A_95, %mul3A_514 : i32
        %add3A_516 = arith.constant 1 : i32
        %add3A_517 = arith.addi %mul3A_515, %add3A_516 : i32
        %broadcast_in_dim3A_518 = arith.constant 0 : i32
        %broadcast_in_dim3A_519 = vector.broadcast %broadcast_in_dim3A_518 : i32 to vector<16xi32>
        %add3A_520 = vector.broadcast %add3A_517 : i32 to vector<16xi32>
        %add3A_521 = arith.addi %broadcast_in_dim3A_519, %add3A_520 : vector<16xi32>
        %add3A_522 = arith.addi %add3A_521, %iota3A : vector<16xi32>
        %and3A_523 = arith.constant 31 : i32
        %and3A_524 = vector.broadcast %and3A_523 : i32 to vector<16xi32>
        %and3A_525 = arith.andi %add3A_522, %and3A_524 : vector<16xi32>
        %shift_right_arithmetic3A_526 = arith.constant 3 : i32
        %shift_right_arithmetic3A_527 = vector.broadcast %shift_right_arithmetic3A_526 : i32 to vector<16xi32>
        %shift_right_arithmetic3A_528 = arith.shrsi %and3A_525, %shift_right_arithmetic3A_527 : vector<16xi32>
        %and3A_529 = arith.constant 7 : i32
        %and3A_530 = vector.broadcast %and3A_529 : i32 to vector<16xi32>
        %and3A_531 = arith.andi %and3A_525, %and3A_530 : vector<16xi32>
        %mul3A_532 = arith.constant 128 : i32
        %mul3A_533 = vector.broadcast %mul3A_532 : i32 to vector<16xi32>
        %mul3A_534 = arith.muli %and3A_531, %mul3A_533 : vector<16xi32>
        %add3A_535 = arith.addi %mul3A_534, %iota3A : vector<16xi32>
        %add3A_536 = arith.constant 0 : i32
        %add3A_537 = arith.addi %mul3A_8, %add3A_536 : i32
        %mul3A_538 = arith.constant 32 : i32
        %mul3A_539 = arith.muli %add3A_537, %mul3A_538 : i32
        %add3A_540 = vector.broadcast %mul3A_539 : i32 to vector<16xi32>
        %add3A_541 = arith.addi %add3A_540, %and3A_525 : vector<16xi32>
        %gather3A_542 = tpu.vector_load_idx %arg9[%add3A_541] : memref<6400xf32, #tpu.memory_space<vmem>>[vector<16xi32>], vector<16xf32>,
        %add3A_543 = arith.constant 1 : i32
        %add3A_544 = arith.addi %mul3A_8, %add3A_543 : i32
        %mul3A_545 = arith.constant 32 : i32
        %mul3A_546 = arith.muli %add3A_544, %mul3A_545 : i32
        %add3A_547 = vector.broadcast %mul3A_546 : i32 to vector<16xi32>
        %add3A_548 = arith.addi %add3A_547, %and3A_525 : vector<16xi32>
        %gather3A_549 = tpu.vector_load_idx %arg9[%add3A_548] : memref<6400xf32, #tpu.memory_space<vmem>>[vector<16xi32>], vector<16xf32>,
        %add3A_550 = arith.constant 2 : i32
        %add3A_551 = arith.addi %mul3A_8, %add3A_550 : i32
        %mul3A_552 = arith.constant 32 : i32
        %mul3A_553 = arith.muli %add3A_551, %mul3A_552 : i32
        %add3A_554 = vector.broadcast %mul3A_553 : i32 to vector<16xi32>
        %add3A_555 = arith.addi %add3A_554, %and3A_525 : vector<16xi32>
        %gather3A_556 = tpu.vector_load_idx %arg9[%add3A_555] : memref<6400xf32, #tpu.memory_space<vmem>>[vector<16xi32>], vector<16xf32>,
        %add3A_557 = arith.constant 3 : i32
        %add3A_558 = arith.addi %mul3A_8, %add3A_557 : i32
        %mul3A_559 = arith.constant 32 : i32
        %mul3A_560 = arith.muli %add3A_558, %mul3A_559 : i32
        %add3A_561 = vector.broadcast %mul3A_560 : i32 to vector<16xi32>
        %add3A_562 = arith.addi %add3A_561, %and3A_525 : vector<16xi32>
        %gather3A_563 = tpu.vector_load_idx %arg9[%add3A_562] : memref<6400xf32, #tpu.memory_space<vmem>>[vector<16xi32>], vector<16xf32>,
        %add3A_564 = arith.constant 0 : i32
        %add3A_565 = vector.broadcast %add3A_564 : i32 to vector<16xi32>
        %add3A_566 = arith.addi %iota3A, %add3A_565 : vector<16xi32>
        %gather3A_567 = tpu.vector_load_idx %arg7[%add3A_566, %and3A_525] : memref<512x32xf32, #tpu.memory_space<vmem>>[vector<16xi32>, vector<16xi32>], vector<16xf32>,
        %mul3A_568 = arith.constant 5.65685415 : f32
        %mul3A_569 = vector.broadcast %mul3A_568 : f32 to vector<16xf32>
        %mul3A_570 = arith.mulf %gather3A_567, %mul3A_569 : vector<16xf32>
        %add3A_571 = arith.addf %mul3A_570, %gather3A_542 : vector<16xf32>
        %add3A_572 = arith.constant 16 : i32
        %add3A_573 = vector.broadcast %add3A_572 : i32 to vector<16xi32>
        %add3A_574 = arith.addi %iota3A, %add3A_573 : vector<16xi32>
        %gather3A_575 = tpu.vector_load_idx %arg7[%add3A_574, %and3A_525] : memref<512x32xf32, #tpu.memory_space<vmem>>[vector<16xi32>, vector<16xi32>], vector<16xf32>,
        %mul3A_576 = arith.constant 5.65685415 : f32
        %mul3A_577 = vector.broadcast %mul3A_576 : f32 to vector<16xf32>
        %mul3A_578 = arith.mulf %gather3A_575, %mul3A_577 : vector<16xf32>
        %add3A_579 = arith.addf %mul3A_578, %gather3A_542 : vector<16xf32>
        %add3A_580 = arith.constant 32 : i32
        %add3A_581 = vector.broadcast %add3A_580 : i32 to vector<16xi32>
        %add3A_582 = arith.addi %iota3A, %add3A_581 : vector<16xi32>
        %gather3A_583 = tpu.vector_load_idx %arg7[%add3A_582, %and3A_525] : memref<512x32xf32, #tpu.memory_space<vmem>>[vector<16xi32>, vector<16xi32>], vector<16xf32>,
        %mul3A_584 = arith.constant 5.65685415 : f32
        %mul3A_585 = vector.broadcast %mul3A_584 : f32 to vector<16xf32>
        %mul3A_586 = arith.mulf %gather3A_583, %mul3A_585 : vector<16xf32>
        %add3A_587 = arith.addf %mul3A_586, %gather3A_542 : vector<16xf32>
        %add3A_588 = arith.constant 48 : i32
        %add3A_589 = vector.broadcast %add3A_588 : i32 to vector<16xi32>
        %add3A_590 = arith.addi %iota3A, %add3A_589 : vector<16xi32>
        %gather3A_591 = tpu.vector_load_idx %arg7[%add3A_590, %and3A_525] : memref<512x32xf32, #tpu.memory_space<vmem>>[vector<16xi32>, vector<16xi32>], vector<16xf32>,
        %mul3A_592 = arith.constant 5.65685415 : f32
        %mul3A_593 = vector.broadcast %mul3A_592 : f32 to vector<16xf32>
        %mul3A_594 = arith.mulf %gather3A_591, %mul3A_593 : vector<16xf32>
        %add3A_595 = arith.addf %mul3A_594, %gather3A_542 : vector<16xf32>
        %add3A_596 = arith.constant 64 : i32
        %add3A_597 = vector.broadcast %add3A_596 : i32 to vector<16xi32>
        %add3A_598 = arith.addi %iota3A, %add3A_597 : vector<16xi32>
        %gather3A_599 = tpu.vector_load_idx %arg7[%add3A_598, %and3A_525] : memref<512x32xf32, #tpu.memory_space<vmem>>[vector<16xi32>, vector<16xi32>], vector<16xf32>,
        %mul3A_600 = arith.constant 5.65685415 : f32
        %mul3A_601 = vector.broadcast %mul3A_600 : f32 to vector<16xf32>
        %mul3A_602 = arith.mulf %gather3A_599, %mul3A_601 : vector<16xf32>
        %add3A_603 = arith.addf %mul3A_602, %gather3A_542 : vector<16xf32>
        %add3A_604 = arith.constant 80 : i32
        %add3A_605 = vector.broadcast %add3A_604 : i32 to vector<16xi32>
        %add3A_606 = arith.addi %iota3A, %add3A_605 : vector<16xi32>
        %gather3A_607 = tpu.vector_load_idx %arg7[%add3A_606, %and3A_525] : memref<512x32xf32, #tpu.memory_space<vmem>>[vector<16xi32>, vector<16xi32>], vector<16xf32>,
        %mul3A_608 = arith.constant 5.65685415 : f32
        %mul3A_609 = vector.broadcast %mul3A_608 : f32 to vector<16xf32>
        %mul3A_610 = arith.mulf %gather3A_607, %mul3A_609 : vector<16xf32>
        %add3A_611 = arith.addf %mul3A_610, %gather3A_542 : vector<16xf32>
        %add3A_612 = arith.constant 96 : i32
        %add3A_613 = vector.broadcast %add3A_612 : i32 to vector<16xi32>
        %add3A_614 = arith.addi %iota3A, %add3A_613 : vector<16xi32>
        %gather3A_615 = tpu.vector_load_idx %arg7[%add3A_614, %and3A_525] : memref<512x32xf32, #tpu.memory_space<vmem>>[vector<16xi32>, vector<16xi32>], vector<16xf32>,
        %mul3A_616 = arith.constant 5.65685415 : f32
        %mul3A_617 = vector.broadcast %mul3A_616 : f32 to vector<16xf32>
        %mul3A_618 = arith.mulf %gather3A_615, %mul3A_617 : vector<16xf32>
        %add3A_619 = arith.addf %mul3A_618, %gather3A_542 : vector<16xf32>
        %add3A_620 = arith.constant 112 : i32
        %add3A_621 = vector.broadcast %add3A_620 : i32 to vector<16xi32>
        %add3A_622 = arith.addi %iota3A, %add3A_621 : vector<16xi32>
        %gather3A_623 = tpu.vector_load_idx %arg7[%add3A_622, %and3A_525] : memref<512x32xf32, #tpu.memory_space<vmem>>[vector<16xi32>, vector<16xi32>], vector<16xf32>,
        %mul3A_624 = arith.constant 5.65685415 : f32
        %mul3A_625 = vector.broadcast %mul3A_624 : f32 to vector<16xf32>
        %mul3A_626 = arith.mulf %gather3A_623, %mul3A_625 : vector<16xf32>
        %add3A_627 = arith.addf %mul3A_626, %gather3A_542 : vector<16xf32>
        %add3A_628 = arith.constant 128 : i32
        %add3A_629 = vector.broadcast %add3A_628 : i32 to vector<16xi32>
        %add3A_630 = arith.addi %iota3A, %add3A_629 : vector<16xi32>
        %gather3A_631 = tpu.vector_load_idx %arg7[%add3A_630, %and3A_525] : memref<512x32xf32, #tpu.memory_space<vmem>>[vector<16xi32>, vector<16xi32>], vector<16xf32>,
        %mul3A_632 = arith.constant 5.65685415 : f32
        %mul3A_633 = vector.broadcast %mul3A_632 : f32 to vector<16xf32>
        %mul3A_634 = arith.mulf %gather3A_631, %mul3A_633 : vector<16xf32>
        %add3A_635 = arith.addf %mul3A_634, %gather3A_549 : vector<16xf32>
        %add3A_636 = arith.constant 144 : i32
        %add3A_637 = vector.broadcast %add3A_636 : i32 to vector<16xi32>
        %add3A_638 = arith.addi %iota3A, %add3A_637 : vector<16xi32>
        %gather3A_639 = tpu.vector_load_idx %arg7[%add3A_638, %and3A_525] : memref<512x32xf32, #tpu.memory_space<vmem>>[vector<16xi32>, vector<16xi32>], vector<16xf32>,
        %mul3A_640 = arith.constant 5.65685415 : f32
        %mul3A_641 = vector.broadcast %mul3A_640 : f32 to vector<16xf32>
        %mul3A_642 = arith.mulf %gather3A_639, %mul3A_641 : vector<16xf32>
        %add3A_643 = arith.addf %mul3A_642, %gather3A_549 : vector<16xf32>
        %add3A_644 = arith.constant 160 : i32
        %add3A_645 = vector.broadcast %add3A_644 : i32 to vector<16xi32>
        %add3A_646 = arith.addi %iota3A, %add3A_645 : vector<16xi32>
        %gather3A_647 = tpu.vector_load_idx %arg7[%add3A_646, %and3A_525] : memref<512x32xf32, #tpu.memory_space<vmem>>[vector<16xi32>, vector<16xi32>], vector<16xf32>,
        %mul3A_648 = arith.constant 5.65685415 : f32
        %mul3A_649 = vector.broadcast %mul3A_648 : f32 to vector<16xf32>
        %mul3A_650 = arith.mulf %gather3A_647, %mul3A_649 : vector<16xf32>
        %add3A_651 = arith.addf %mul3A_650, %gather3A_549 : vector<16xf32>
        %add3A_652 = arith.constant 176 : i32
        %add3A_653 = vector.broadcast %add3A_652 : i32 to vector<16xi32>
        %add3A_654 = arith.addi %iota3A, %add3A_653 : vector<16xi32>
        %gather3A_655 = tpu.vector_load_idx %arg7[%add3A_654, %and3A_525] : memref<512x32xf32, #tpu.memory_space<vmem>>[vector<16xi32>, vector<16xi32>], vector<16xf32>,
        %mul3A_656 = arith.constant 5.65685415 : f32
        %mul3A_657 = vector.broadcast %mul3A_656 : f32 to vector<16xf32>
        %mul3A_658 = arith.mulf %gather3A_655, %mul3A_657 : vector<16xf32>
        %add3A_659 = arith.addf %mul3A_658, %gather3A_549 : vector<16xf32>
        %add3A_660 = arith.constant 192 : i32
        %add3A_661 = vector.broadcast %add3A_660 : i32 to vector<16xi32>
        %add3A_662 = arith.addi %iota3A, %add3A_661 : vector<16xi32>
        %gather3A_663 = tpu.vector_load_idx %arg7[%add3A_662, %and3A_525] : memref<512x32xf32, #tpu.memory_space<vmem>>[vector<16xi32>, vector<16xi32>], vector<16xf32>,
        %mul3A_664 = arith.constant 5.65685415 : f32
        %mul3A_665 = vector.broadcast %mul3A_664 : f32 to vector<16xf32>
        %mul3A_666 = arith.mulf %gather3A_663, %mul3A_665 : vector<16xf32>
        %add3A_667 = arith.addf %mul3A_666, %gather3A_549 : vector<16xf32>
        %add3A_668 = arith.constant 208 : i32
        %add3A_669 = vector.broadcast %add3A_668 : i32 to vector<16xi32>
        %add3A_670 = arith.addi %iota3A, %add3A_669 : vector<16xi32>
        %gather3A_671 = tpu.vector_load_idx %arg7[%add3A_670, %and3A_525] : memref<512x32xf32, #tpu.memory_space<vmem>>[vector<16xi32>, vector<16xi32>], vector<16xf32>,
        %mul3A_672 = arith.constant 5.65685415 : f32
        %mul3A_673 = vector.broadcast %mul3A_672 : f32 to vector<16xf32>
        %mul3A_674 = arith.mulf %gather3A_671, %mul3A_673 : vector<16xf32>
        %add3A_675 = arith.addf %mul3A_674, %gather3A_549 : vector<16xf32>
        %add3A_676 = arith.constant 224 : i32
        %add3A_677 = vector.broadcast %add3A_676 : i32 to vector<16xi32>
        %add3A_678 = arith.addi %iota3A, %add3A_677 : vector<16xi32>
        %gather3A_679 = tpu.vector_load_idx %arg7[%add3A_678, %and3A_525] : memref<512x32xf32, #tpu.memory_space<vmem>>[vector<16xi32>, vector<16xi32>], vector<16xf32>,
        %mul3A_680 = arith.constant 5.65685415 : f32
        %mul3A_681 = vector.broadcast %mul3A_680 : f32 to vector<16xf32>
        %mul3A_682 = arith.mulf %gather3A_679, %mul3A_681 : vector<16xf32>
        %add3A_683 = arith.addf %mul3A_682, %gather3A_549 : vector<16xf32>
        %add3A_684 = arith.constant 240 : i32
        %add3A_685 = vector.broadcast %add3A_684 : i32 to vector<16xi32>
        %add3A_686 = arith.addi %iota3A, %add3A_685 : vector<16xi32>
        %gather3A_687 = tpu.vector_load_idx %arg7[%add3A_686, %and3A_525] : memref<512x32xf32, #tpu.memory_space<vmem>>[vector<16xi32>, vector<16xi32>], vector<16xf32>,
        %mul3A_688 = arith.constant 5.65685415 : f32
        %mul3A_689 = vector.broadcast %mul3A_688 : f32 to vector<16xf32>
        %mul3A_690 = arith.mulf %gather3A_687, %mul3A_689 : vector<16xf32>
        %add3A_691 = arith.addf %mul3A_690, %gather3A_549 : vector<16xf32>
        %add3A_692 = arith.constant 256 : i32
        %add3A_693 = vector.broadcast %add3A_692 : i32 to vector<16xi32>
        %add3A_694 = arith.addi %iota3A, %add3A_693 : vector<16xi32>
        %gather3A_695 = tpu.vector_load_idx %arg7[%add3A_694, %and3A_525] : memref<512x32xf32, #tpu.memory_space<vmem>>[vector<16xi32>, vector<16xi32>], vector<16xf32>,
        %mul3A_696 = arith.constant 5.65685415 : f32
        %mul3A_697 = vector.broadcast %mul3A_696 : f32 to vector<16xf32>
        %mul3A_698 = arith.mulf %gather3A_695, %mul3A_697 : vector<16xf32>
        %add3A_699 = arith.addf %mul3A_698, %gather3A_556 : vector<16xf32>
        %add3A_700 = arith.constant 272 : i32
        %add3A_701 = vector.broadcast %add3A_700 : i32 to vector<16xi32>
        %add3A_702 = arith.addi %iota3A, %add3A_701 : vector<16xi32>
        %gather3A_703 = tpu.vector_load_idx %arg7[%add3A_702, %and3A_525] : memref<512x32xf32, #tpu.memory_space<vmem>>[vector<16xi32>, vector<16xi32>], vector<16xf32>,
        %mul3A_704 = arith.constant 5.65685415 : f32
        %mul3A_705 = vector.broadcast %mul3A_704 : f32 to vector<16xf32>
        %mul3A_706 = arith.mulf %gather3A_703, %mul3A_705 : vector<16xf32>
        %add3A_707 = arith.addf %mul3A_706, %gather3A_556 : vector<16xf32>
        %add3A_708 = arith.constant 288 : i32
        %add3A_709 = vector.broadcast %add3A_708 : i32 to vector<16xi32>
        %add3A_710 = arith.addi %iota3A, %add3A_709 : vector<16xi32>
        %gather3A_711 = tpu.vector_load_idx %arg7[%add3A_710, %and3A_525] : memref<512x32xf32, #tpu.memory_space<vmem>>[vector<16xi32>, vector<16xi32>], vector<16xf32>,
        %mul3A_712 = arith.constant 5.65685415 : f32
        %mul3A_713 = vector.broadcast %mul3A_712 : f32 to vector<16xf32>
        %mul3A_714 = arith.mulf %gather3A_711, %mul3A_713 : vector<16xf32>
        %add3A_715 = arith.addf %mul3A_714, %gather3A_556 : vector<16xf32>
        %add3A_716 = arith.constant 304 : i32
        %add3A_717 = vector.broadcast %add3A_716 : i32 to vector<16xi32>
        %add3A_718 = arith.addi %iota3A, %add3A_717 : vector<16xi32>
        %gather3A_719 = tpu.vector_load_idx %arg7[%add3A_718, %and3A_525] : memref<512x32xf32, #tpu.memory_space<vmem>>[vector<16xi32>, vector<16xi32>], vector<16xf32>,
        %mul3A_720 = arith.constant 5.65685415 : f32
        %mul3A_721 = vector.broadcast %mul3A_720 : f32 to vector<16xf32>
        %mul3A_722 = arith.mulf %gather3A_719, %mul3A_721 : vector<16xf32>
        %add3A_723 = arith.addf %mul3A_722, %gather3A_556 : vector<16xf32>
        %add3A_724 = arith.constant 320 : i32
        %add3A_725 = vector.broadcast %add3A_724 : i32 to vector<16xi32>
        %add3A_726 = arith.addi %iota3A, %add3A_725 : vector<16xi32>
        %gather3A_727 = tpu.vector_load_idx %arg7[%add3A_726, %and3A_525] : memref<512x32xf32, #tpu.memory_space<vmem>>[vector<16xi32>, vector<16xi32>], vector<16xf32>,
        %mul3A_728 = arith.constant 5.65685415 : f32
        %mul3A_729 = vector.broadcast %mul3A_728 : f32 to vector<16xf32>
        %mul3A_730 = arith.mulf %gather3A_727, %mul3A_729 : vector<16xf32>
        %add3A_731 = arith.addf %mul3A_730, %gather3A_556 : vector<16xf32>
        %add3A_732 = arith.constant 336 : i32
        %add3A_733 = vector.broadcast %add3A_732 : i32 to vector<16xi32>
        %add3A_734 = arith.addi %iota3A, %add3A_733 : vector<16xi32>
        %gather3A_735 = tpu.vector_load_idx %arg7[%add3A_734, %and3A_525] : memref<512x32xf32, #tpu.memory_space<vmem>>[vector<16xi32>, vector<16xi32>], vector<16xf32>,
        %mul3A_736 = arith.constant 5.65685415 : f32
        %mul3A_737 = vector.broadcast %mul3A_736 : f32 to vector<16xf32>
        %mul3A_738 = arith.mulf %gather3A_735, %mul3A_737 : vector<16xf32>
        %add3A_739 = arith.addf %mul3A_738, %gather3A_556 : vector<16xf32>
        %add3A_740 = arith.constant 352 : i32
        %add3A_741 = vector.broadcast %add3A_740 : i32 to vector<16xi32>
        %add3A_742 = arith.addi %iota3A, %add3A_741 : vector<16xi32>
        %gather3A_743 = tpu.vector_load_idx %arg7[%add3A_742, %and3A_525] : memref<512x32xf32, #tpu.memory_space<vmem>>[vector<16xi32>, vector<16xi32>], vector<16xf32>,
        %mul3A_744 = arith.constant 5.65685415 : f32
        %mul3A_745 = vector.broadcast %mul3A_744 : f32 to vector<16xf32>
        %mul3A_746 = arith.mulf %gather3A_743, %mul3A_745 : vector<16xf32>
        %add3A_747 = arith.addf %mul3A_746, %gather3A_556 : vector<16xf32>
        %add3A_748 = arith.constant 368 : i32
        %add3A_749 = vector.broadcast %add3A_748 : i32 to vector<16xi32>
        %add3A_750 = arith.addi %iota3A, %add3A_749 : vector<16xi32>
        %gather3A_751 = tpu.vector_load_idx %arg7[%add3A_750, %and3A_525] : memref<512x32xf32, #tpu.memory_space<vmem>>[vector<16xi32>, vector<16xi32>], vector<16xf32>,
        %mul3A_752 = arith.constant 5.65685415 : f32
        %mul3A_753 = vector.broadcast %mul3A_752 : f32 to vector<16xf32>
        %mul3A_754 = arith.mulf %gather3A_751, %mul3A_753 : vector<16xf32>
        %add3A_755 = arith.addf %mul3A_754, %gather3A_556 : vector<16xf32>
        %add3A_756 = arith.constant 384 : i32
        %add3A_757 = vector.broadcast %add3A_756 : i32 to vector<16xi32>
        %add3A_758 = arith.addi %iota3A, %add3A_757 : vector<16xi32>
        %gather3A_759 = tpu.vector_load_idx %arg7[%add3A_758, %and3A_525] : memref<512x32xf32, #tpu.memory_space<vmem>>[vector<16xi32>, vector<16xi32>], vector<16xf32>,
        %mul3A_760 = arith.constant 5.65685415 : f32
        %mul3A_761 = vector.broadcast %mul3A_760 : f32 to vector<16xf32>
        %mul3A_762 = arith.mulf %gather3A_759, %mul3A_761 : vector<16xf32>
        %add3A_763 = arith.addf %mul3A_762, %gather3A_563 : vector<16xf32>
        %add3A_764 = arith.constant 400 : i32
        %add3A_765 = vector.broadcast %add3A_764 : i32 to vector<16xi32>
        %add3A_766 = arith.addi %iota3A, %add3A_765 : vector<16xi32>
        %gather3A_767 = tpu.vector_load_idx %arg7[%add3A_766, %and3A_525] : memref<512x32xf32, #tpu.memory_space<vmem>>[vector<16xi32>, vector<16xi32>], vector<16xf32>,
        %mul3A_768 = arith.constant 5.65685415 : f32
        %mul3A_769 = vector.broadcast %mul3A_768 : f32 to vector<16xf32>
        %mul3A_770 = arith.mulf %gather3A_767, %mul3A_769 : vector<16xf32>
        %add3A_771 = arith.addf %mul3A_770, %gather3A_563 : vector<16xf32>
        %add3A_772 = arith.constant 416 : i32
        %add3A_773 = vector.broadcast %add3A_772 : i32 to vector<16xi32>
        %add3A_774 = arith.addi %iota3A, %add3A_773 : vector<16xi32>
        %gather3A_775 = tpu.vector_load_idx %arg7[%add3A_774, %and3A_525] : memref<512x32xf32, #tpu.memory_space<vmem>>[vector<16xi32>, vector<16xi32>], vector<16xf32>,
        %mul3A_776 = arith.constant 5.65685415 : f32
        %mul3A_777 = vector.broadcast %mul3A_776 : f32 to vector<16xf32>
        %mul3A_778 = arith.mulf %gather3A_775, %mul3A_777 : vector<16xf32>
        %add3A_779 = arith.addf %mul3A_778, %gather3A_563 : vector<16xf32>
        %add3A_780 = arith.constant 432 : i32
        %add3A_781 = vector.broadcast %add3A_780 : i32 to vector<16xi32>
        %add3A_782 = arith.addi %iota3A, %add3A_781 : vector<16xi32>
        %gather3A_783 = tpu.vector_load_idx %arg7[%add3A_782, %and3A_525] : memref<512x32xf32, #tpu.memory_space<vmem>>[vector<16xi32>, vector<16xi32>], vector<16xf32>,
        %mul3A_784 = arith.constant 5.65685415 : f32
        %mul3A_785 = vector.broadcast %mul3A_784 : f32 to vector<16xf32>
        %mul3A_786 = arith.mulf %gather3A_783, %mul3A_785 : vector<16xf32>
        %add3A_787 = arith.addf %mul3A_786, %gather3A_563 : vector<16xf32>
        %add3A_788 = arith.constant 448 : i32
        %add3A_789 = vector.broadcast %add3A_788 : i32 to vector<16xi32>
        %add3A_790 = arith.addi %iota3A, %add3A_789 : vector<16xi32>
        %gather3A_791 = tpu.vector_load_idx %arg7[%add3A_790, %and3A_525] : memref<512x32xf32, #tpu.memory_space<vmem>>[vector<16xi32>, vector<16xi32>], vector<16xf32>,
        %mul3A_792 = arith.constant 5.65685415 : f32
        %mul3A_793 = vector.broadcast %mul3A_792 : f32 to vector<16xf32>
        %mul3A_794 = arith.mulf %gather3A_791, %mul3A_793 : vector<16xf32>
        %add3A_795 = arith.addf %mul3A_794, %gather3A_563 : vector<16xf32>
        %add3A_796 = arith.constant 464 : i32
        %add3A_797 = vector.broadcast %add3A_796 : i32 to vector<16xi32>
        %add3A_798 = arith.addi %iota3A, %add3A_797 : vector<16xi32>
        %gather3A_799 = tpu.vector_load_idx %arg7[%add3A_798, %and3A_525] : memref<512x32xf32, #tpu.memory_space<vmem>>[vector<16xi32>, vector<16xi32>], vector<16xf32>,
        %mul3A_800 = arith.constant 5.65685415 : f32
        %mul3A_801 = vector.broadcast %mul3A_800 : f32 to vector<16xf32>
        %mul3A_802 = arith.mulf %gather3A_799, %mul3A_801 : vector<16xf32>
        %add3A_803 = arith.addf %mul3A_802, %gather3A_563 : vector<16xf32>
        %add3A_804 = arith.constant 480 : i32
        %add3A_805 = vector.broadcast %add3A_804 : i32 to vector<16xi32>
        %add3A_806 = arith.addi %iota3A, %add3A_805 : vector<16xi32>
        %gather3A_807 = tpu.vector_load_idx %arg7[%add3A_806, %and3A_525] : memref<512x32xf32, #tpu.memory_space<vmem>>[vector<16xi32>, vector<16xi32>], vector<16xf32>,
        %mul3A_808 = arith.constant 5.65685415 : f32
        %mul3A_809 = vector.broadcast %mul3A_808 : f32 to vector<16xf32>
        %mul3A_810 = arith.mulf %gather3A_807, %mul3A_809 : vector<16xf32>
        %add3A_811 = arith.addf %mul3A_810, %gather3A_563 : vector<16xf32>
        %add3A_812 = arith.constant 496 : i32
        %add3A_813 = vector.broadcast %add3A_812 : i32 to vector<16xi32>
        %add3A_814 = arith.addi %iota3A, %add3A_813 : vector<16xi32>
        %gather3A_815 = tpu.vector_load_idx %arg7[%add3A_814, %and3A_525] : memref<512x32xf32, #tpu.memory_space<vmem>>[vector<16xi32>, vector<16xi32>], vector<16xf32>,
        %mul3A_816 = arith.constant 5.65685415 : f32
        %mul3A_817 = vector.broadcast %mul3A_816 : f32 to vector<16xf32>
        %mul3A_818 = arith.mulf %gather3A_815, %mul3A_817 : vector<16xf32>
        %add3A_819 = arith.addf %mul3A_818, %gather3A_563 : vector<16xf32>
        %broadcast_in_dim3A_820 = arith.constant 0 : i32
        %broadcast_in_dim3A_821 = vector.broadcast %broadcast_in_dim3A_820 : i32 to vector<16xi32>
        %add3A_822 = arith.constant 0 : i32
        %add3A_823 = vector.broadcast %add3A_822 : i32 to vector<16xi32>
        %add3A_824 = arith.addi %broadcast_in_dim3A_821, %add3A_823 : vector<16xi32>
        %add3A_825 = arith.constant 0 : i32
        %add3A_826 = vector.broadcast %add3A_825 : i32 to vector<16xi32>
        %add3A_827 = arith.addi %add3A_535, %add3A_826 : vector<16xi32>
        tpu.vector_store_idx %arg8[%add3A_824, %shift_right_arithmetic3A_528, %add3A_827], %add3A_571 : memref<4x4x1024xf32, #tpu.memory_space<vmem>>[vector<16xi32>, vector<16xi32>, vector<16xi32>], vector<16xf32>,
        %add3A_828 = arith.constant 16 : i32
        %add3A_829 = vector.broadcast %add3A_828 : i32 to vector<16xi32>
        %add3A_830 = arith.addi %add3A_535, %add3A_829 : vector<16xi32>
        tpu.vector_store_idx %arg8[%add3A_824, %shift_right_arithmetic3A_528, %add3A_830], %add3A_579 : memref<4x4x1024xf32, #tpu.memory_space<vmem>>[vector<16xi32>, vector<16xi32>, vector<16xi32>], vector<16xf32>,
        %add3A_831 = arith.constant 32 : i32
        %add3A_832 = vector.broadcast %add3A_831 : i32 to vector<16xi32>
        %add3A_833 = arith.addi %add3A_535, %add3A_832 : vector<16xi32>
        tpu.vector_store_idx %arg8[%add3A_824, %shift_right_arithmetic3A_528, %add3A_833], %add3A_587 : memref<4x4x1024xf32, #tpu.memory_space<vmem>>[vector<16xi32>, vector<16xi32>, vector<16xi32>], vector<16xf32>,
        %add3A_834 = arith.constant 48 : i32
        %add3A_835 = vector.broadcast %add3A_834 : i32 to vector<16xi32>
        %add3A_836 = arith.addi %add3A_535, %add3A_835 : vector<16xi32>
        tpu.vector_store_idx %arg8[%add3A_824, %shift_right_arithmetic3A_528, %add3A_836], %add3A_595 : memref<4x4x1024xf32, #tpu.memory_space<vmem>>[vector<16xi32>, vector<16xi32>, vector<16xi32>], vector<16xf32>,
        %add3A_837 = arith.constant 64 : i32
        %add3A_838 = vector.broadcast %add3A_837 : i32 to vector<16xi32>
        %add3A_839 = arith.addi %add3A_535, %add3A_838 : vector<16xi32>
        tpu.vector_store_idx %arg8[%add3A_824, %shift_right_arithmetic3A_528, %add3A_839], %add3A_603 : memref<4x4x1024xf32, #tpu.memory_space<vmem>>[vector<16xi32>, vector<16xi32>, vector<16xi32>], vector<16xf32>,
        %add3A_840 = arith.constant 80 : i32
        %add3A_841 = vector.broadcast %add3A_840 : i32 to vector<16xi32>
        %add3A_842 = arith.addi %add3A_535, %add3A_841 : vector<16xi32>
        tpu.vector_store_idx %arg8[%add3A_824, %shift_right_arithmetic3A_528, %add3A_842], %add3A_611 : memref<4x4x1024xf32, #tpu.memory_space<vmem>>[vector<16xi32>, vector<16xi32>, vector<16xi32>], vector<16xf32>,
        %add3A_843 = arith.constant 96 : i32
        %add3A_844 = vector.broadcast %add3A_843 : i32 to vector<16xi32>
        %add3A_845 = arith.addi %add3A_535, %add3A_844 : vector<16xi32>
        tpu.vector_store_idx %arg8[%add3A_824, %shift_right_arithmetic3A_528, %add3A_845], %add3A_619 : memref<4x4x1024xf32, #tpu.memory_space<vmem>>[vector<16xi32>, vector<16xi32>, vector<16xi32>], vector<16xf32>,
        %add3A_846 = arith.constant 112 : i32
        %add3A_847 = vector.broadcast %add3A_846 : i32 to vector<16xi32>
        %add3A_848 = arith.addi %add3A_535, %add3A_847 : vector<16xi32>
        tpu.vector_store_idx %arg8[%add3A_824, %shift_right_arithmetic3A_528, %add3A_848], %add3A_627 : memref<4x4x1024xf32, #tpu.memory_space<vmem>>[vector<16xi32>, vector<16xi32>, vector<16xi32>], vector<16xf32>,
        %broadcast_in_dim3A_849 = arith.constant 0 : i32
        %broadcast_in_dim3A_850 = vector.broadcast %broadcast_in_dim3A_849 : i32 to vector<16xi32>
        %add3A_851 = arith.constant 1 : i32
        %add3A_852 = vector.broadcast %add3A_851 : i32 to vector<16xi32>
        %add3A_853 = arith.addi %broadcast_in_dim3A_850, %add3A_852 : vector<16xi32>
        %add3A_854 = arith.constant 0 : i32
        %add3A_855 = vector.broadcast %add3A_854 : i32 to vector<16xi32>
        %add3A_856 = arith.addi %add3A_535, %add3A_855 : vector<16xi32>
        tpu.vector_store_idx %arg8[%add3A_853, %shift_right_arithmetic3A_528, %add3A_856], %add3A_635 : memref<4x4x1024xf32, #tpu.memory_space<vmem>>[vector<16xi32>, vector<16xi32>, vector<16xi32>], vector<16xf32>,
        %add3A_857 = arith.constant 16 : i32
        %add3A_858 = vector.broadcast %add3A_857 : i32 to vector<16xi32>
        %add3A_859 = arith.addi %add3A_535, %add3A_858 : vector<16xi32>
        tpu.vector_store_idx %arg8[%add3A_853, %shift_right_arithmetic3A_528, %add3A_859], %add3A_643 : memref<4x4x1024xf32, #tpu.memory_space<vmem>>[vector<16xi32>, vector<16xi32>, vector<16xi32>], vector<16xf32>,
        %add3A_860 = arith.constant 32 : i32
        %add3A_861 = vector.broadcast %add3A_860 : i32 to vector<16xi32>
        %add3A_862 = arith.addi %add3A_535, %add3A_861 : vector<16xi32>
        tpu.vector_store_idx %arg8[%add3A_853, %shift_right_arithmetic3A_528, %add3A_862], %add3A_651 : memref<4x4x1024xf32, #tpu.memory_space<vmem>>[vector<16xi32>, vector<16xi32>, vector<16xi32>], vector<16xf32>,
        %add3A_863 = arith.constant 48 : i32
        %add3A_864 = vector.broadcast %add3A_863 : i32 to vector<16xi32>
        %add3A_865 = arith.addi %add3A_535, %add3A_864 : vector<16xi32>
        tpu.vector_store_idx %arg8[%add3A_853, %shift_right_arithmetic3A_528, %add3A_865], %add3A_659 : memref<4x4x1024xf32, #tpu.memory_space<vmem>>[vector<16xi32>, vector<16xi32>, vector<16xi32>], vector<16xf32>,
        %add3A_866 = arith.constant 64 : i32
        %add3A_867 = vector.broadcast %add3A_866 : i32 to vector<16xi32>
        %add3A_868 = arith.addi %add3A_535, %add3A_867 : vector<16xi32>
        tpu.vector_store_idx %arg8[%add3A_853, %shift_right_arithmetic3A_528, %add3A_868], %add3A_667 : memref<4x4x1024xf32, #tpu.memory_space<vmem>>[vector<16xi32>, vector<16xi32>, vector<16xi32>], vector<16xf32>,
        %add3A_869 = arith.constant 80 : i32
        %add3A_870 = vector.broadcast %add3A_869 : i32 to vector<16xi32>
        %add3A_871 = arith.addi %add3A_535, %add3A_870 : vector<16xi32>
        tpu.vector_store_idx %arg8[%add3A_853, %shift_right_arithmetic3A_528, %add3A_871], %add3A_675 : memref<4x4x1024xf32, #tpu.memory_space<vmem>>[vector<16xi32>, vector<16xi32>, vector<16xi32>], vector<16xf32>,
        %add3A_872 = arith.constant 96 : i32
        %add3A_873 = vector.broadcast %add3A_872 : i32 to vector<16xi32>
        %add3A_874 = arith.addi %add3A_535, %add3A_873 : vector<16xi32>
        tpu.vector_store_idx %arg8[%add3A_853, %shift_right_arithmetic3A_528, %add3A_874], %add3A_683 : memref<4x4x1024xf32, #tpu.memory_space<vmem>>[vector<16xi32>, vector<16xi32>, vector<16xi32>], vector<16xf32>,
        %add3A_875 = arith.constant 112 : i32
        %add3A_876 = vector.broadcast %add3A_875 : i32 to vector<16xi32>
        %add3A_877 = arith.addi %add3A_535, %add3A_876 : vector<16xi32>
        tpu.vector_store_idx %arg8[%add3A_853, %shift_right_arithmetic3A_528, %add3A_877], %add3A_691 : memref<4x4x1024xf32, #tpu.memory_space<vmem>>[vector<16xi32>, vector<16xi32>, vector<16xi32>], vector<16xf32>,
        %broadcast_in_dim3A_878 = arith.constant 0 : i32
        %broadcast_in_dim3A_879 = vector.broadcast %broadcast_in_dim3A_878 : i32 to vector<16xi32>
        %add3A_880 = arith.constant 2 : i32
        %add3A_881 = vector.broadcast %add3A_880 : i32 to vector<16xi32>
        %add3A_882 = arith.addi %broadcast_in_dim3A_879, %add3A_881 : vector<16xi32>
        %add3A_883 = arith.constant 0 : i32
        %add3A_884 = vector.broadcast %add3A_883 : i32 to vector<16xi32>
        %add3A_885 = arith.addi %add3A_535, %add3A_884 : vector<16xi32>
        tpu.vector_store_idx %arg8[%add3A_882, %shift_right_arithmetic3A_528, %add3A_885], %add3A_699 : memref<4x4x1024xf32, #tpu.memory_space<vmem>>[vector<16xi32>, vector<16xi32>, vector<16xi32>], vector<16xf32>,
        %add3A_886 = arith.constant 16 : i32
        %add3A_887 = vector.broadcast %add3A_886 : i32 to vector<16xi32>
        %add3A_888 = arith.addi %add3A_535, %add3A_887 : vector<16xi32>
        tpu.vector_store_idx %arg8[%add3A_882, %shift_right_arithmetic3A_528, %add3A_888], %add3A_707 : memref<4x4x1024xf32, #tpu.memory_space<vmem>>[vector<16xi32>, vector<16xi32>, vector<16xi32>], vector<16xf32>,
        %add3A_889 = arith.constant 32 : i32
        %add3A_890 = vector.broadcast %add3A_889 : i32 to vector<16xi32>
        %add3A_891 = arith.addi %add3A_535, %add3A_890 : vector<16xi32>
        tpu.vector_store_idx %arg8[%add3A_882, %shift_right_arithmetic3A_528, %add3A_891], %add3A_715 : memref<4x4x1024xf32, #tpu.memory_space<vmem>>[vector<16xi32>, vector<16xi32>, vector<16xi32>], vector<16xf32>,
        %add3A_892 = arith.constant 48 : i32
        %add3A_893 = vector.broadcast %add3A_892 : i32 to vector<16xi32>
        %add3A_894 = arith.addi %add3A_535, %add3A_893 : vector<16xi32>
        tpu.vector_store_idx %arg8[%add3A_882, %shift_right_arithmetic3A_528, %add3A_894], %add3A_723 : memref<4x4x1024xf32, #tpu.memory_space<vmem>>[vector<16xi32>, vector<16xi32>, vector<16xi32>], vector<16xf32>,
        %add3A_895 = arith.constant 64 : i32
        %add3A_896 = vector.broadcast %add3A_895 : i32 to vector<16xi32>
        %add3A_897 = arith.addi %add3A_535, %add3A_896 : vector<16xi32>
        tpu.vector_store_idx %arg8[%add3A_882, %shift_right_arithmetic3A_528, %add3A_897], %add3A_731 : memref<4x4x1024xf32, #tpu.memory_space<vmem>>[vector<16xi32>, vector<16xi32>, vector<16xi32>], vector<16xf32>,
        %add3A_898 = arith.constant 80 : i32
        %add3A_899 = vector.broadcast %add3A_898 : i32 to vector<16xi32>
        %add3A_900 = arith.addi %add3A_535, %add3A_899 : vector<16xi32>
        tpu.vector_store_idx %arg8[%add3A_882, %shift_right_arithmetic3A_528, %add3A_900], %add3A_739 : memref<4x4x1024xf32, #tpu.memory_space<vmem>>[vector<16xi32>, vector<16xi32>, vector<16xi32>], vector<16xf32>,
        %add3A_901 = arith.constant 96 : i32
        %add3A_902 = vector.broadcast %add3A_901 : i32 to vector<16xi32>
        %add3A_903 = arith.addi %add3A_535, %add3A_902 : vector<16xi32>
        tpu.vector_store_idx %arg8[%add3A_882, %shift_right_arithmetic3A_528, %add3A_903], %add3A_747 : memref<4x4x1024xf32, #tpu.memory_space<vmem>>[vector<16xi32>, vector<16xi32>, vector<16xi32>], vector<16xf32>,
        %add3A_904 = arith.constant 112 : i32
        %add3A_905 = vector.broadcast %add3A_904 : i32 to vector<16xi32>
        %add3A_906 = arith.addi %add3A_535, %add3A_905 : vector<16xi32>
        tpu.vector_store_idx %arg8[%add3A_882, %shift_right_arithmetic3A_528, %add3A_906], %add3A_755 : memref<4x4x1024xf32, #tpu.memory_space<vmem>>[vector<16xi32>, vector<16xi32>, vector<16xi32>], vector<16xf32>,
        %broadcast_in_dim3A_907 = arith.constant 0 : i32
        %broadcast_in_dim3A_908 = vector.broadcast %broadcast_in_dim3A_907 : i32 to vector<16xi32>
        %add3A_909 = arith.constant 3 : i32
        %add3A_910 = vector.broadcast %add3A_909 : i32 to vector<16xi32>
        %add3A_911 = arith.addi %broadcast_in_dim3A_908, %add3A_910 : vector<16xi32>
        %add3A_912 = arith.constant 0 : i32
        %add3A_913 = vector.broadcast %add3A_912 : i32 to vector<16xi32>
        %add3A_914 = arith.addi %add3A_535, %add3A_913 : vector<16xi32>
        tpu.vector_store_idx %arg8[%add3A_911, %shift_right_arithmetic3A_528, %add3A_914], %add3A_763 : memref<4x4x1024xf32, #tpu.memory_space<vmem>>[vector<16xi32>, vector<16xi32>, vector<16xi32>], vector<16xf32>,
        %add3A_915 = arith.constant 16 : i32
        %add3A_916 = vector.broadcast %add3A_915 : i32 to vector<16xi32>
        %add3A_917 = arith.addi %add3A_535, %add3A_916 : vector<16xi32>
        tpu.vector_store_idx %arg8[%add3A_911, %shift_right_arithmetic3A_528, %add3A_917], %add3A_771 : memref<4x4x1024xf32, #tpu.memory_space<vmem>>[vector<16xi32>, vector<16xi32>, vector<16xi32>], vector<16xf32>,
        %add3A_918 = arith.constant 32 : i32
        %add3A_919 = vector.broadcast %add3A_918 : i32 to vector<16xi32>
        %add3A_920 = arith.addi %add3A_535, %add3A_919 : vector<16xi32>
        tpu.vector_store_idx %arg8[%add3A_911, %shift_right_arithmetic3A_528, %add3A_920], %add3A_779 : memref<4x4x1024xf32, #tpu.memory_space<vmem>>[vector<16xi32>, vector<16xi32>, vector<16xi32>], vector<16xf32>,
        %add3A_921 = arith.constant 48 : i32
        %add3A_922 = vector.broadcast %add3A_921 : i32 to vector<16xi32>
        %add3A_923 = arith.addi %add3A_535, %add3A_922 : vector<16xi32>
        tpu.vector_store_idx %arg8[%add3A_911, %shift_right_arithmetic3A_528, %add3A_923], %add3A_787 : memref<4x4x1024xf32, #tpu.memory_space<vmem>>[vector<16xi32>, vector<16xi32>, vector<16xi32>], vector<16xf32>,
        %add3A_924 = arith.constant 64 : i32
        %add3A_925 = vector.broadcast %add3A_924 : i32 to vector<16xi32>
        %add3A_926 = arith.addi %add3A_535, %add3A_925 : vector<16xi32>
        tpu.vector_store_idx %arg8[%add3A_911, %shift_right_arithmetic3A_528, %add3A_926], %add3A_795 : memref<4x4x1024xf32, #tpu.memory_space<vmem>>[vector<16xi32>, vector<16xi32>, vector<16xi32>], vector<16xf32>,
        %add3A_927 = arith.constant 80 : i32
        %add3A_928 = vector.broadcast %add3A_927 : i32 to vector<16xi32>
        %add3A_929 = arith.addi %add3A_535, %add3A_928 : vector<16xi32>
        tpu.vector_store_idx %arg8[%add3A_911, %shift_right_arithmetic3A_528, %add3A_929], %add3A_803 : memref<4x4x1024xf32, #tpu.memory_space<vmem>>[vector<16xi32>, vector<16xi32>, vector<16xi32>], vector<16xf32>,
        %add3A_930 = arith.constant 96 : i32
        %add3A_931 = vector.broadcast %add3A_930 : i32 to vector<16xi32>
        %add3A_932 = arith.addi %add3A_535, %add3A_931 : vector<16xi32>
        tpu.vector_store_idx %arg8[%add3A_911, %shift_right_arithmetic3A_528, %add3A_932], %add3A_811 : memref<4x4x1024xf32, #tpu.memory_space<vmem>>[vector<16xi32>, vector<16xi32>, vector<16xi32>], vector<16xf32>,
        %add3A_933 = arith.constant 112 : i32
        %add3A_934 = vector.broadcast %add3A_933 : i32 to vector<16xi32>
        %add3A_935 = arith.addi %add3A_535, %add3A_934 : vector<16xi32>
        tpu.vector_store_idx %arg8[%add3A_911, %shift_right_arithmetic3A_528, %add3A_935], %add3A_819 : memref<4x4x1024xf32, #tpu.memory_space<vmem>>[vector<16xi32>, vector<16xi32>, vector<16xi32>], vector<16xf32>,
        %mul3A_936 = arith.constant 4 : i32
        %mul3A_937 = arith.muli %scan3A_95, %mul3A_936 : i32
        %add3A_938 = arith.constant 2 : i32
        %add3A_939 = arith.addi %mul3A_937, %add3A_938 : i32
        %broadcast_in_dim3A_940 = arith.constant 0 : i32
        %broadcast_in_dim3A_941 = vector.broadcast %broadcast_in_dim3A_940 : i32 to vector<16xi32>
        %add3A_942 = vector.broadcast %add3A_939 : i32 to vector<16xi32>
        %add3A_943 = arith.addi %broadcast_in_dim3A_941, %add3A_942 : vector<16xi32>
        %add3A_944 = arith.addi %add3A_943, %iota3A : vector<16xi32>
        %and3A_945 = arith.constant 31 : i32
        %and3A_946 = vector.broadcast %and3A_945 : i32 to vector<16xi32>
        %and3A_947 = arith.andi %add3A_944, %and3A_946 : vector<16xi32>
        %shift_right_arithmetic3A_948 = arith.constant 3 : i32
        %shift_right_arithmetic3A_949 = vector.broadcast %shift_right_arithmetic3A_948 : i32 to vector<16xi32>
        %shift_right_arithmetic3A_950 = arith.shrsi %and3A_947, %shift_right_arithmetic3A_949 : vector<16xi32>
        %and3A_951 = arith.constant 7 : i32
        %and3A_952 = vector.broadcast %and3A_951 : i32 to vector<16xi32>
        %and3A_953 = arith.andi %and3A_947, %and3A_952 : vector<16xi32>
        %mul3A_954 = arith.constant 128 : i32
        %mul3A_955 = vector.broadcast %mul3A_954 : i32 to vector<16xi32>
        %mul3A_956 = arith.muli %and3A_953, %mul3A_955 : vector<16xi32>
        %add3A_957 = arith.addi %mul3A_956, %iota3A : vector<16xi32>
        %add3A_958 = arith.constant 0 : i32
        %add3A_959 = arith.addi %mul3A_8, %add3A_958 : i32
        %mul3A_960 = arith.constant 32 : i32
        %mul3A_961 = arith.muli %add3A_959, %mul3A_960 : i32
        %add3A_962 = vector.broadcast %mul3A_961 : i32 to vector<16xi32>
        %add3A_963 = arith.addi %add3A_962, %and3A_947 : vector<16xi32>
        %gather3A_964 = tpu.vector_load_idx %arg9[%add3A_963] : memref<6400xf32, #tpu.memory_space<vmem>>[vector<16xi32>], vector<16xf32>,
        %add3A_965 = arith.constant 1 : i32
        %add3A_966 = arith.addi %mul3A_8, %add3A_965 : i32
        %mul3A_967 = arith.constant 32 : i32
        %mul3A_968 = arith.muli %add3A_966, %mul3A_967 : i32
        %add3A_969 = vector.broadcast %mul3A_968 : i32 to vector<16xi32>
        %add3A_970 = arith.addi %add3A_969, %and3A_947 : vector<16xi32>
        %gather3A_971 = tpu.vector_load_idx %arg9[%add3A_970] : memref<6400xf32, #tpu.memory_space<vmem>>[vector<16xi32>], vector<16xf32>,
        %add3A_972 = arith.constant 2 : i32
        %add3A_973 = arith.addi %mul3A_8, %add3A_972 : i32
        %mul3A_974 = arith.constant 32 : i32
        %mul3A_975 = arith.muli %add3A_973, %mul3A_974 : i32
        %add3A_976 = vector.broadcast %mul3A_975 : i32 to vector<16xi32>
        %add3A_977 = arith.addi %add3A_976, %and3A_947 : vector<16xi32>
        %gather3A_978 = tpu.vector_load_idx %arg9[%add3A_977] : memref<6400xf32, #tpu.memory_space<vmem>>[vector<16xi32>], vector<16xf32>,
        %add3A_979 = arith.constant 3 : i32
        %add3A_980 = arith.addi %mul3A_8, %add3A_979 : i32
        %mul3A_981 = arith.constant 32 : i32
        %mul3A_982 = arith.muli %add3A_980, %mul3A_981 : i32
        %add3A_983 = vector.broadcast %mul3A_982 : i32 to vector<16xi32>
        %add3A_984 = arith.addi %add3A_983, %and3A_947 : vector<16xi32>
        %gather3A_985 = tpu.vector_load_idx %arg9[%add3A_984] : memref<6400xf32, #tpu.memory_space<vmem>>[vector<16xi32>], vector<16xf32>,
        %add3A_986 = arith.constant 0 : i32
        %add3A_987 = vector.broadcast %add3A_986 : i32 to vector<16xi32>
        %add3A_988 = arith.addi %iota3A, %add3A_987 : vector<16xi32>
        %gather3A_989 = tpu.vector_load_idx %arg7[%add3A_988, %and3A_947] : memref<512x32xf32, #tpu.memory_space<vmem>>[vector<16xi32>, vector<16xi32>], vector<16xf32>,
        %mul3A_990 = arith.constant 5.65685415 : f32
        %mul3A_991 = vector.broadcast %mul3A_990 : f32 to vector<16xf32>
        %mul3A_992 = arith.mulf %gather3A_989, %mul3A_991 : vector<16xf32>
        %add3A_993 = arith.addf %mul3A_992, %gather3A_964 : vector<16xf32>
        %add3A_994 = arith.constant 16 : i32
        %add3A_995 = vector.broadcast %add3A_994 : i32 to vector<16xi32>
        %add3A_996 = arith.addi %iota3A, %add3A_995 : vector<16xi32>
        %gather3A_997 = tpu.vector_load_idx %arg7[%add3A_996, %and3A_947] : memref<512x32xf32, #tpu.memory_space<vmem>>[vector<16xi32>, vector<16xi32>], vector<16xf32>,
        %mul3A_998 = arith.constant 5.65685415 : f32
        %mul3A_999 = vector.broadcast %mul3A_998 : f32 to vector<16xf32>
        %mul3A_1000 = arith.mulf %gather3A_997, %mul3A_999 : vector<16xf32>
        %add3A_1001 = arith.addf %mul3A_1000, %gather3A_964 : vector<16xf32>
        %add3A_1002 = arith.constant 32 : i32
        %add3A_1003 = vector.broadcast %add3A_1002 : i32 to vector<16xi32>
        %add3A_1004 = arith.addi %iota3A, %add3A_1003 : vector<16xi32>
        %gather3A_1005 = tpu.vector_load_idx %arg7[%add3A_1004, %and3A_947] : memref<512x32xf32, #tpu.memory_space<vmem>>[vector<16xi32>, vector<16xi32>], vector<16xf32>,
        %mul3A_1006 = arith.constant 5.65685415 : f32
        %mul3A_1007 = vector.broadcast %mul3A_1006 : f32 to vector<16xf32>
        %mul3A_1008 = arith.mulf %gather3A_1005, %mul3A_1007 : vector<16xf32>
        %add3A_1009 = arith.addf %mul3A_1008, %gather3A_964 : vector<16xf32>
        %add3A_1010 = arith.constant 48 : i32
        %add3A_1011 = vector.broadcast %add3A_1010 : i32 to vector<16xi32>
        %add3A_1012 = arith.addi %iota3A, %add3A_1011 : vector<16xi32>
        %gather3A_1013 = tpu.vector_load_idx %arg7[%add3A_1012, %and3A_947] : memref<512x32xf32, #tpu.memory_space<vmem>>[vector<16xi32>, vector<16xi32>], vector<16xf32>,
        %mul3A_1014 = arith.constant 5.65685415 : f32
        %mul3A_1015 = vector.broadcast %mul3A_1014 : f32 to vector<16xf32>
        %mul3A_1016 = arith.mulf %gather3A_1013, %mul3A_1015 : vector<16xf32>
        %add3A_1017 = arith.addf %mul3A_1016, %gather3A_964 : vector<16xf32>
        %add3A_1018 = arith.constant 64 : i32
        %add3A_1019 = vector.broadcast %add3A_1018 : i32 to vector<16xi32>
        %add3A_1020 = arith.addi %iota3A, %add3A_1019 : vector<16xi32>
        %gather3A_1021 = tpu.vector_load_idx %arg7[%add3A_1020, %and3A_947] : memref<512x32xf32, #tpu.memory_space<vmem>>[vector<16xi32>, vector<16xi32>], vector<16xf32>,
        %mul3A_1022 = arith.constant 5.65685415 : f32
        %mul3A_1023 = vector.broadcast %mul3A_1022 : f32 to vector<16xf32>
        %mul3A_1024 = arith.mulf %gather3A_1021, %mul3A_1023 : vector<16xf32>
        %add3A_1025 = arith.addf %mul3A_1024, %gather3A_964 : vector<16xf32>
        %add3A_1026 = arith.constant 80 : i32
        %add3A_1027 = vector.broadcast %add3A_1026 : i32 to vector<16xi32>
        %add3A_1028 = arith.addi %iota3A, %add3A_1027 : vector<16xi32>
        %gather3A_1029 = tpu.vector_load_idx %arg7[%add3A_1028, %and3A_947] : memref<512x32xf32, #tpu.memory_space<vmem>>[vector<16xi32>, vector<16xi32>], vector<16xf32>,
        %mul3A_1030 = arith.constant 5.65685415 : f32
        %mul3A_1031 = vector.broadcast %mul3A_1030 : f32 to vector<16xf32>
        %mul3A_1032 = arith.mulf %gather3A_1029, %mul3A_1031 : vector<16xf32>
        %add3A_1033 = arith.addf %mul3A_1032, %gather3A_964 : vector<16xf32>
        %add3A_1034 = arith.constant 96 : i32
        %add3A_1035 = vector.broadcast %add3A_1034 : i32 to vector<16xi32>
        %add3A_1036 = arith.addi %iota3A, %add3A_1035 : vector<16xi32>
        %gather3A_1037 = tpu.vector_load_idx %arg7[%add3A_1036, %and3A_947] : memref<512x32xf32, #tpu.memory_space<vmem>>[vector<16xi32>, vector<16xi32>], vector<16xf32>,
        %mul3A_1038 = arith.constant 5.65685415 : f32
        %mul3A_1039 = vector.broadcast %mul3A_1038 : f32 to vector<16xf32>
        %mul3A_1040 = arith.mulf %gather3A_1037, %mul3A_1039 : vector<16xf32>
        %add3A_1041 = arith.addf %mul3A_1040, %gather3A_964 : vector<16xf32>
        %add3A_1042 = arith.constant 112 : i32
        %add3A_1043 = vector.broadcast %add3A_1042 : i32 to vector<16xi32>
        %add3A_1044 = arith.addi %iota3A, %add3A_1043 : vector<16xi32>
        %gather3A_1045 = tpu.vector_load_idx %arg7[%add3A_1044, %and3A_947] : memref<512x32xf32, #tpu.memory_space<vmem>>[vector<16xi32>, vector<16xi32>], vector<16xf32>,
        %mul3A_1046 = arith.constant 5.65685415 : f32
        %mul3A_1047 = vector.broadcast %mul3A_1046 : f32 to vector<16xf32>
        %mul3A_1048 = arith.mulf %gather3A_1045, %mul3A_1047 : vector<16xf32>
        %add3A_1049 = arith.addf %mul3A_1048, %gather3A_964 : vector<16xf32>
        %add3A_1050 = arith.constant 128 : i32
        %add3A_1051 = vector.broadcast %add3A_1050 : i32 to vector<16xi32>
        %add3A_1052 = arith.addi %iota3A, %add3A_1051 : vector<16xi32>
        %gather3A_1053 = tpu.vector_load_idx %arg7[%add3A_1052, %and3A_947] : memref<512x32xf32, #tpu.memory_space<vmem>>[vector<16xi32>, vector<16xi32>], vector<16xf32>,
        %mul3A_1054 = arith.constant 5.65685415 : f32
        %mul3A_1055 = vector.broadcast %mul3A_1054 : f32 to vector<16xf32>
        %mul3A_1056 = arith.mulf %gather3A_1053, %mul3A_1055 : vector<16xf32>
        %add3A_1057 = arith.addf %mul3A_1056, %gather3A_971 : vector<16xf32>
        %add3A_1058 = arith.constant 144 : i32
        %add3A_1059 = vector.broadcast %add3A_1058 : i32 to vector<16xi32>
        %add3A_1060 = arith.addi %iota3A, %add3A_1059 : vector<16xi32>
        %gather3A_1061 = tpu.vector_load_idx %arg7[%add3A_1060, %and3A_947] : memref<512x32xf32, #tpu.memory_space<vmem>>[vector<16xi32>, vector<16xi32>], vector<16xf32>,
        %mul3A_1062 = arith.constant 5.65685415 : f32
        %mul3A_1063 = vector.broadcast %mul3A_1062 : f32 to vector<16xf32>
        %mul3A_1064 = arith.mulf %gather3A_1061, %mul3A_1063 : vector<16xf32>
        %add3A_1065 = arith.addf %mul3A_1064, %gather3A_971 : vector<16xf32>
        %add3A_1066 = arith.constant 160 : i32
        %add3A_1067 = vector.broadcast %add3A_1066 : i32 to vector<16xi32>
        %add3A_1068 = arith.addi %iota3A, %add3A_1067 : vector<16xi32>
        %gather3A_1069 = tpu.vector_load_idx %arg7[%add3A_1068, %and3A_947] : memref<512x32xf32, #tpu.memory_space<vmem>>[vector<16xi32>, vector<16xi32>], vector<16xf32>,
        %mul3A_1070 = arith.constant 5.65685415 : f32
        %mul3A_1071 = vector.broadcast %mul3A_1070 : f32 to vector<16xf32>
        %mul3A_1072 = arith.mulf %gather3A_1069, %mul3A_1071 : vector<16xf32>
        %add3A_1073 = arith.addf %mul3A_1072, %gather3A_971 : vector<16xf32>
        %add3A_1074 = arith.constant 176 : i32
        %add3A_1075 = vector.broadcast %add3A_1074 : i32 to vector<16xi32>
        %add3A_1076 = arith.addi %iota3A, %add3A_1075 : vector<16xi32>
        %gather3A_1077 = tpu.vector_load_idx %arg7[%add3A_1076, %and3A_947] : memref<512x32xf32, #tpu.memory_space<vmem>>[vector<16xi32>, vector<16xi32>], vector<16xf32>,
        %mul3A_1078 = arith.constant 5.65685415 : f32
        %mul3A_1079 = vector.broadcast %mul3A_1078 : f32 to vector<16xf32>
        %mul3A_1080 = arith.mulf %gather3A_1077, %mul3A_1079 : vector<16xf32>
        %add3A_1081 = arith.addf %mul3A_1080, %gather3A_971 : vector<16xf32>
        %add3A_1082 = arith.constant 192 : i32
        %add3A_1083 = vector.broadcast %add3A_1082 : i32 to vector<16xi32>
        %add3A_1084 = arith.addi %iota3A, %add3A_1083 : vector<16xi32>
        %gather3A_1085 = tpu.vector_load_idx %arg7[%add3A_1084, %and3A_947] : memref<512x32xf32, #tpu.memory_space<vmem>>[vector<16xi32>, vector<16xi32>], vector<16xf32>,
        %mul3A_1086 = arith.constant 5.65685415 : f32
        %mul3A_1087 = vector.broadcast %mul3A_1086 : f32 to vector<16xf32>
        %mul3A_1088 = arith.mulf %gather3A_1085, %mul3A_1087 : vector<16xf32>
        %add3A_1089 = arith.addf %mul3A_1088, %gather3A_971 : vector<16xf32>
        %add3A_1090 = arith.constant 208 : i32
        %add3A_1091 = vector.broadcast %add3A_1090 : i32 to vector<16xi32>
        %add3A_1092 = arith.addi %iota3A, %add3A_1091 : vector<16xi32>
        %gather3A_1093 = tpu.vector_load_idx %arg7[%add3A_1092, %and3A_947] : memref<512x32xf32, #tpu.memory_space<vmem>>[vector<16xi32>, vector<16xi32>], vector<16xf32>,
        %mul3A_1094 = arith.constant 5.65685415 : f32
        %mul3A_1095 = vector.broadcast %mul3A_1094 : f32 to vector<16xf32>
        %mul3A_1096 = arith.mulf %gather3A_1093, %mul3A_1095 : vector<16xf32>
        %add3A_1097 = arith.addf %mul3A_1096, %gather3A_971 : vector<16xf32>
        %add3A_1098 = arith.constant 224 : i32
        %add3A_1099 = vector.broadcast %add3A_1098 : i32 to vector<16xi32>
        %add3A_1100 = arith.addi %iota3A, %add3A_1099 : vector<16xi32>
        %gather3A_1101 = tpu.vector_load_idx %arg7[%add3A_1100, %and3A_947] : memref<512x32xf32, #tpu.memory_space<vmem>>[vector<16xi32>, vector<16xi32>], vector<16xf32>,
        %mul3A_1102 = arith.constant 5.65685415 : f32
        %mul3A_1103 = vector.broadcast %mul3A_1102 : f32 to vector<16xf32>
        %mul3A_1104 = arith.mulf %gather3A_1101, %mul3A_1103 : vector<16xf32>
        %add3A_1105 = arith.addf %mul3A_1104, %gather3A_971 : vector<16xf32>
        %add3A_1106 = arith.constant 240 : i32
        %add3A_1107 = vector.broadcast %add3A_1106 : i32 to vector<16xi32>
        %add3A_1108 = arith.addi %iota3A, %add3A_1107 : vector<16xi32>
        %gather3A_1109 = tpu.vector_load_idx %arg7[%add3A_1108, %and3A_947] : memref<512x32xf32, #tpu.memory_space<vmem>>[vector<16xi32>, vector<16xi32>], vector<16xf32>,
        %mul3A_1110 = arith.constant 5.65685415 : f32
        %mul3A_1111 = vector.broadcast %mul3A_1110 : f32 to vector<16xf32>
        %mul3A_1112 = arith.mulf %gather3A_1109, %mul3A_1111 : vector<16xf32>
        %add3A_1113 = arith.addf %mul3A_1112, %gather3A_971 : vector<16xf32>
        %add3A_1114 = arith.constant 256 : i32
        %add3A_1115 = vector.broadcast %add3A_1114 : i32 to vector<16xi32>
        %add3A_1116 = arith.addi %iota3A, %add3A_1115 : vector<16xi32>
        %gather3A_1117 = tpu.vector_load_idx %arg7[%add3A_1116, %and3A_947] : memref<512x32xf32, #tpu.memory_space<vmem>>[vector<16xi32>, vector<16xi32>], vector<16xf32>,
        %mul3A_1118 = arith.constant 5.65685415 : f32
        %mul3A_1119 = vector.broadcast %mul3A_1118 : f32 to vector<16xf32>
        %mul3A_1120 = arith.mulf %gather3A_1117, %mul3A_1119 : vector<16xf32>
        %add3A_1121 = arith.addf %mul3A_1120, %gather3A_978 : vector<16xf32>
        %add3A_1122 = arith.constant 272 : i32
        %add3A_1123 = vector.broadcast %add3A_1122 : i32 to vector<16xi32>
        %add3A_1124 = arith.addi %iota3A, %add3A_1123 : vector<16xi32>
        %gather3A_1125 = tpu.vector_load_idx %arg7[%add3A_1124, %and3A_947] : memref<512x32xf32, #tpu.memory_space<vmem>>[vector<16xi32>, vector<16xi32>], vector<16xf32>,
        %mul3A_1126 = arith.constant 5.65685415 : f32
        %mul3A_1127 = vector.broadcast %mul3A_1126 : f32 to vector<16xf32>
        %mul3A_1128 = arith.mulf %gather3A_1125, %mul3A_1127 : vector<16xf32>
        %add3A_1129 = arith.addf %mul3A_1128, %gather3A_978 : vector<16xf32>
        %add3A_1130 = arith.constant 288 : i32
        %add3A_1131 = vector.broadcast %add3A_1130 : i32 to vector<16xi32>
        %add3A_1132 = arith.addi %iota3A, %add3A_1131 : vector<16xi32>
        %gather3A_1133 = tpu.vector_load_idx %arg7[%add3A_1132, %and3A_947] : memref<512x32xf32, #tpu.memory_space<vmem>>[vector<16xi32>, vector<16xi32>], vector<16xf32>,
        %mul3A_1134 = arith.constant 5.65685415 : f32
        %mul3A_1135 = vector.broadcast %mul3A_1134 : f32 to vector<16xf32>
        %mul3A_1136 = arith.mulf %gather3A_1133, %mul3A_1135 : vector<16xf32>
        %add3A_1137 = arith.addf %mul3A_1136, %gather3A_978 : vector<16xf32>
        %add3A_1138 = arith.constant 304 : i32
        %add3A_1139 = vector.broadcast %add3A_1138 : i32 to vector<16xi32>
        %add3A_1140 = arith.addi %iota3A, %add3A_1139 : vector<16xi32>
        %gather3A_1141 = tpu.vector_load_idx %arg7[%add3A_1140, %and3A_947] : memref<512x32xf32, #tpu.memory_space<vmem>>[vector<16xi32>, vector<16xi32>], vector<16xf32>,
        %mul3A_1142 = arith.constant 5.65685415 : f32
        %mul3A_1143 = vector.broadcast %mul3A_1142 : f32 to vector<16xf32>
        %mul3A_1144 = arith.mulf %gather3A_1141, %mul3A_1143 : vector<16xf32>
        %add3A_1145 = arith.addf %mul3A_1144, %gather3A_978 : vector<16xf32>
        %add3A_1146 = arith.constant 320 : i32
        %add3A_1147 = vector.broadcast %add3A_1146 : i32 to vector<16xi32>
        %add3A_1148 = arith.addi %iota3A, %add3A_1147 : vector<16xi32>
        %gather3A_1149 = tpu.vector_load_idx %arg7[%add3A_1148, %and3A_947] : memref<512x32xf32, #tpu.memory_space<vmem>>[vector<16xi32>, vector<16xi32>], vector<16xf32>,
        %mul3A_1150 = arith.constant 5.65685415 : f32
        %mul3A_1151 = vector.broadcast %mul3A_1150 : f32 to vector<16xf32>
        %mul3A_1152 = arith.mulf %gather3A_1149, %mul3A_1151 : vector<16xf32>
        %add3A_1153 = arith.addf %mul3A_1152, %gather3A_978 : vector<16xf32>
        %add3A_1154 = arith.constant 336 : i32
        %add3A_1155 = vector.broadcast %add3A_1154 : i32 to vector<16xi32>
        %add3A_1156 = arith.addi %iota3A, %add3A_1155 : vector<16xi32>
        %gather3A_1157 = tpu.vector_load_idx %arg7[%add3A_1156, %and3A_947] : memref<512x32xf32, #tpu.memory_space<vmem>>[vector<16xi32>, vector<16xi32>], vector<16xf32>,
        %mul3A_1158 = arith.constant 5.65685415 : f32
        %mul3A_1159 = vector.broadcast %mul3A_1158 : f32 to vector<16xf32>
        %mul3A_1160 = arith.mulf %gather3A_1157, %mul3A_1159 : vector<16xf32>
        %add3A_1161 = arith.addf %mul3A_1160, %gather3A_978 : vector<16xf32>
        %add3A_1162 = arith.constant 352 : i32
        %add3A_1163 = vector.broadcast %add3A_1162 : i32 to vector<16xi32>
        %add3A_1164 = arith.addi %iota3A, %add3A_1163 : vector<16xi32>
        %gather3A_1165 = tpu.vector_load_idx %arg7[%add3A_1164, %and3A_947] : memref<512x32xf32, #tpu.memory_space<vmem>>[vector<16xi32>, vector<16xi32>], vector<16xf32>,
        %mul3A_1166 = arith.constant 5.65685415 : f32
        %mul3A_1167 = vector.broadcast %mul3A_1166 : f32 to vector<16xf32>
        %mul3A_1168 = arith.mulf %gather3A_1165, %mul3A_1167 : vector<16xf32>
        %add3A_1169 = arith.addf %mul3A_1168, %gather3A_978 : vector<16xf32>
        %add3A_1170 = arith.constant 368 : i32
        %add3A_1171 = vector.broadcast %add3A_1170 : i32 to vector<16xi32>
        %add3A_1172 = arith.addi %iota3A, %add3A_1171 : vector<16xi32>
        %gather3A_1173 = tpu.vector_load_idx %arg7[%add3A_1172, %and3A_947] : memref<512x32xf32, #tpu.memory_space<vmem>>[vector<16xi32>, vector<16xi32>], vector<16xf32>,
        %mul3A_1174 = arith.constant 5.65685415 : f32
        %mul3A_1175 = vector.broadcast %mul3A_1174 : f32 to vector<16xf32>
        %mul3A_1176 = arith.mulf %gather3A_1173, %mul3A_1175 : vector<16xf32>
        %add3A_1177 = arith.addf %mul3A_1176, %gather3A_978 : vector<16xf32>
        %add3A_1178 = arith.constant 384 : i32
        %add3A_1179 = vector.broadcast %add3A_1178 : i32 to vector<16xi32>
        %add3A_1180 = arith.addi %iota3A, %add3A_1179 : vector<16xi32>
        %gather3A_1181 = tpu.vector_load_idx %arg7[%add3A_1180, %and3A_947] : memref<512x32xf32, #tpu.memory_space<vmem>>[vector<16xi32>, vector<16xi32>], vector<16xf32>,
        %mul3A_1182 = arith.constant 5.65685415 : f32
        %mul3A_1183 = vector.broadcast %mul3A_1182 : f32 to vector<16xf32>
        %mul3A_1184 = arith.mulf %gather3A_1181, %mul3A_1183 : vector<16xf32>
        %add3A_1185 = arith.addf %mul3A_1184, %gather3A_985 : vector<16xf32>
        %add3A_1186 = arith.constant 400 : i32
        %add3A_1187 = vector.broadcast %add3A_1186 : i32 to vector<16xi32>
        %add3A_1188 = arith.addi %iota3A, %add3A_1187 : vector<16xi32>
        %gather3A_1189 = tpu.vector_load_idx %arg7[%add3A_1188, %and3A_947] : memref<512x32xf32, #tpu.memory_space<vmem>>[vector<16xi32>, vector<16xi32>], vector<16xf32>,
        %mul3A_1190 = arith.constant 5.65685415 : f32
        %mul3A_1191 = vector.broadcast %mul3A_1190 : f32 to vector<16xf32>
        %mul3A_1192 = arith.mulf %gather3A_1189, %mul3A_1191 : vector<16xf32>
        %add3A_1193 = arith.addf %mul3A_1192, %gather3A_985 : vector<16xf32>
        %add3A_1194 = arith.constant 416 : i32
        %add3A_1195 = vector.broadcast %add3A_1194 : i32 to vector<16xi32>
        %add3A_1196 = arith.addi %iota3A, %add3A_1195 : vector<16xi32>
        %gather3A_1197 = tpu.vector_load_idx %arg7[%add3A_1196, %and3A_947] : memref<512x32xf32, #tpu.memory_space<vmem>>[vector<16xi32>, vector<16xi32>], vector<16xf32>,
        %mul3A_1198 = arith.constant 5.65685415 : f32
        %mul3A_1199 = vector.broadcast %mul3A_1198 : f32 to vector<16xf32>
        %mul3A_1200 = arith.mulf %gather3A_1197, %mul3A_1199 : vector<16xf32>
        %add3A_1201 = arith.addf %mul3A_1200, %gather3A_985 : vector<16xf32>
        %add3A_1202 = arith.constant 432 : i32
        %add3A_1203 = vector.broadcast %add3A_1202 : i32 to vector<16xi32>
        %add3A_1204 = arith.addi %iota3A, %add3A_1203 : vector<16xi32>
        %gather3A_1205 = tpu.vector_load_idx %arg7[%add3A_1204, %and3A_947] : memref<512x32xf32, #tpu.memory_space<vmem>>[vector<16xi32>, vector<16xi32>], vector<16xf32>,
        %mul3A_1206 = arith.constant 5.65685415 : f32
        %mul3A_1207 = vector.broadcast %mul3A_1206 : f32 to vector<16xf32>
        %mul3A_1208 = arith.mulf %gather3A_1205, %mul3A_1207 : vector<16xf32>
        %add3A_1209 = arith.addf %mul3A_1208, %gather3A_985 : vector<16xf32>
        %add3A_1210 = arith.constant 448 : i32
        %add3A_1211 = vector.broadcast %add3A_1210 : i32 to vector<16xi32>
        %add3A_1212 = arith.addi %iota3A, %add3A_1211 : vector<16xi32>
        %gather3A_1213 = tpu.vector_load_idx %arg7[%add3A_1212, %and3A_947] : memref<512x32xf32, #tpu.memory_space<vmem>>[vector<16xi32>, vector<16xi32>], vector<16xf32>,
        %mul3A_1214 = arith.constant 5.65685415 : f32
        %mul3A_1215 = vector.broadcast %mul3A_1214 : f32 to vector<16xf32>
        %mul3A_1216 = arith.mulf %gather3A_1213, %mul3A_1215 : vector<16xf32>
        %add3A_1217 = arith.addf %mul3A_1216, %gather3A_985 : vector<16xf32>
        %add3A_1218 = arith.constant 464 : i32
        %add3A_1219 = vector.broadcast %add3A_1218 : i32 to vector<16xi32>
        %add3A_1220 = arith.addi %iota3A, %add3A_1219 : vector<16xi32>
        %gather3A_1221 = tpu.vector_load_idx %arg7[%add3A_1220, %and3A_947] : memref<512x32xf32, #tpu.memory_space<vmem>>[vector<16xi32>, vector<16xi32>], vector<16xf32>,
        %mul3A_1222 = arith.constant 5.65685415 : f32
        %mul3A_1223 = vector.broadcast %mul3A_1222 : f32 to vector<16xf32>
        %mul3A_1224 = arith.mulf %gather3A_1221, %mul3A_1223 : vector<16xf32>
        %add3A_1225 = arith.addf %mul3A_1224, %gather3A_985 : vector<16xf32>
        %add3A_1226 = arith.constant 480 : i32
        %add3A_1227 = vector.broadcast %add3A_1226 : i32 to vector<16xi32>
        %add3A_1228 = arith.addi %iota3A, %add3A_1227 : vector<16xi32>
        %gather3A_1229 = tpu.vector_load_idx %arg7[%add3A_1228, %and3A_947] : memref<512x32xf32, #tpu.memory_space<vmem>>[vector<16xi32>, vector<16xi32>], vector<16xf32>,
        %mul3A_1230 = arith.constant 5.65685415 : f32
        %mul3A_1231 = vector.broadcast %mul3A_1230 : f32 to vector<16xf32>
        %mul3A_1232 = arith.mulf %gather3A_1229, %mul3A_1231 : vector<16xf32>
        %add3A_1233 = arith.addf %mul3A_1232, %gather3A_985 : vector<16xf32>
        %add3A_1234 = arith.constant 496 : i32
        %add3A_1235 = vector.broadcast %add3A_1234 : i32 to vector<16xi32>
        %add3A_1236 = arith.addi %iota3A, %add3A_1235 : vector<16xi32>
        %gather3A_1237 = tpu.vector_load_idx %arg7[%add3A_1236, %and3A_947] : memref<512x32xf32, #tpu.memory_space<vmem>>[vector<16xi32>, vector<16xi32>], vector<16xf32>,
        %mul3A_1238 = arith.constant 5.65685415 : f32
        %mul3A_1239 = vector.broadcast %mul3A_1238 : f32 to vector<16xf32>
        %mul3A_1240 = arith.mulf %gather3A_1237, %mul3A_1239 : vector<16xf32>
        %add3A_1241 = arith.addf %mul3A_1240, %gather3A_985 : vector<16xf32>
        %broadcast_in_dim3A_1242 = arith.constant 0 : i32
        %broadcast_in_dim3A_1243 = vector.broadcast %broadcast_in_dim3A_1242 : i32 to vector<16xi32>
        %add3A_1244 = arith.constant 0 : i32
        %add3A_1245 = vector.broadcast %add3A_1244 : i32 to vector<16xi32>
        %add3A_1246 = arith.addi %broadcast_in_dim3A_1243, %add3A_1245 : vector<16xi32>
        %add3A_1247 = arith.constant 0 : i32
        %add3A_1248 = vector.broadcast %add3A_1247 : i32 to vector<16xi32>
        %add3A_1249 = arith.addi %add3A_957, %add3A_1248 : vector<16xi32>
        tpu.vector_store_idx %arg8[%add3A_1246, %shift_right_arithmetic3A_950, %add3A_1249], %add3A_993 : memref<4x4x1024xf32, #tpu.memory_space<vmem>>[vector<16xi32>, vector<16xi32>, vector<16xi32>], vector<16xf32>,
        %add3A_1250 = arith.constant 16 : i32
        %add3A_1251 = vector.broadcast %add3A_1250 : i32 to vector<16xi32>
        %add3A_1252 = arith.addi %add3A_957, %add3A_1251 : vector<16xi32>
        tpu.vector_store_idx %arg8[%add3A_1246, %shift_right_arithmetic3A_950, %add3A_1252], %add3A_1001 : memref<4x4x1024xf32, #tpu.memory_space<vmem>>[vector<16xi32>, vector<16xi32>, vector<16xi32>], vector<16xf32>,
        %add3A_1253 = arith.constant 32 : i32
        %add3A_1254 = vector.broadcast %add3A_1253 : i32 to vector<16xi32>
        %add3A_1255 = arith.addi %add3A_957, %add3A_1254 : vector<16xi32>
        tpu.vector_store_idx %arg8[%add3A_1246, %shift_right_arithmetic3A_950, %add3A_1255], %add3A_1009 : memref<4x4x1024xf32, #tpu.memory_space<vmem>>[vector<16xi32>, vector<16xi32>, vector<16xi32>], vector<16xf32>,
        %add3A_1256 = arith.constant 48 : i32
        %add3A_1257 = vector.broadcast %add3A_1256 : i32 to vector<16xi32>
        %add3A_1258 = arith.addi %add3A_957, %add3A_1257 : vector<16xi32>
        tpu.vector_store_idx %arg8[%add3A_1246, %shift_right_arithmetic3A_950, %add3A_1258], %add3A_1017 : memref<4x4x1024xf32, #tpu.memory_space<vmem>>[vector<16xi32>, vector<16xi32>, vector<16xi32>], vector<16xf32>,
        %add3A_1259 = arith.constant 64 : i32
        %add3A_1260 = vector.broadcast %add3A_1259 : i32 to vector<16xi32>
        %add3A_1261 = arith.addi %add3A_957, %add3A_1260 : vector<16xi32>
        tpu.vector_store_idx %arg8[%add3A_1246, %shift_right_arithmetic3A_950, %add3A_1261], %add3A_1025 : memref<4x4x1024xf32, #tpu.memory_space<vmem>>[vector<16xi32>, vector<16xi32>, vector<16xi32>], vector<16xf32>,
        %add3A_1262 = arith.constant 80 : i32
        %add3A_1263 = vector.broadcast %add3A_1262 : i32 to vector<16xi32>
        %add3A_1264 = arith.addi %add3A_957, %add3A_1263 : vector<16xi32>
        tpu.vector_store_idx %arg8[%add3A_1246, %shift_right_arithmetic3A_950, %add3A_1264], %add3A_1033 : memref<4x4x1024xf32, #tpu.memory_space<vmem>>[vector<16xi32>, vector<16xi32>, vector<16xi32>], vector<16xf32>,
        %add3A_1265 = arith.constant 96 : i32
        %add3A_1266 = vector.broadcast %add3A_1265 : i32 to vector<16xi32>
        %add3A_1267 = arith.addi %add3A_957, %add3A_1266 : vector<16xi32>
        tpu.vector_store_idx %arg8[%add3A_1246, %shift_right_arithmetic3A_950, %add3A_1267], %add3A_1041 : memref<4x4x1024xf32, #tpu.memory_space<vmem>>[vector<16xi32>, vector<16xi32>, vector<16xi32>], vector<16xf32>,
        %add3A_1268 = arith.constant 112 : i32
        %add3A_1269 = vector.broadcast %add3A_1268 : i32 to vector<16xi32>
        %add3A_1270 = arith.addi %add3A_957, %add3A_1269 : vector<16xi32>
        tpu.vector_store_idx %arg8[%add3A_1246, %shift_right_arithmetic3A_950, %add3A_1270], %add3A_1049 : memref<4x4x1024xf32, #tpu.memory_space<vmem>>[vector<16xi32>, vector<16xi32>, vector<16xi32>], vector<16xf32>,
        %broadcast_in_dim3A_1271 = arith.constant 0 : i32
        %broadcast_in_dim3A_1272 = vector.broadcast %broadcast_in_dim3A_1271 : i32 to vector<16xi32>
        %add3A_1273 = arith.constant 1 : i32
        %add3A_1274 = vector.broadcast %add3A_1273 : i32 to vector<16xi32>
        %add3A_1275 = arith.addi %broadcast_in_dim3A_1272, %add3A_1274 : vector<16xi32>
        %add3A_1276 = arith.constant 0 : i32
        %add3A_1277 = vector.broadcast %add3A_1276 : i32 to vector<16xi32>
        %add3A_1278 = arith.addi %add3A_957, %add3A_1277 : vector<16xi32>
        tpu.vector_store_idx %arg8[%add3A_1275, %shift_right_arithmetic3A_950, %add3A_1278], %add3A_1057 : memref<4x4x1024xf32, #tpu.memory_space<vmem>>[vector<16xi32>, vector<16xi32>, vector<16xi32>], vector<16xf32>,
        %add3A_1279 = arith.constant 16 : i32
        %add3A_1280 = vector.broadcast %add3A_1279 : i32 to vector<16xi32>
        %add3A_1281 = arith.addi %add3A_957, %add3A_1280 : vector<16xi32>
        tpu.vector_store_idx %arg8[%add3A_1275, %shift_right_arithmetic3A_950, %add3A_1281], %add3A_1065 : memref<4x4x1024xf32, #tpu.memory_space<vmem>>[vector<16xi32>, vector<16xi32>, vector<16xi32>], vector<16xf32>,
        %add3A_1282 = arith.constant 32 : i32
        %add3A_1283 = vector.broadcast %add3A_1282 : i32 to vector<16xi32>
        %add3A_1284 = arith.addi %add3A_957, %add3A_1283 : vector<16xi32>
        tpu.vector_store_idx %arg8[%add3A_1275, %shift_right_arithmetic3A_950, %add3A_1284], %add3A_1073 : memref<4x4x1024xf32, #tpu.memory_space<vmem>>[vector<16xi32>, vector<16xi32>, vector<16xi32>], vector<16xf32>,
        %add3A_1285 = arith.constant 48 : i32
        %add3A_1286 = vector.broadcast %add3A_1285 : i32 to vector<16xi32>
        %add3A_1287 = arith.addi %add3A_957, %add3A_1286 : vector<16xi32>
        tpu.vector_store_idx %arg8[%add3A_1275, %shift_right_arithmetic3A_950, %add3A_1287], %add3A_1081 : memref<4x4x1024xf32, #tpu.memory_space<vmem>>[vector<16xi32>, vector<16xi32>, vector<16xi32>], vector<16xf32>,
        %add3A_1288 = arith.constant 64 : i32
        %add3A_1289 = vector.broadcast %add3A_1288 : i32 to vector<16xi32>
        %add3A_1290 = arith.addi %add3A_957, %add3A_1289 : vector<16xi32>
        tpu.vector_store_idx %arg8[%add3A_1275, %shift_right_arithmetic3A_950, %add3A_1290], %add3A_1089 : memref<4x4x1024xf32, #tpu.memory_space<vmem>>[vector<16xi32>, vector<16xi32>, vector<16xi32>], vector<16xf32>,
        %add3A_1291 = arith.constant 80 : i32
        %add3A_1292 = vector.broadcast %add3A_1291 : i32 to vector<16xi32>
        %add3A_1293 = arith.addi %add3A_957, %add3A_1292 : vector<16xi32>
        tpu.vector_store_idx %arg8[%add3A_1275, %shift_right_arithmetic3A_950, %add3A_1293], %add3A_1097 : memref<4x4x1024xf32, #tpu.memory_space<vmem>>[vector<16xi32>, vector<16xi32>, vector<16xi32>], vector<16xf32>,
        %add3A_1294 = arith.constant 96 : i32
        %add3A_1295 = vector.broadcast %add3A_1294 : i32 to vector<16xi32>
        %add3A_1296 = arith.addi %add3A_957, %add3A_1295 : vector<16xi32>
        tpu.vector_store_idx %arg8[%add3A_1275, %shift_right_arithmetic3A_950, %add3A_1296], %add3A_1105 : memref<4x4x1024xf32, #tpu.memory_space<vmem>>[vector<16xi32>, vector<16xi32>, vector<16xi32>], vector<16xf32>,
        %add3A_1297 = arith.constant 112 : i32
        %add3A_1298 = vector.broadcast %add3A_1297 : i32 to vector<16xi32>
        %add3A_1299 = arith.addi %add3A_957, %add3A_1298 : vector<16xi32>
        tpu.vector_store_idx %arg8[%add3A_1275, %shift_right_arithmetic3A_950, %add3A_1299], %add3A_1113 : memref<4x4x1024xf32, #tpu.memory_space<vmem>>[vector<16xi32>, vector<16xi32>, vector<16xi32>], vector<16xf32>,
        %broadcast_in_dim3A_1300 = arith.constant 0 : i32
        %broadcast_in_dim3A_1301 = vector.broadcast %broadcast_in_dim3A_1300 : i32 to vector<16xi32>
        %add3A_1302 = arith.constant 2 : i32
        %add3A_1303 = vector.broadcast %add3A_1302 : i32 to vector<16xi32>
        %add3A_1304 = arith.addi %broadcast_in_dim3A_1301, %add3A_1303 : vector<16xi32>
        %add3A_1305 = arith.constant 0 : i32
        %add3A_1306 = vector.broadcast %add3A_1305 : i32 to vector<16xi32>
        %add3A_1307 = arith.addi %add3A_957, %add3A_1306 : vector<16xi32>
        tpu.vector_store_idx %arg8[%add3A_1304, %shift_right_arithmetic3A_950, %add3A_1307], %add3A_1121 : memref<4x4x1024xf32, #tpu.memory_space<vmem>>[vector<16xi32>, vector<16xi32>, vector<16xi32>], vector<16xf32>,
        %add3A_1308 = arith.constant 16 : i32
        %add3A_1309 = vector.broadcast %add3A_1308 : i32 to vector<16xi32>
        %add3A_1310 = arith.addi %add3A_957, %add3A_1309 : vector<16xi32>
        tpu.vector_store_idx %arg8[%add3A_1304, %shift_right_arithmetic3A_950, %add3A_1310], %add3A_1129 : memref<4x4x1024xf32, #tpu.memory_space<vmem>>[vector<16xi32>, vector<16xi32>, vector<16xi32>], vector<16xf32>,
        %add3A_1311 = arith.constant 32 : i32
        %add3A_1312 = vector.broadcast %add3A_1311 : i32 to vector<16xi32>
        %add3A_1313 = arith.addi %add3A_957, %add3A_1312 : vector<16xi32>
        tpu.vector_store_idx %arg8[%add3A_1304, %shift_right_arithmetic3A_950, %add3A_1313], %add3A_1137 : memref<4x4x1024xf32, #tpu.memory_space<vmem>>[vector<16xi32>, vector<16xi32>, vector<16xi32>], vector<16xf32>,
        %add3A_1314 = arith.constant 48 : i32
        %add3A_1315 = vector.broadcast %add3A_1314 : i32 to vector<16xi32>
        %add3A_1316 = arith.addi %add3A_957, %add3A_1315 : vector<16xi32>
        tpu.vector_store_idx %arg8[%add3A_1304, %shift_right_arithmetic3A_950, %add3A_1316], %add3A_1145 : memref<4x4x1024xf32, #tpu.memory_space<vmem>>[vector<16xi32>, vector<16xi32>, vector<16xi32>], vector<16xf32>,
        %add3A_1317 = arith.constant 64 : i32
        %add3A_1318 = vector.broadcast %add3A_1317 : i32 to vector<16xi32>
        %add3A_1319 = arith.addi %add3A_957, %add3A_1318 : vector<16xi32>
        tpu.vector_store_idx %arg8[%add3A_1304, %shift_right_arithmetic3A_950, %add3A_1319], %add3A_1153 : memref<4x4x1024xf32, #tpu.memory_space<vmem>>[vector<16xi32>, vector<16xi32>, vector<16xi32>], vector<16xf32>,
        %add3A_1320 = arith.constant 80 : i32
        %add3A_1321 = vector.broadcast %add3A_1320 : i32 to vector<16xi32>
        %add3A_1322 = arith.addi %add3A_957, %add3A_1321 : vector<16xi32>
        tpu.vector_store_idx %arg8[%add3A_1304, %shift_right_arithmetic3A_950, %add3A_1322], %add3A_1161 : memref<4x4x1024xf32, #tpu.memory_space<vmem>>[vector<16xi32>, vector<16xi32>, vector<16xi32>], vector<16xf32>,
        %add3A_1323 = arith.constant 96 : i32
        %add3A_1324 = vector.broadcast %add3A_1323 : i32 to vector<16xi32>
        %add3A_1325 = arith.addi %add3A_957, %add3A_1324 : vector<16xi32>
        tpu.vector_store_idx %arg8[%add3A_1304, %shift_right_arithmetic3A_950, %add3A_1325], %add3A_1169 : memref<4x4x1024xf32, #tpu.memory_space<vmem>>[vector<16xi32>, vector<16xi32>, vector<16xi32>], vector<16xf32>,
        %add3A_1326 = arith.constant 112 : i32
        %add3A_1327 = vector.broadcast %add3A_1326 : i32 to vector<16xi32>
        %add3A_1328 = arith.addi %add3A_957, %add3A_1327 : vector<16xi32>
        tpu.vector_store_idx %arg8[%add3A_1304, %shift_right_arithmetic3A_950, %add3A_1328], %add3A_1177 : memref<4x4x1024xf32, #tpu.memory_space<vmem>>[vector<16xi32>, vector<16xi32>, vector<16xi32>], vector<16xf32>,
        %broadcast_in_dim3A_1329 = arith.constant 0 : i32
        %broadcast_in_dim3A_1330 = vector.broadcast %broadcast_in_dim3A_1329 : i32 to vector<16xi32>
        %add3A_1331 = arith.constant 3 : i32
        %add3A_1332 = vector.broadcast %add3A_1331 : i32 to vector<16xi32>
        %add3A_1333 = arith.addi %broadcast_in_dim3A_1330, %add3A_1332 : vector<16xi32>
        %add3A_1334 = arith.constant 0 : i32
        %add3A_1335 = vector.broadcast %add3A_1334 : i32 to vector<16xi32>
        %add3A_1336 = arith.addi %add3A_957, %add3A_1335 : vector<16xi32>
        tpu.vector_store_idx %arg8[%add3A_1333, %shift_right_arithmetic3A_950, %add3A_1336], %add3A_1185 : memref<4x4x1024xf32, #tpu.memory_space<vmem>>[vector<16xi32>, vector<16xi32>, vector<16xi32>], vector<16xf32>,
        %add3A_1337 = arith.constant 16 : i32
        %add3A_1338 = vector.broadcast %add3A_1337 : i32 to vector<16xi32>
        %add3A_1339 = arith.addi %add3A_957, %add3A_1338 : vector<16xi32>
        tpu.vector_store_idx %arg8[%add3A_1333, %shift_right_arithmetic3A_950, %add3A_1339], %add3A_1193 : memref<4x4x1024xf32, #tpu.memory_space<vmem>>[vector<16xi32>, vector<16xi32>, vector<16xi32>], vector<16xf32>,
        %add3A_1340 = arith.constant 32 : i32
        %add3A_1341 = vector.broadcast %add3A_1340 : i32 to vector<16xi32>
        %add3A_1342 = arith.addi %add3A_957, %add3A_1341 : vector<16xi32>
        tpu.vector_store_idx %arg8[%add3A_1333, %shift_right_arithmetic3A_950, %add3A_1342], %add3A_1201 : memref<4x4x1024xf32, #tpu.memory_space<vmem>>[vector<16xi32>, vector<16xi32>, vector<16xi32>], vector<16xf32>,
        %add3A_1343 = arith.constant 48 : i32
        %add3A_1344 = vector.broadcast %add3A_1343 : i32 to vector<16xi32>
        %add3A_1345 = arith.addi %add3A_957, %add3A_1344 : vector<16xi32>
        tpu.vector_store_idx %arg8[%add3A_1333, %shift_right_arithmetic3A_950, %add3A_1345], %add3A_1209 : memref<4x4x1024xf32, #tpu.memory_space<vmem>>[vector<16xi32>, vector<16xi32>, vector<16xi32>], vector<16xf32>,
        %add3A_1346 = arith.constant 64 : i32
        %add3A_1347 = vector.broadcast %add3A_1346 : i32 to vector<16xi32>
        %add3A_1348 = arith.addi %add3A_957, %add3A_1347 : vector<16xi32>
        tpu.vector_store_idx %arg8[%add3A_1333, %shift_right_arithmetic3A_950, %add3A_1348], %add3A_1217 : memref<4x4x1024xf32, #tpu.memory_space<vmem>>[vector<16xi32>, vector<16xi32>, vector<16xi32>], vector<16xf32>,
        %add3A_1349 = arith.constant 80 : i32
        %add3A_1350 = vector.broadcast %add3A_1349 : i32 to vector<16xi32>
        %add3A_1351 = arith.addi %add3A_957, %add3A_1350 : vector<16xi32>
        tpu.vector_store_idx %arg8[%add3A_1333, %shift_right_arithmetic3A_950, %add3A_1351], %add3A_1225 : memref<4x4x1024xf32, #tpu.memory_space<vmem>>[vector<16xi32>, vector<16xi32>, vector<16xi32>], vector<16xf32>,
        %add3A_1352 = arith.constant 96 : i32
        %add3A_1353 = vector.broadcast %add3A_1352 : i32 to vector<16xi32>
        %add3A_1354 = arith.addi %add3A_957, %add3A_1353 : vector<16xi32>
        tpu.vector_store_idx %arg8[%add3A_1333, %shift_right_arithmetic3A_950, %add3A_1354], %add3A_1233 : memref<4x4x1024xf32, #tpu.memory_space<vmem>>[vector<16xi32>, vector<16xi32>, vector<16xi32>], vector<16xf32>,
        %add3A_1355 = arith.constant 112 : i32
        %add3A_1356 = vector.broadcast %add3A_1355 : i32 to vector<16xi32>
        %add3A_1357 = arith.addi %add3A_957, %add3A_1356 : vector<16xi32>
        tpu.vector_store_idx %arg8[%add3A_1333, %shift_right_arithmetic3A_950, %add3A_1357], %add3A_1241 : memref<4x4x1024xf32, #tpu.memory_space<vmem>>[vector<16xi32>, vector<16xi32>, vector<16xi32>], vector<16xf32>,
        %mul3A_1358 = arith.constant 4 : i32
        %mul3A_1359 = arith.muli %scan3A_95, %mul3A_1358 : i32
        %add3A_1360 = arith.constant 3 : i32
        %add3A_1361 = arith.addi %mul3A_1359, %add3A_1360 : i32
        %broadcast_in_dim3A_1362 = arith.constant 0 : i32
        %broadcast_in_dim3A_1363 = vector.broadcast %broadcast_in_dim3A_1362 : i32 to vector<16xi32>
        %add3A_1364 = vector.broadcast %add3A_1361 : i32 to vector<16xi32>
        %add3A_1365 = arith.addi %broadcast_in_dim3A_1363, %add3A_1364 : vector<16xi32>
        %add3A_1366 = arith.addi %add3A_1365, %iota3A : vector<16xi32>
        %and3A_1367 = arith.constant 31 : i32
        %and3A_1368 = vector.broadcast %and3A_1367 : i32 to vector<16xi32>
        %and3A_1369 = arith.andi %add3A_1366, %and3A_1368 : vector<16xi32>
        %shift_right_arithmetic3A_1370 = arith.constant 3 : i32
        %shift_right_arithmetic3A_1371 = vector.broadcast %shift_right_arithmetic3A_1370 : i32 to vector<16xi32>
        %shift_right_arithmetic3A_1372 = arith.shrsi %and3A_1369, %shift_right_arithmetic3A_1371 : vector<16xi32>
        %and3A_1373 = arith.constant 7 : i32
        %and3A_1374 = vector.broadcast %and3A_1373 : i32 to vector<16xi32>
        %and3A_1375 = arith.andi %and3A_1369, %and3A_1374 : vector<16xi32>
        %mul3A_1376 = arith.constant 128 : i32
        %mul3A_1377 = vector.broadcast %mul3A_1376 : i32 to vector<16xi32>
        %mul3A_1378 = arith.muli %and3A_1375, %mul3A_1377 : vector<16xi32>
        %add3A_1379 = arith.addi %mul3A_1378, %iota3A : vector<16xi32>
        %add3A_1380 = arith.constant 0 : i32
        %add3A_1381 = arith.addi %mul3A_8, %add3A_1380 : i32
        %mul3A_1382 = arith.constant 32 : i32
        %mul3A_1383 = arith.muli %add3A_1381, %mul3A_1382 : i32
        %add3A_1384 = vector.broadcast %mul3A_1383 : i32 to vector<16xi32>
        %add3A_1385 = arith.addi %add3A_1384, %and3A_1369 : vector<16xi32>
        %gather3A_1386 = tpu.vector_load_idx %arg9[%add3A_1385] : memref<6400xf32, #tpu.memory_space<vmem>>[vector<16xi32>], vector<16xf32>,
        %add3A_1387 = arith.constant 1 : i32
        %add3A_1388 = arith.addi %mul3A_8, %add3A_1387 : i32
        %mul3A_1389 = arith.constant 32 : i32
        %mul3A_1390 = arith.muli %add3A_1388, %mul3A_1389 : i32
        %add3A_1391 = vector.broadcast %mul3A_1390 : i32 to vector<16xi32>
        %add3A_1392 = arith.addi %add3A_1391, %and3A_1369 : vector<16xi32>
        %gather3A_1393 = tpu.vector_load_idx %arg9[%add3A_1392] : memref<6400xf32, #tpu.memory_space<vmem>>[vector<16xi32>], vector<16xf32>,
        %add3A_1394 = arith.constant 2 : i32
        %add3A_1395 = arith.addi %mul3A_8, %add3A_1394 : i32
        %mul3A_1396 = arith.constant 32 : i32
        %mul3A_1397 = arith.muli %add3A_1395, %mul3A_1396 : i32
        %add3A_1398 = vector.broadcast %mul3A_1397 : i32 to vector<16xi32>
        %add3A_1399 = arith.addi %add3A_1398, %and3A_1369 : vector<16xi32>
        %gather3A_1400 = tpu.vector_load_idx %arg9[%add3A_1399] : memref<6400xf32, #tpu.memory_space<vmem>>[vector<16xi32>], vector<16xf32>,
        %add3A_1401 = arith.constant 3 : i32
        %add3A_1402 = arith.addi %mul3A_8, %add3A_1401 : i32
        %mul3A_1403 = arith.constant 32 : i32
        %mul3A_1404 = arith.muli %add3A_1402, %mul3A_1403 : i32
        %add3A_1405 = vector.broadcast %mul3A_1404 : i32 to vector<16xi32>
        %add3A_1406 = arith.addi %add3A_1405, %and3A_1369 : vector<16xi32>
        %gather3A_1407 = tpu.vector_load_idx %arg9[%add3A_1406] : memref<6400xf32, #tpu.memory_space<vmem>>[vector<16xi32>], vector<16xf32>,
        %add3A_1408 = arith.constant 0 : i32
        %add3A_1409 = vector.broadcast %add3A_1408 : i32 to vector<16xi32>
        %add3A_1410 = arith.addi %iota3A, %add3A_1409 : vector<16xi32>
        %gather3A_1411 = tpu.vector_load_idx %arg7[%add3A_1410, %and3A_1369] : memref<512x32xf32, #tpu.memory_space<vmem>>[vector<16xi32>, vector<16xi32>], vector<16xf32>,
        %mul3A_1412 = arith.constant 5.65685415 : f32
        %mul3A_1413 = vector.broadcast %mul3A_1412 : f32 to vector<16xf32>
        %mul3A_1414 = arith.mulf %gather3A_1411, %mul3A_1413 : vector<16xf32>
        %add3A_1415 = arith.addf %mul3A_1414, %gather3A_1386 : vector<16xf32>
        %add3A_1416 = arith.constant 16 : i32
        %add3A_1417 = vector.broadcast %add3A_1416 : i32 to vector<16xi32>
        %add3A_1418 = arith.addi %iota3A, %add3A_1417 : vector<16xi32>
        %gather3A_1419 = tpu.vector_load_idx %arg7[%add3A_1418, %and3A_1369] : memref<512x32xf32, #tpu.memory_space<vmem>>[vector<16xi32>, vector<16xi32>], vector<16xf32>,
        %mul3A_1420 = arith.constant 5.65685415 : f32
        %mul3A_1421 = vector.broadcast %mul3A_1420 : f32 to vector<16xf32>
        %mul3A_1422 = arith.mulf %gather3A_1419, %mul3A_1421 : vector<16xf32>
        %add3A_1423 = arith.addf %mul3A_1422, %gather3A_1386 : vector<16xf32>
        %add3A_1424 = arith.constant 32 : i32
        %add3A_1425 = vector.broadcast %add3A_1424 : i32 to vector<16xi32>
        %add3A_1426 = arith.addi %iota3A, %add3A_1425 : vector<16xi32>
        %gather3A_1427 = tpu.vector_load_idx %arg7[%add3A_1426, %and3A_1369] : memref<512x32xf32, #tpu.memory_space<vmem>>[vector<16xi32>, vector<16xi32>], vector<16xf32>,
        %mul3A_1428 = arith.constant 5.65685415 : f32
        %mul3A_1429 = vector.broadcast %mul3A_1428 : f32 to vector<16xf32>
        %mul3A_1430 = arith.mulf %gather3A_1427, %mul3A_1429 : vector<16xf32>
        %add3A_1431 = arith.addf %mul3A_1430, %gather3A_1386 : vector<16xf32>
        %add3A_1432 = arith.constant 48 : i32
        %add3A_1433 = vector.broadcast %add3A_1432 : i32 to vector<16xi32>
        %add3A_1434 = arith.addi %iota3A, %add3A_1433 : vector<16xi32>
        %gather3A_1435 = tpu.vector_load_idx %arg7[%add3A_1434, %and3A_1369] : memref<512x32xf32, #tpu.memory_space<vmem>>[vector<16xi32>, vector<16xi32>], vector<16xf32>,
        %mul3A_1436 = arith.constant 5.65685415 : f32
        %mul3A_1437 = vector.broadcast %mul3A_1436 : f32 to vector<16xf32>
        %mul3A_1438 = arith.mulf %gather3A_1435, %mul3A_1437 : vector<16xf32>
        %add3A_1439 = arith.addf %mul3A_1438, %gather3A_1386 : vector<16xf32>
        %add3A_1440 = arith.constant 64 : i32
        %add3A_1441 = vector.broadcast %add3A_1440 : i32 to vector<16xi32>
        %add3A_1442 = arith.addi %iota3A, %add3A_1441 : vector<16xi32>
        %gather3A_1443 = tpu.vector_load_idx %arg7[%add3A_1442, %and3A_1369] : memref<512x32xf32, #tpu.memory_space<vmem>>[vector<16xi32>, vector<16xi32>], vector<16xf32>,
        %mul3A_1444 = arith.constant 5.65685415 : f32
        %mul3A_1445 = vector.broadcast %mul3A_1444 : f32 to vector<16xf32>
        %mul3A_1446 = arith.mulf %gather3A_1443, %mul3A_1445 : vector<16xf32>
        %add3A_1447 = arith.addf %mul3A_1446, %gather3A_1386 : vector<16xf32>
        %add3A_1448 = arith.constant 80 : i32
        %add3A_1449 = vector.broadcast %add3A_1448 : i32 to vector<16xi32>
        %add3A_1450 = arith.addi %iota3A, %add3A_1449 : vector<16xi32>
        %gather3A_1451 = tpu.vector_load_idx %arg7[%add3A_1450, %and3A_1369] : memref<512x32xf32, #tpu.memory_space<vmem>>[vector<16xi32>, vector<16xi32>], vector<16xf32>,
        %mul3A_1452 = arith.constant 5.65685415 : f32
        %mul3A_1453 = vector.broadcast %mul3A_1452 : f32 to vector<16xf32>
        %mul3A_1454 = arith.mulf %gather3A_1451, %mul3A_1453 : vector<16xf32>
        %add3A_1455 = arith.addf %mul3A_1454, %gather3A_1386 : vector<16xf32>
        %add3A_1456 = arith.constant 96 : i32
        %add3A_1457 = vector.broadcast %add3A_1456 : i32 to vector<16xi32>
        %add3A_1458 = arith.addi %iota3A, %add3A_1457 : vector<16xi32>
        %gather3A_1459 = tpu.vector_load_idx %arg7[%add3A_1458, %and3A_1369] : memref<512x32xf32, #tpu.memory_space<vmem>>[vector<16xi32>, vector<16xi32>], vector<16xf32>,
        %mul3A_1460 = arith.constant 5.65685415 : f32
        %mul3A_1461 = vector.broadcast %mul3A_1460 : f32 to vector<16xf32>
        %mul3A_1462 = arith.mulf %gather3A_1459, %mul3A_1461 : vector<16xf32>
        %add3A_1463 = arith.addf %mul3A_1462, %gather3A_1386 : vector<16xf32>
        %add3A_1464 = arith.constant 112 : i32
        %add3A_1465 = vector.broadcast %add3A_1464 : i32 to vector<16xi32>
        %add3A_1466 = arith.addi %iota3A, %add3A_1465 : vector<16xi32>
        %gather3A_1467 = tpu.vector_load_idx %arg7[%add3A_1466, %and3A_1369] : memref<512x32xf32, #tpu.memory_space<vmem>>[vector<16xi32>, vector<16xi32>], vector<16xf32>,
        %mul3A_1468 = arith.constant 5.65685415 : f32
        %mul3A_1469 = vector.broadcast %mul3A_1468 : f32 to vector<16xf32>
        %mul3A_1470 = arith.mulf %gather3A_1467, %mul3A_1469 : vector<16xf32>
        %add3A_1471 = arith.addf %mul3A_1470, %gather3A_1386 : vector<16xf32>
        %add3A_1472 = arith.constant 128 : i32
        %add3A_1473 = vector.broadcast %add3A_1472 : i32 to vector<16xi32>
        %add3A_1474 = arith.addi %iota3A, %add3A_1473 : vector<16xi32>
        %gather3A_1475 = tpu.vector_load_idx %arg7[%add3A_1474, %and3A_1369] : memref<512x32xf32, #tpu.memory_space<vmem>>[vector<16xi32>, vector<16xi32>], vector<16xf32>,
        %mul3A_1476 = arith.constant 5.65685415 : f32
        %mul3A_1477 = vector.broadcast %mul3A_1476 : f32 to vector<16xf32>
        %mul3A_1478 = arith.mulf %gather3A_1475, %mul3A_1477 : vector<16xf32>
        %add3A_1479 = arith.addf %mul3A_1478, %gather3A_1393 : vector<16xf32>
        %add3A_1480 = arith.constant 144 : i32
        %add3A_1481 = vector.broadcast %add3A_1480 : i32 to vector<16xi32>
        %add3A_1482 = arith.addi %iota3A, %add3A_1481 : vector<16xi32>
        %gather3A_1483 = tpu.vector_load_idx %arg7[%add3A_1482, %and3A_1369] : memref<512x32xf32, #tpu.memory_space<vmem>>[vector<16xi32>, vector<16xi32>], vector<16xf32>,
        %mul3A_1484 = arith.constant 5.65685415 : f32
        %mul3A_1485 = vector.broadcast %mul3A_1484 : f32 to vector<16xf32>
        %mul3A_1486 = arith.mulf %gather3A_1483, %mul3A_1485 : vector<16xf32>
        %add3A_1487 = arith.addf %mul3A_1486, %gather3A_1393 : vector<16xf32>
        %add3A_1488 = arith.constant 160 : i32
        %add3A_1489 = vector.broadcast %add3A_1488 : i32 to vector<16xi32>
        %add3A_1490 = arith.addi %iota3A, %add3A_1489 : vector<16xi32>
        %gather3A_1491 = tpu.vector_load_idx %arg7[%add3A_1490, %and3A_1369] : memref<512x32xf32, #tpu.memory_space<vmem>>[vector<16xi32>, vector<16xi32>], vector<16xf32>,
        %mul3A_1492 = arith.constant 5.65685415 : f32
        %mul3A_1493 = vector.broadcast %mul3A_1492 : f32 to vector<16xf32>
        %mul3A_1494 = arith.mulf %gather3A_1491, %mul3A_1493 : vector<16xf32>
        %add3A_1495 = arith.addf %mul3A_1494, %gather3A_1393 : vector<16xf32>
        %add3A_1496 = arith.constant 176 : i32
        %add3A_1497 = vector.broadcast %add3A_1496 : i32 to vector<16xi32>
        %add3A_1498 = arith.addi %iota3A, %add3A_1497 : vector<16xi32>
        %gather3A_1499 = tpu.vector_load_idx %arg7[%add3A_1498, %and3A_1369] : memref<512x32xf32, #tpu.memory_space<vmem>>[vector<16xi32>, vector<16xi32>], vector<16xf32>,
        %mul3A_1500 = arith.constant 5.65685415 : f32
        %mul3A_1501 = vector.broadcast %mul3A_1500 : f32 to vector<16xf32>
        %mul3A_1502 = arith.mulf %gather3A_1499, %mul3A_1501 : vector<16xf32>
        %add3A_1503 = arith.addf %mul3A_1502, %gather3A_1393 : vector<16xf32>
        %add3A_1504 = arith.constant 192 : i32
        %add3A_1505 = vector.broadcast %add3A_1504 : i32 to vector<16xi32>
        %add3A_1506 = arith.addi %iota3A, %add3A_1505 : vector<16xi32>
        %gather3A_1507 = tpu.vector_load_idx %arg7[%add3A_1506, %and3A_1369] : memref<512x32xf32, #tpu.memory_space<vmem>>[vector<16xi32>, vector<16xi32>], vector<16xf32>,
        %mul3A_1508 = arith.constant 5.65685415 : f32
        %mul3A_1509 = vector.broadcast %mul3A_1508 : f32 to vector<16xf32>
        %mul3A_1510 = arith.mulf %gather3A_1507, %mul3A_1509 : vector<16xf32>
        %add3A_1511 = arith.addf %mul3A_1510, %gather3A_1393 : vector<16xf32>
        %add3A_1512 = arith.constant 208 : i32
        %add3A_1513 = vector.broadcast %add3A_1512 : i32 to vector<16xi32>
        %add3A_1514 = arith.addi %iota3A, %add3A_1513 : vector<16xi32>
        %gather3A_1515 = tpu.vector_load_idx %arg7[%add3A_1514, %and3A_1369] : memref<512x32xf32, #tpu.memory_space<vmem>>[vector<16xi32>, vector<16xi32>], vector<16xf32>,
        %mul3A_1516 = arith.constant 5.65685415 : f32
        %mul3A_1517 = vector.broadcast %mul3A_1516 : f32 to vector<16xf32>
        %mul3A_1518 = arith.mulf %gather3A_1515, %mul3A_1517 : vector<16xf32>
        %add3A_1519 = arith.addf %mul3A_1518, %gather3A_1393 : vector<16xf32>
        %add3A_1520 = arith.constant 224 : i32
        %add3A_1521 = vector.broadcast %add3A_1520 : i32 to vector<16xi32>
        %add3A_1522 = arith.addi %iota3A, %add3A_1521 : vector<16xi32>
        %gather3A_1523 = tpu.vector_load_idx %arg7[%add3A_1522, %and3A_1369] : memref<512x32xf32, #tpu.memory_space<vmem>>[vector<16xi32>, vector<16xi32>], vector<16xf32>,
        %mul3A_1524 = arith.constant 5.65685415 : f32
        %mul3A_1525 = vector.broadcast %mul3A_1524 : f32 to vector<16xf32>
        %mul3A_1526 = arith.mulf %gather3A_1523, %mul3A_1525 : vector<16xf32>
        %add3A_1527 = arith.addf %mul3A_1526, %gather3A_1393 : vector<16xf32>
        %add3A_1528 = arith.constant 240 : i32
        %add3A_1529 = vector.broadcast %add3A_1528 : i32 to vector<16xi32>
        %add3A_1530 = arith.addi %iota3A, %add3A_1529 : vector<16xi32>
        %gather3A_1531 = tpu.vector_load_idx %arg7[%add3A_1530, %and3A_1369] : memref<512x32xf32, #tpu.memory_space<vmem>>[vector<16xi32>, vector<16xi32>], vector<16xf32>,
        %mul3A_1532 = arith.constant 5.65685415 : f32
        %mul3A_1533 = vector.broadcast %mul3A_1532 : f32 to vector<16xf32>
        %mul3A_1534 = arith.mulf %gather3A_1531, %mul3A_1533 : vector<16xf32>
        %add3A_1535 = arith.addf %mul3A_1534, %gather3A_1393 : vector<16xf32>
        %add3A_1536 = arith.constant 256 : i32
        %add3A_1537 = vector.broadcast %add3A_1536 : i32 to vector<16xi32>
        %add3A_1538 = arith.addi %iota3A, %add3A_1537 : vector<16xi32>
        %gather3A_1539 = tpu.vector_load_idx %arg7[%add3A_1538, %and3A_1369] : memref<512x32xf32, #tpu.memory_space<vmem>>[vector<16xi32>, vector<16xi32>], vector<16xf32>,
        %mul3A_1540 = arith.constant 5.65685415 : f32
        %mul3A_1541 = vector.broadcast %mul3A_1540 : f32 to vector<16xf32>
        %mul3A_1542 = arith.mulf %gather3A_1539, %mul3A_1541 : vector<16xf32>
        %add3A_1543 = arith.addf %mul3A_1542, %gather3A_1400 : vector<16xf32>
        %add3A_1544 = arith.constant 272 : i32
        %add3A_1545 = vector.broadcast %add3A_1544 : i32 to vector<16xi32>
        %add3A_1546 = arith.addi %iota3A, %add3A_1545 : vector<16xi32>
        %gather3A_1547 = tpu.vector_load_idx %arg7[%add3A_1546, %and3A_1369] : memref<512x32xf32, #tpu.memory_space<vmem>>[vector<16xi32>, vector<16xi32>], vector<16xf32>,
        %mul3A_1548 = arith.constant 5.65685415 : f32
        %mul3A_1549 = vector.broadcast %mul3A_1548 : f32 to vector<16xf32>
        %mul3A_1550 = arith.mulf %gather3A_1547, %mul3A_1549 : vector<16xf32>
        %add3A_1551 = arith.addf %mul3A_1550, %gather3A_1400 : vector<16xf32>
        %add3A_1552 = arith.constant 288 : i32
        %add3A_1553 = vector.broadcast %add3A_1552 : i32 to vector<16xi32>
        %add3A_1554 = arith.addi %iota3A, %add3A_1553 : vector<16xi32>
        %gather3A_1555 = tpu.vector_load_idx %arg7[%add3A_1554, %and3A_1369] : memref<512x32xf32, #tpu.memory_space<vmem>>[vector<16xi32>, vector<16xi32>], vector<16xf32>,
        %mul3A_1556 = arith.constant 5.65685415 : f32
        %mul3A_1557 = vector.broadcast %mul3A_1556 : f32 to vector<16xf32>
        %mul3A_1558 = arith.mulf %gather3A_1555, %mul3A_1557 : vector<16xf32>
        %add3A_1559 = arith.addf %mul3A_1558, %gather3A_1400 : vector<16xf32>
        %add3A_1560 = arith.constant 304 : i32
        %add3A_1561 = vector.broadcast %add3A_1560 : i32 to vector<16xi32>
        %add3A_1562 = arith.addi %iota3A, %add3A_1561 : vector<16xi32>
        %gather3A_1563 = tpu.vector_load_idx %arg7[%add3A_1562, %and3A_1369] : memref<512x32xf32, #tpu.memory_space<vmem>>[vector<16xi32>, vector<16xi32>], vector<16xf32>,
        %mul3A_1564 = arith.constant 5.65685415 : f32
        %mul3A_1565 = vector.broadcast %mul3A_1564 : f32 to vector<16xf32>
        %mul3A_1566 = arith.mulf %gather3A_1563, %mul3A_1565 : vector<16xf32>
        %add3A_1567 = arith.addf %mul3A_1566, %gather3A_1400 : vector<16xf32>
        %add3A_1568 = arith.constant 320 : i32
        %add3A_1569 = vector.broadcast %add3A_1568 : i32 to vector<16xi32>
        %add3A_1570 = arith.addi %iota3A, %add3A_1569 : vector<16xi32>
        %gather3A_1571 = tpu.vector_load_idx %arg7[%add3A_1570, %and3A_1369] : memref<512x32xf32, #tpu.memory_space<vmem>>[vector<16xi32>, vector<16xi32>], vector<16xf32>,
        %mul3A_1572 = arith.constant 5.65685415 : f32
        %mul3A_1573 = vector.broadcast %mul3A_1572 : f32 to vector<16xf32>
        %mul3A_1574 = arith.mulf %gather3A_1571, %mul3A_1573 : vector<16xf32>
        %add3A_1575 = arith.addf %mul3A_1574, %gather3A_1400 : vector<16xf32>
        %add3A_1576 = arith.constant 336 : i32
        %add3A_1577 = vector.broadcast %add3A_1576 : i32 to vector<16xi32>
        %add3A_1578 = arith.addi %iota3A, %add3A_1577 : vector<16xi32>
        %gather3A_1579 = tpu.vector_load_idx %arg7[%add3A_1578, %and3A_1369] : memref<512x32xf32, #tpu.memory_space<vmem>>[vector<16xi32>, vector<16xi32>], vector<16xf32>,
        %mul3A_1580 = arith.constant 5.65685415 : f32
        %mul3A_1581 = vector.broadcast %mul3A_1580 : f32 to vector<16xf32>
        %mul3A_1582 = arith.mulf %gather3A_1579, %mul3A_1581 : vector<16xf32>
        %add3A_1583 = arith.addf %mul3A_1582, %gather3A_1400 : vector<16xf32>
        %add3A_1584 = arith.constant 352 : i32
        %add3A_1585 = vector.broadcast %add3A_1584 : i32 to vector<16xi32>
        %add3A_1586 = arith.addi %iota3A, %add3A_1585 : vector<16xi32>
        %gather3A_1587 = tpu.vector_load_idx %arg7[%add3A_1586, %and3A_1369] : memref<512x32xf32, #tpu.memory_space<vmem>>[vector<16xi32>, vector<16xi32>], vector<16xf32>,
        %mul3A_1588 = arith.constant 5.65685415 : f32
        %mul3A_1589 = vector.broadcast %mul3A_1588 : f32 to vector<16xf32>
        %mul3A_1590 = arith.mulf %gather3A_1587, %mul3A_1589 : vector<16xf32>
        %add3A_1591 = arith.addf %mul3A_1590, %gather3A_1400 : vector<16xf32>
        %add3A_1592 = arith.constant 368 : i32
        %add3A_1593 = vector.broadcast %add3A_1592 : i32 to vector<16xi32>
        %add3A_1594 = arith.addi %iota3A, %add3A_1593 : vector<16xi32>
        %gather3A_1595 = tpu.vector_load_idx %arg7[%add3A_1594, %and3A_1369] : memref<512x32xf32, #tpu.memory_space<vmem>>[vector<16xi32>, vector<16xi32>], vector<16xf32>,
        %mul3A_1596 = arith.constant 5.65685415 : f32
        %mul3A_1597 = vector.broadcast %mul3A_1596 : f32 to vector<16xf32>
        %mul3A_1598 = arith.mulf %gather3A_1595, %mul3A_1597 : vector<16xf32>
        %add3A_1599 = arith.addf %mul3A_1598, %gather3A_1400 : vector<16xf32>
        %add3A_1600 = arith.constant 384 : i32
        %add3A_1601 = vector.broadcast %add3A_1600 : i32 to vector<16xi32>
        %add3A_1602 = arith.addi %iota3A, %add3A_1601 : vector<16xi32>
        %gather3A_1603 = tpu.vector_load_idx %arg7[%add3A_1602, %and3A_1369] : memref<512x32xf32, #tpu.memory_space<vmem>>[vector<16xi32>, vector<16xi32>], vector<16xf32>,
        %mul3A_1604 = arith.constant 5.65685415 : f32
        %mul3A_1605 = vector.broadcast %mul3A_1604 : f32 to vector<16xf32>
        %mul3A_1606 = arith.mulf %gather3A_1603, %mul3A_1605 : vector<16xf32>
        %add3A_1607 = arith.addf %mul3A_1606, %gather3A_1407 : vector<16xf32>
        %add3A_1608 = arith.constant 400 : i32
        %add3A_1609 = vector.broadcast %add3A_1608 : i32 to vector<16xi32>
        %add3A_1610 = arith.addi %iota3A, %add3A_1609 : vector<16xi32>
        %gather3A_1611 = tpu.vector_load_idx %arg7[%add3A_1610, %and3A_1369] : memref<512x32xf32, #tpu.memory_space<vmem>>[vector<16xi32>, vector<16xi32>], vector<16xf32>,
        %mul3A_1612 = arith.constant 5.65685415 : f32
        %mul3A_1613 = vector.broadcast %mul3A_1612 : f32 to vector<16xf32>
        %mul3A_1614 = arith.mulf %gather3A_1611, %mul3A_1613 : vector<16xf32>
        %add3A_1615 = arith.addf %mul3A_1614, %gather3A_1407 : vector<16xf32>
        %add3A_1616 = arith.constant 416 : i32
        %add3A_1617 = vector.broadcast %add3A_1616 : i32 to vector<16xi32>
        %add3A_1618 = arith.addi %iota3A, %add3A_1617 : vector<16xi32>
        %gather3A_1619 = tpu.vector_load_idx %arg7[%add3A_1618, %and3A_1369] : memref<512x32xf32, #tpu.memory_space<vmem>>[vector<16xi32>, vector<16xi32>], vector<16xf32>,
        %mul3A_1620 = arith.constant 5.65685415 : f32
        %mul3A_1621 = vector.broadcast %mul3A_1620 : f32 to vector<16xf32>
        %mul3A_1622 = arith.mulf %gather3A_1619, %mul3A_1621 : vector<16xf32>
        %add3A_1623 = arith.addf %mul3A_1622, %gather3A_1407 : vector<16xf32>
        %add3A_1624 = arith.constant 432 : i32
        %add3A_1625 = vector.broadcast %add3A_1624 : i32 to vector<16xi32>
        %add3A_1626 = arith.addi %iota3A, %add3A_1625 : vector<16xi32>
        %gather3A_1627 = tpu.vector_load_idx %arg7[%add3A_1626, %and3A_1369] : memref<512x32xf32, #tpu.memory_space<vmem>>[vector<16xi32>, vector<16xi32>], vector<16xf32>,
        %mul3A_1628 = arith.constant 5.65685415 : f32
        %mul3A_1629 = vector.broadcast %mul3A_1628 : f32 to vector<16xf32>
        %mul3A_1630 = arith.mulf %gather3A_1627, %mul3A_1629 : vector<16xf32>
        %add3A_1631 = arith.addf %mul3A_1630, %gather3A_1407 : vector<16xf32>
        %add3A_1632 = arith.constant 448 : i32
        %add3A_1633 = vector.broadcast %add3A_1632 : i32 to vector<16xi32>
        %add3A_1634 = arith.addi %iota3A, %add3A_1633 : vector<16xi32>
        %gather3A_1635 = tpu.vector_load_idx %arg7[%add3A_1634, %and3A_1369] : memref<512x32xf32, #tpu.memory_space<vmem>>[vector<16xi32>, vector<16xi32>], vector<16xf32>,
        %mul3A_1636 = arith.constant 5.65685415 : f32
        %mul3A_1637 = vector.broadcast %mul3A_1636 : f32 to vector<16xf32>
        %mul3A_1638 = arith.mulf %gather3A_1635, %mul3A_1637 : vector<16xf32>
        %add3A_1639 = arith.addf %mul3A_1638, %gather3A_1407 : vector<16xf32>
        %add3A_1640 = arith.constant 464 : i32
        %add3A_1641 = vector.broadcast %add3A_1640 : i32 to vector<16xi32>
        %add3A_1642 = arith.addi %iota3A, %add3A_1641 : vector<16xi32>
        %gather3A_1643 = tpu.vector_load_idx %arg7[%add3A_1642, %and3A_1369] : memref<512x32xf32, #tpu.memory_space<vmem>>[vector<16xi32>, vector<16xi32>], vector<16xf32>,
        %mul3A_1644 = arith.constant 5.65685415 : f32
        %mul3A_1645 = vector.broadcast %mul3A_1644 : f32 to vector<16xf32>
        %mul3A_1646 = arith.mulf %gather3A_1643, %mul3A_1645 : vector<16xf32>
        %add3A_1647 = arith.addf %mul3A_1646, %gather3A_1407 : vector<16xf32>
        %add3A_1648 = arith.constant 480 : i32
        %add3A_1649 = vector.broadcast %add3A_1648 : i32 to vector<16xi32>
        %add3A_1650 = arith.addi %iota3A, %add3A_1649 : vector<16xi32>
        %gather3A_1651 = tpu.vector_load_idx %arg7[%add3A_1650, %and3A_1369] : memref<512x32xf32, #tpu.memory_space<vmem>>[vector<16xi32>, vector<16xi32>], vector<16xf32>,
        %mul3A_1652 = arith.constant 5.65685415 : f32
        %mul3A_1653 = vector.broadcast %mul3A_1652 : f32 to vector<16xf32>
        %mul3A_1654 = arith.mulf %gather3A_1651, %mul3A_1653 : vector<16xf32>
        %add3A_1655 = arith.addf %mul3A_1654, %gather3A_1407 : vector<16xf32>
        %add3A_1656 = arith.constant 496 : i32
        %add3A_1657 = vector.broadcast %add3A_1656 : i32 to vector<16xi32>
        %add3A_1658 = arith.addi %iota3A, %add3A_1657 : vector<16xi32>
        %gather3A_1659 = tpu.vector_load_idx %arg7[%add3A_1658, %and3A_1369] : memref<512x32xf32, #tpu.memory_space<vmem>>[vector<16xi32>, vector<16xi32>], vector<16xf32>,
        %mul3A_1660 = arith.constant 5.65685415 : f32
        %mul3A_1661 = vector.broadcast %mul3A_1660 : f32 to vector<16xf32>
        %mul3A_1662 = arith.mulf %gather3A_1659, %mul3A_1661 : vector<16xf32>
        %add3A_1663 = arith.addf %mul3A_1662, %gather3A_1407 : vector<16xf32>
        %broadcast_in_dim3A_1664 = arith.constant 0 : i32
        %broadcast_in_dim3A_1665 = vector.broadcast %broadcast_in_dim3A_1664 : i32 to vector<16xi32>
        %add3A_1666 = arith.constant 0 : i32
        %add3A_1667 = vector.broadcast %add3A_1666 : i32 to vector<16xi32>
        %add3A_1668 = arith.addi %broadcast_in_dim3A_1665, %add3A_1667 : vector<16xi32>
        %add3A_1669 = arith.constant 0 : i32
        %add3A_1670 = vector.broadcast %add3A_1669 : i32 to vector<16xi32>
        %add3A_1671 = arith.addi %add3A_1379, %add3A_1670 : vector<16xi32>
        tpu.vector_store_idx %arg8[%add3A_1668, %shift_right_arithmetic3A_1372, %add3A_1671], %add3A_1415 : memref<4x4x1024xf32, #tpu.memory_space<vmem>>[vector<16xi32>, vector<16xi32>, vector<16xi32>], vector<16xf32>,
        %add3A_1672 = arith.constant 16 : i32
        %add3A_1673 = vector.broadcast %add3A_1672 : i32 to vector<16xi32>
        %add3A_1674 = arith.addi %add3A_1379, %add3A_1673 : vector<16xi32>
        tpu.vector_store_idx %arg8[%add3A_1668, %shift_right_arithmetic3A_1372, %add3A_1674], %add3A_1423 : memref<4x4x1024xf32, #tpu.memory_space<vmem>>[vector<16xi32>, vector<16xi32>, vector<16xi32>], vector<16xf32>,
        %add3A_1675 = arith.constant 32 : i32
        %add3A_1676 = vector.broadcast %add3A_1675 : i32 to vector<16xi32>
        %add3A_1677 = arith.addi %add3A_1379, %add3A_1676 : vector<16xi32>
        tpu.vector_store_idx %arg8[%add3A_1668, %shift_right_arithmetic3A_1372, %add3A_1677], %add3A_1431 : memref<4x4x1024xf32, #tpu.memory_space<vmem>>[vector<16xi32>, vector<16xi32>, vector<16xi32>], vector<16xf32>,
        %add3A_1678 = arith.constant 48 : i32
        %add3A_1679 = vector.broadcast %add3A_1678 : i32 to vector<16xi32>
        %add3A_1680 = arith.addi %add3A_1379, %add3A_1679 : vector<16xi32>
        tpu.vector_store_idx %arg8[%add3A_1668, %shift_right_arithmetic3A_1372, %add3A_1680], %add3A_1439 : memref<4x4x1024xf32, #tpu.memory_space<vmem>>[vector<16xi32>, vector<16xi32>, vector<16xi32>], vector<16xf32>,
        %add3A_1681 = arith.constant 64 : i32
        %add3A_1682 = vector.broadcast %add3A_1681 : i32 to vector<16xi32>
        %add3A_1683 = arith.addi %add3A_1379, %add3A_1682 : vector<16xi32>
        tpu.vector_store_idx %arg8[%add3A_1668, %shift_right_arithmetic3A_1372, %add3A_1683], %add3A_1447 : memref<4x4x1024xf32, #tpu.memory_space<vmem>>[vector<16xi32>, vector<16xi32>, vector<16xi32>], vector<16xf32>,
        %add3A_1684 = arith.constant 80 : i32
        %add3A_1685 = vector.broadcast %add3A_1684 : i32 to vector<16xi32>
        %add3A_1686 = arith.addi %add3A_1379, %add3A_1685 : vector<16xi32>
        tpu.vector_store_idx %arg8[%add3A_1668, %shift_right_arithmetic3A_1372, %add3A_1686], %add3A_1455 : memref<4x4x1024xf32, #tpu.memory_space<vmem>>[vector<16xi32>, vector<16xi32>, vector<16xi32>], vector<16xf32>,
        %add3A_1687 = arith.constant 96 : i32
        %add3A_1688 = vector.broadcast %add3A_1687 : i32 to vector<16xi32>
        %add3A_1689 = arith.addi %add3A_1379, %add3A_1688 : vector<16xi32>
        tpu.vector_store_idx %arg8[%add3A_1668, %shift_right_arithmetic3A_1372, %add3A_1689], %add3A_1463 : memref<4x4x1024xf32, #tpu.memory_space<vmem>>[vector<16xi32>, vector<16xi32>, vector<16xi32>], vector<16xf32>,
        %add3A_1690 = arith.constant 112 : i32
        %add3A_1691 = vector.broadcast %add3A_1690 : i32 to vector<16xi32>
        %add3A_1692 = arith.addi %add3A_1379, %add3A_1691 : vector<16xi32>
        tpu.vector_store_idx %arg8[%add3A_1668, %shift_right_arithmetic3A_1372, %add3A_1692], %add3A_1471 : memref<4x4x1024xf32, #tpu.memory_space<vmem>>[vector<16xi32>, vector<16xi32>, vector<16xi32>], vector<16xf32>,
        %broadcast_in_dim3A_1693 = arith.constant 0 : i32
        %broadcast_in_dim3A_1694 = vector.broadcast %broadcast_in_dim3A_1693 : i32 to vector<16xi32>
        %add3A_1695 = arith.constant 1 : i32
        %add3A_1696 = vector.broadcast %add3A_1695 : i32 to vector<16xi32>
        %add3A_1697 = arith.addi %broadcast_in_dim3A_1694, %add3A_1696 : vector<16xi32>
        %add3A_1698 = arith.constant 0 : i32
        %add3A_1699 = vector.broadcast %add3A_1698 : i32 to vector<16xi32>
        %add3A_1700 = arith.addi %add3A_1379, %add3A_1699 : vector<16xi32>
        tpu.vector_store_idx %arg8[%add3A_1697, %shift_right_arithmetic3A_1372, %add3A_1700], %add3A_1479 : memref<4x4x1024xf32, #tpu.memory_space<vmem>>[vector<16xi32>, vector<16xi32>, vector<16xi32>], vector<16xf32>,
        %add3A_1701 = arith.constant 16 : i32
        %add3A_1702 = vector.broadcast %add3A_1701 : i32 to vector<16xi32>
        %add3A_1703 = arith.addi %add3A_1379, %add3A_1702 : vector<16xi32>
        tpu.vector_store_idx %arg8[%add3A_1697, %shift_right_arithmetic3A_1372, %add3A_1703], %add3A_1487 : memref<4x4x1024xf32, #tpu.memory_space<vmem>>[vector<16xi32>, vector<16xi32>, vector<16xi32>], vector<16xf32>,
        %add3A_1704 = arith.constant 32 : i32
        %add3A_1705 = vector.broadcast %add3A_1704 : i32 to vector<16xi32>
        %add3A_1706 = arith.addi %add3A_1379, %add3A_1705 : vector<16xi32>
        tpu.vector_store_idx %arg8[%add3A_1697, %shift_right_arithmetic3A_1372, %add3A_1706], %add3A_1495 : memref<4x4x1024xf32, #tpu.memory_space<vmem>>[vector<16xi32>, vector<16xi32>, vector<16xi32>], vector<16xf32>,
        %add3A_1707 = arith.constant 48 : i32
        %add3A_1708 = vector.broadcast %add3A_1707 : i32 to vector<16xi32>
        %add3A_1709 = arith.addi %add3A_1379, %add3A_1708 : vector<16xi32>
        tpu.vector_store_idx %arg8[%add3A_1697, %shift_right_arithmetic3A_1372, %add3A_1709], %add3A_1503 : memref<4x4x1024xf32, #tpu.memory_space<vmem>>[vector<16xi32>, vector<16xi32>, vector<16xi32>], vector<16xf32>,
        %add3A_1710 = arith.constant 64 : i32
        %add3A_1711 = vector.broadcast %add3A_1710 : i32 to vector<16xi32>
        %add3A_1712 = arith.addi %add3A_1379, %add3A_1711 : vector<16xi32>
        tpu.vector_store_idx %arg8[%add3A_1697, %shift_right_arithmetic3A_1372, %add3A_1712], %add3A_1511 : memref<4x4x1024xf32, #tpu.memory_space<vmem>>[vector<16xi32>, vector<16xi32>, vector<16xi32>], vector<16xf32>,
        %add3A_1713 = arith.constant 80 : i32
        %add3A_1714 = vector.broadcast %add3A_1713 : i32 to vector<16xi32>
        %add3A_1715 = arith.addi %add3A_1379, %add3A_1714 : vector<16xi32>
        tpu.vector_store_idx %arg8[%add3A_1697, %shift_right_arithmetic3A_1372, %add3A_1715], %add3A_1519 : memref<4x4x1024xf32, #tpu.memory_space<vmem>>[vector<16xi32>, vector<16xi32>, vector<16xi32>], vector<16xf32>,
        %add3A_1716 = arith.constant 96 : i32
        %add3A_1717 = vector.broadcast %add3A_1716 : i32 to vector<16xi32>
        %add3A_1718 = arith.addi %add3A_1379, %add3A_1717 : vector<16xi32>
        tpu.vector_store_idx %arg8[%add3A_1697, %shift_right_arithmetic3A_1372, %add3A_1718], %add3A_1527 : memref<4x4x1024xf32, #tpu.memory_space<vmem>>[vector<16xi32>, vector<16xi32>, vector<16xi32>], vector<16xf32>,
        %add3A_1719 = arith.constant 112 : i32
        %add3A_1720 = vector.broadcast %add3A_1719 : i32 to vector<16xi32>
        %add3A_1721 = arith.addi %add3A_1379, %add3A_1720 : vector<16xi32>
        tpu.vector_store_idx %arg8[%add3A_1697, %shift_right_arithmetic3A_1372, %add3A_1721], %add3A_1535 : memref<4x4x1024xf32, #tpu.memory_space<vmem>>[vector<16xi32>, vector<16xi32>, vector<16xi32>], vector<16xf32>,
        %broadcast_in_dim3A_1722 = arith.constant 0 : i32
        %broadcast_in_dim3A_1723 = vector.broadcast %broadcast_in_dim3A_1722 : i32 to vector<16xi32>
        %add3A_1724 = arith.constant 2 : i32
        %add3A_1725 = vector.broadcast %add3A_1724 : i32 to vector<16xi32>
        %add3A_1726 = arith.addi %broadcast_in_dim3A_1723, %add3A_1725 : vector<16xi32>
        %add3A_1727 = arith.constant 0 : i32
        %add3A_1728 = vector.broadcast %add3A_1727 : i32 to vector<16xi32>
        %add3A_1729 = arith.addi %add3A_1379, %add3A_1728 : vector<16xi32>
        tpu.vector_store_idx %arg8[%add3A_1726, %shift_right_arithmetic3A_1372, %add3A_1729], %add3A_1543 : memref<4x4x1024xf32, #tpu.memory_space<vmem>>[vector<16xi32>, vector<16xi32>, vector<16xi32>], vector<16xf32>,
        %add3A_1730 = arith.constant 16 : i32
        %add3A_1731 = vector.broadcast %add3A_1730 : i32 to vector<16xi32>
        %add3A_1732 = arith.addi %add3A_1379, %add3A_1731 : vector<16xi32>
        tpu.vector_store_idx %arg8[%add3A_1726, %shift_right_arithmetic3A_1372, %add3A_1732], %add3A_1551 : memref<4x4x1024xf32, #tpu.memory_space<vmem>>[vector<16xi32>, vector<16xi32>, vector<16xi32>], vector<16xf32>,
        %add3A_1733 = arith.constant 32 : i32
        %add3A_1734 = vector.broadcast %add3A_1733 : i32 to vector<16xi32>
        %add3A_1735 = arith.addi %add3A_1379, %add3A_1734 : vector<16xi32>
        tpu.vector_store_idx %arg8[%add3A_1726, %shift_right_arithmetic3A_1372, %add3A_1735], %add3A_1559 : memref<4x4x1024xf32, #tpu.memory_space<vmem>>[vector<16xi32>, vector<16xi32>, vector<16xi32>], vector<16xf32>,
        %add3A_1736 = arith.constant 48 : i32
        %add3A_1737 = vector.broadcast %add3A_1736 : i32 to vector<16xi32>
        %add3A_1738 = arith.addi %add3A_1379, %add3A_1737 : vector<16xi32>
        tpu.vector_store_idx %arg8[%add3A_1726, %shift_right_arithmetic3A_1372, %add3A_1738], %add3A_1567 : memref<4x4x1024xf32, #tpu.memory_space<vmem>>[vector<16xi32>, vector<16xi32>, vector<16xi32>], vector<16xf32>,
        %add3A_1739 = arith.constant 64 : i32
        %add3A_1740 = vector.broadcast %add3A_1739 : i32 to vector<16xi32>
        %add3A_1741 = arith.addi %add3A_1379, %add3A_1740 : vector<16xi32>
        tpu.vector_store_idx %arg8[%add3A_1726, %shift_right_arithmetic3A_1372, %add3A_1741], %add3A_1575 : memref<4x4x1024xf32, #tpu.memory_space<vmem>>[vector<16xi32>, vector<16xi32>, vector<16xi32>], vector<16xf32>,
        %add3A_1742 = arith.constant 80 : i32
        %add3A_1743 = vector.broadcast %add3A_1742 : i32 to vector<16xi32>
        %add3A_1744 = arith.addi %add3A_1379, %add3A_1743 : vector<16xi32>
        tpu.vector_store_idx %arg8[%add3A_1726, %shift_right_arithmetic3A_1372, %add3A_1744], %add3A_1583 : memref<4x4x1024xf32, #tpu.memory_space<vmem>>[vector<16xi32>, vector<16xi32>, vector<16xi32>], vector<16xf32>,
        %add3A_1745 = arith.constant 96 : i32
        %add3A_1746 = vector.broadcast %add3A_1745 : i32 to vector<16xi32>
        %add3A_1747 = arith.addi %add3A_1379, %add3A_1746 : vector<16xi32>
        tpu.vector_store_idx %arg8[%add3A_1726, %shift_right_arithmetic3A_1372, %add3A_1747], %add3A_1591 : memref<4x4x1024xf32, #tpu.memory_space<vmem>>[vector<16xi32>, vector<16xi32>, vector<16xi32>], vector<16xf32>,
        %add3A_1748 = arith.constant 112 : i32
        %add3A_1749 = vector.broadcast %add3A_1748 : i32 to vector<16xi32>
        %add3A_1750 = arith.addi %add3A_1379, %add3A_1749 : vector<16xi32>
        tpu.vector_store_idx %arg8[%add3A_1726, %shift_right_arithmetic3A_1372, %add3A_1750], %add3A_1599 : memref<4x4x1024xf32, #tpu.memory_space<vmem>>[vector<16xi32>, vector<16xi32>, vector<16xi32>], vector<16xf32>,
        %broadcast_in_dim3A_1751 = arith.constant 0 : i32
        %broadcast_in_dim3A_1752 = vector.broadcast %broadcast_in_dim3A_1751 : i32 to vector<16xi32>
        %add3A_1753 = arith.constant 3 : i32
        %add3A_1754 = vector.broadcast %add3A_1753 : i32 to vector<16xi32>
        %add3A_1755 = arith.addi %broadcast_in_dim3A_1752, %add3A_1754 : vector<16xi32>
        %add3A_1756 = arith.constant 0 : i32
        %add3A_1757 = vector.broadcast %add3A_1756 : i32 to vector<16xi32>
        %add3A_1758 = arith.addi %add3A_1379, %add3A_1757 : vector<16xi32>
        tpu.vector_store_idx %arg8[%add3A_1755, %shift_right_arithmetic3A_1372, %add3A_1758], %add3A_1607 : memref<4x4x1024xf32, #tpu.memory_space<vmem>>[vector<16xi32>, vector<16xi32>, vector<16xi32>], vector<16xf32>,
        %add3A_1759 = arith.constant 16 : i32
        %add3A_1760 = vector.broadcast %add3A_1759 : i32 to vector<16xi32>
        %add3A_1761 = arith.addi %add3A_1379, %add3A_1760 : vector<16xi32>
        tpu.vector_store_idx %arg8[%add3A_1755, %shift_right_arithmetic3A_1372, %add3A_1761], %add3A_1615 : memref<4x4x1024xf32, #tpu.memory_space<vmem>>[vector<16xi32>, vector<16xi32>, vector<16xi32>], vector<16xf32>,
        %add3A_1762 = arith.constant 32 : i32
        %add3A_1763 = vector.broadcast %add3A_1762 : i32 to vector<16xi32>
        %add3A_1764 = arith.addi %add3A_1379, %add3A_1763 : vector<16xi32>
        tpu.vector_store_idx %arg8[%add3A_1755, %shift_right_arithmetic3A_1372, %add3A_1764], %add3A_1623 : memref<4x4x1024xf32, #tpu.memory_space<vmem>>[vector<16xi32>, vector<16xi32>, vector<16xi32>], vector<16xf32>,
        %add3A_1765 = arith.constant 48 : i32
        %add3A_1766 = vector.broadcast %add3A_1765 : i32 to vector<16xi32>
        %add3A_1767 = arith.addi %add3A_1379, %add3A_1766 : vector<16xi32>
        tpu.vector_store_idx %arg8[%add3A_1755, %shift_right_arithmetic3A_1372, %add3A_1767], %add3A_1631 : memref<4x4x1024xf32, #tpu.memory_space<vmem>>[vector<16xi32>, vector<16xi32>, vector<16xi32>], vector<16xf32>,
        %add3A_1768 = arith.constant 64 : i32
        %add3A_1769 = vector.broadcast %add3A_1768 : i32 to vector<16xi32>
        %add3A_1770 = arith.addi %add3A_1379, %add3A_1769 : vector<16xi32>
        tpu.vector_store_idx %arg8[%add3A_1755, %shift_right_arithmetic3A_1372, %add3A_1770], %add3A_1639 : memref<4x4x1024xf32, #tpu.memory_space<vmem>>[vector<16xi32>, vector<16xi32>, vector<16xi32>], vector<16xf32>,
        %add3A_1771 = arith.constant 80 : i32
        %add3A_1772 = vector.broadcast %add3A_1771 : i32 to vector<16xi32>
        %add3A_1773 = arith.addi %add3A_1379, %add3A_1772 : vector<16xi32>
        tpu.vector_store_idx %arg8[%add3A_1755, %shift_right_arithmetic3A_1372, %add3A_1773], %add3A_1647 : memref<4x4x1024xf32, #tpu.memory_space<vmem>>[vector<16xi32>, vector<16xi32>, vector<16xi32>], vector<16xf32>,
        %add3A_1774 = arith.constant 96 : i32
        %add3A_1775 = vector.broadcast %add3A_1774 : i32 to vector<16xi32>
        %add3A_1776 = arith.addi %add3A_1379, %add3A_1775 : vector<16xi32>
        tpu.vector_store_idx %arg8[%add3A_1755, %shift_right_arithmetic3A_1372, %add3A_1776], %add3A_1655 : memref<4x4x1024xf32, #tpu.memory_space<vmem>>[vector<16xi32>, vector<16xi32>, vector<16xi32>], vector<16xf32>,
        %add3A_1777 = arith.constant 112 : i32
        %add3A_1778 = vector.broadcast %add3A_1777 : i32 to vector<16xi32>
        %add3A_1779 = arith.addi %add3A_1379, %add3A_1778 : vector<16xi32>
        tpu.vector_store_idx %arg8[%add3A_1755, %shift_right_arithmetic3A_1372, %add3A_1779], %add3A_1663 : memref<4x4x1024xf32, #tpu.memory_space<vmem>>[vector<16xi32>, vector<16xi32>, vector<16xi32>], vector<16xf32>,
      }
      %scan3A_94 = arith.constant 8 : i32
      "tpu.region"() ({
        %run_scoped3A = tpu.sem_alloc : memref<!tpu.dma_semaphore, #tpu.memory_space<semaphore_mem>>
        %dma_start3A_95 = arith.constant 0 : i32
        %dma_start3A_96 = arith.constant 0 : i32
        %dma_start3A_97 = tpu.memref_slice %arg5[%mul3A_8, %dma_start3A_95, %add3A, %dma_start3A_96] : memref<200x4x32x1024xf32, #tpu.memory_space<hbm>> -> memref<4x4x1x1024xf32, #tpu.memory_space<hbm>>
        %dma_start3A_98 = tpu.memref_squeeze %dma_start3A_97 : memref<4x4x1x1024xf32, #tpu.memory_space<hbm>> -> memref<4x4x1024xf32, #tpu.memory_space<hbm>>
        %dma_start3A_99 = arith.constant 0 : i32
        %dma_start3A_100 = arith.constant 0 : i32
        %dma_start3A_101 = tpu.memref_slice %arg5[%mul3A_8, %dma_start3A_99, %add3A, %dma_start3A_100] : memref<200x4x32x1024xf32, #tpu.memory_space<hbm>> -> memref<4x4x1x1024xf32, #tpu.memory_space<hbm>>
        %dma_start3A_102 = tpu.memref_squeeze %dma_start3A_101 : memref<4x4x1x1024xf32, #tpu.memory_space<hbm>> -> memref<4x4x1024xf32, #tpu.memory_space<hbm>>
        tpu.enqueue_dma source(%arg8 : memref<4x4x1024xf32, #tpu.memory_space<vmem>>) target(%dma_start3A_102 : memref<4x4x1024xf32, #tpu.memory_space<hbm>>) target_semaphore(%run_scoped3A : memref<!tpu.dma_semaphore, #tpu.memory_space<semaphore_mem>>)
        %dma_wait3A_103 = arith.constant 0 : i32
        %dma_wait3A_104 = arith.constant 0 : i32
        %dma_wait3A_105 = tpu.memref_slice %arg5[%mul3A_8, %dma_wait3A_103, %add3A, %dma_wait3A_104] : memref<200x4x32x1024xf32, #tpu.memory_space<hbm>> -> memref<4x4x1x1024xf32, #tpu.memory_space<hbm>>
        %dma_wait3A_106 = tpu.memref_squeeze %dma_wait3A_105 : memref<4x4x1x1024xf32, #tpu.memory_space<hbm>> -> memref<4x4x1024xf32, #tpu.memory_space<hbm>>
        %dma_wait3A_107 = arith.constant 0 : i32
        %dma_wait3A_108 = arith.constant 0 : i32
        %dma_wait3A_109 = tpu.memref_slice %arg5[%mul3A_8, %dma_wait3A_107, %add3A, %dma_wait3A_108] : memref<200x4x32x1024xf32, #tpu.memory_space<hbm>> -> memref<4x4x1x1024xf32, #tpu.memory_space<hbm>>
        %dma_wait3A_110 = tpu.memref_squeeze %dma_wait3A_109 : memref<4x4x1x1024xf32, #tpu.memory_space<hbm>> -> memref<4x4x1024xf32, #tpu.memory_space<hbm>>
        tpu.wait_dma2 semaphore(%run_scoped3A : memref<!tpu.dma_semaphore, #tpu.memory_space<semaphore_mem>>) src(%arg8 : memref<4x4x1024xf32, #tpu.memory_space<vmem>>) dst(%dma_wait3A_110 : memref<4x4x1024xf32, #tpu.memory_space<hbm>>)
        tpu.yield
      }) : () -> ()
    }
    %scan3A_5 = arith.constant 50 : i32
    return
  }
}

</mosaic_0001>

<sc_bundles>
// kernel: kernel.3.cloned.1.call-start
scs
__scs_entry_jumppad:
0x0: {  	(pc) =	sbr.rel $0x88, $3  }
0x1: {  	(tag) =	ssettag $0x0;
	lr =	simm.s32 $0x1  }
0x2: {  	[smem:$0x3F9F] =	sst lr;
	_ =	strace $0xD0000000  }
0x3: {  	_ = 	snop  }
0x4: {  	_ = 	snop  }
0x5: {  	_ = 	snop  }
0x6: {  	_ = 	snop  }
0x7: {  	_ = 	snop  }
__scs_overlays_trampoline_lowered:
0x8: {  	[smem:$0x3FAE] =	sst s0  }
0x9: {  	[smem:$0x3FAF] =	sst s1  }
0xa: {  	[smem:$0x3FB0] =	sst s2  }
0xb: {  	[smem:$0x3FB1] =	sst s3  }
0xc: {  	[smem:$0x3FB2] =	sst s4  }
0xd: {  	[smem:$0x3FB3] =	sst s5  }
0xe: {  	[smem:$0x3FB4] =	sst s6  }
0xf: {  	[smem:$0x3FB5] =	sst s7  }
0x10: {  	[smem:$0x3FB6] =	sst s8  }
0x11: {  	[smem:$0x3FB7] =	sst s9;
	s0 =	simm.s32 @!p0 $0x0  }
0x12: {  	s1 =	sld [smem:$0x3F9D];
	s0 =	simm.s32 @p0 $0x1  }
0x13: {  	[smem:$0x3FB8] =	sst s0;
	s0 =	simm.s32 @!p1 $0x0  }
0x14: {  	s2 =	sld [smem:$0x3F9C];
	s0 =	simm.s32 @p1 $0x1  }
0x15: {  	[smem:$0x3FB9] =	sst s0;
	s0 =	simm.s32 @!p2 $0x0  }
0x16: {  	s3 =	sld [smem:$0x3FDB];
	s0 =	simm.s32 @p2 $0x1  }
0x17: {  	s4 =	simm.s32 $0x1BF5;
	[smem:$0x3FBB] =	sst s0  }
0x18: {  	s0 =	sld [smem:$0x3F9E];
	_ =	swait.ge [sflag:s4], $0x0  }
0x19: {  	s7 =	sld [smem:$0x3F9F]  }
0x1a: {  	s8 =	sadd.s32 $0xFFFFE003, lr  }
0x1b: {  	s9 =	sadd.s32 $0xFFFFFEF7, lr;
	s5 =	simm.s32 $0xFFFFFFFF;
	p2 =	slt.u32 s8, $0xFFFFF086  }
0x1c: {  	p1 =	slt.u32 s9, $0xF7A;
	s5 =	simm.s32 @!p2 $0x0  }
0x1d: {  	s5 =	simm.s32 @p1 $0x1;
	p0 =	seq.s32 s7, s2  }
0x1e: {  	s7 =	smul.u32 @!p0 $0xF7A, s2;
	p2 =	seq.s32 @!p0 s5, $0x0  }
0x1f: {  	s9 =	smul.u32 $0xF7A, s1;
	s8 =	simm.s32 @!p0 $0x1BF5;
	p2 =	por !p2, p0  }
0x20: {  	[sflag:s8] =	ssyncset.s32 @!p0 $0xFFFFF086;
	s6 =	sadd.s32 @!p0 s3, s7;
	s7 =	simm.s32 @!p0 $0x108  }
0x21: {  	s3 =	sadd.s32 s3, s9;
	s6 =	sadd.s32 @!p0 $0x88, s6;
	s7 =	simm.s32 @p2 $0x1082  }
0x22: {  	[simem:s7], [sflag:s8] =	dma.local @!p0 [hbm:s6], $0xF7A  }
0x23: {  	s9 =	sor.u32 $0xD0000000, s2;
	s6 =	simm.s32 $0x108;
	_ =	swait.ge @!p0 [sflag:s8], $0x0  }
0x24: {  	s3 =	sadd.s32 $0x88, s3;
	s6 =	simm.s32 @!p1 $0x1082;
	[sflag:s4] =	ssyncset.s32 $0xFFFFF086  }
0x25: {  	[simem:s6], [sflag:s4] =	dma.local [hbm:s3], $0xF7A  }
0x26: {  	[smem:$0x3F9F] =	sst s1;
	(tag) =	ssettag s2;
	_ =	strace s9  }
0x27: {  	s1 =	sld [smem:$0x3FAF]  }
0x28: {  	s2 =	sld [smem:$0x3FB0]  }
0x29: {  	s4 =	sld [smem:$0x3FB2]  }
0x2a: {  	p0 =	seq.s32 s5, $0x0;
	s5 =	sld [smem:$0x3FB3]  }
0x2b: {  	s6 =	sld [smem:$0x3FB4]  }
0x2c: {  	s7 =	sld [smem:$0x3FB5]  }
0x2d: {  	s3 =	simm.s32 $0x108;
	s8 =	sld [smem:$0x3FB6]  }
0x2e: {  	s3 =	simm.s32 @!p0 $0x1082;
	s9 =	sld [smem:$0x3FB7]  }
0x2f: {  	lr =	sadd.s32 s0, s3;
	s0 =	sld [smem:$0x3FAE]  }
0x30: {  	s3 =	sld [smem:$0x3FB1]  }
0x31: {  	[smem:$0x3FBA] =	sst s10  }
0x32: {  	s10 =	sld [smem:$0x3FB8];
	_ =	sdelay $0x3  }
0x33: {  	p0 =	seq.s32 s10, $0x1;
	s10 =	sld [smem:$0x3FBA];
	_ =	sdelay $0x3  }
0x34: {  	[smem:$0x3FBA] =	sst s10  }
0x35: {  	s10 =	sld [smem:$0x3FB9];
	_ =	sdelay $0x3  }
0x36: {  	p1 =	seq.s32 s10, $0x1;
	s10 =	sld [smem:$0x3FBA];
	_ =	sdelay $0x3  }
0x37: {  	[smem:$0x3FBA] =	sst s10  }
0x38: {  	s10 =	sld [smem:$0x3FBB]  }
0x39: {  	_ = 	snop;
	(pc) =	sbr.ind lr, $3  }
0x3a: {  	_ = 	snop  }
0x3b: {  	_ = 	snop  }
0x3c: {  	p2 =	seq.s32 s10, $0x1;
	s10 =	sld [smem:$0x3FBA]  }
0x3d: {  	_ =	shalt  }
0x3e: {  	_ =	shalt  }
0x3f: {  	_ =	shalt  }
0x40: {  	_ =	shalt  }
0x41: {  	_ =	shalt  }
0x42: {  	_ =	shalt  }
0x43: {  	_ =	shalt  }
0x44: {  	_ =	shalt  }
0x45: {  	_ =	shalt  }
0x46: {  	_ =	shalt  }
0x47: {  	_ =	shalt  }
0x48: {  	_ =	shalt  }
0x49: {  	_ =	shalt  }
0x4a: {  	_ =	shalt  }
0x4b: {  	_ =	shalt  }
0x4c: {  	_ =	shalt  }
0x4d: {  	_ =	shalt  }
0x4e: {  	_ =	shalt  }
0x4f: {  	_ =	shalt  }
0x50: {  	_ =	shalt  }
0x51: {  	_ =	shalt  }
0x52: {  	_ =	shalt  }
0x53: {  	_ =	shalt  }
0x54: {  	_ =	shalt  }
0x55: {  	_ =	shalt  }
0x56: {  	_ =	shalt  }
0x57: {  	_ =	shalt  }
0x58: {  	_ =	shalt  }
0x59: {  	_ =	shalt  }
0x5a: {  	_ =	shalt  }
0x5b: {  	_ =	shalt  }
0x5c: {  	_ =	shalt  }
0x5d: {  	_ =	shalt  }
0x5e: {  	_ =	shalt  }
0x5f: {  	_ =	shalt  }
0x60: {  	_ =	shalt  }
0x61: {  	_ =	shalt  }
0x62: {  	_ =	shalt  }
0x63: {  	_ =	shalt  }
0x64: {  	_ =	shalt  }
0x65: {  	_ =	shalt  }
0x66: {  	_ =	shalt  }
0x67: {  	_ =	shalt  }
0x68: {  	_ =	shalt  }
0x69: {  	_ =	shalt  }
0x6a: {  	_ =	shalt  }
0x6b: {  	_ =	shalt  }
0x6c: {  	_ =	shalt  }
0x6d: {  	_ =	shalt  }
0x6e: {  	_ =	shalt  }
0x6f: {  	_ =	shalt  }
0x70: {  	_ =	shalt  }
0x71: {  	_ =	shalt  }
0x72: {  	_ =	shalt  }
0x73: {  	_ =	shalt  }
0x74: {  	_ =	shalt  }
0x75: {  	_ =	shalt  }
0x76: {  	_ =	shalt  }
0x77: {  	_ =	shalt  }
0x78: {  	_ =	shalt  }
0x79: {  	_ =	shalt  }
0x7a: {  	_ =	shalt  }
0x7b: {  	_ =	shalt  }
0x7c: {  	_ =	shalt  }
0x7d: {  	_ =	shalt  }
0x7e: {  	_ =	shalt  }
0x7f: {  	_ =	shalt  }
0x80: {  	_ =	shalt  }
0x81: {  	_ =	shalt  }
0x82: {  	_ =	shalt  }
0x83: {  	_ =	shalt  }
0x84: {  	_ =	shalt  }
0x85: {  	_ =	shalt  }
0x86: {  	_ =	shalt  }
0x87: {  	_ =	shalt  }
.Lfunc_end0:
.L_simem_size_0:
called_computation_lowered:
.L_overlay_start_0:
0x88: {  	s2 =	sld [smem:$0x3FD9]  }
0x89: {  	s3 =	sld [smem:$0x3FFE];
	_ =	sdelay $0x1  }
0x8a: {  	s1 =	srdreg.scid  }
0x8b: {  	s0 =	sand.u32 $0x1, s1  }
0x8c: {  	s17 =	sshll.u32 s0, $0xA;
	s2 =	sadd.s32 s3, s2  }
0x8d: {  	s2 =	sadd.s32 s2, s17  }
0x8e: {  	[smem:$0x3FC6] =	sst s2  }
0x8f: {  	_ = 	snop  }
0x90: {  	s2 =	sld [smem:$0x3FD0];
	(tm) =	ssettm $0x1  }
0x91: {  	s18 =	sld [smem:$0x3FFB];
	_ =	sdelay $0x3  }
0x92: {  	_ =	strace s18  }
0x93: {  	s3 =	sld [smem:$0x3FFC];
	_ =	sdelay $0x3  }
0x94: {  	_ =	strace s3  }
0x95: {  	s3 =	sld [smem:$0x3FFD];
	_ =	sdelay $0x3  }
0x96: {  	_ =	strace s3  }
0x97: {  	_ =	strace $0x8FFFFFFF  }
0x98: {  	s19 =	sld [smem:$0x3FDB];
	_ =	sdelay $0x1  }
0x99: {  	s4 =	simm.s32 $_scs_section_size  }
0x9a: {  	s5 =	simm.s32 $_size__tile_overlayer_lowered;
	s6 =	simm.s32 $_tile_overlayer_lowered  }
0x9b: {  	s22 =	simm.s32 $0x1BFF;
	s21 =	sshll.u32 s6, $0x1;
	s3 =	sadd.s32 s4, s19  }
0x9c: {  	s7 =	simm.s32 $0x0;
	s20 =	sshll.u32 s5, $0x1;
	s5 =	sadd.s32 s21, s3  }
0x9d: {  	[timem:s7], [sflag:s22] =	dma.local [hbm:s5], s20  }
0x9e: {  	_ =	swait.ge [sflag:s22], s20  }
0x9f: {  	s4 =	ssub.s32 $0x0, s20;
	[sflag:s22] =	ssyncset.done $0x0  }
0xa0: {  	[sflag:s22] =	ssyncadd.s32 s4;
	_ =	sdelay $0x1  }
0xa1: {  	s23 =	simm.s32 $0x1B8B  }
0xa2: {  	_ =	swait.ge [sflag:s23], $0x1  }
0xa3: {  	[sflag:s23] =	ssyncset.done $0x0  }
0xa4: {  	s25 =	simm.s32 $0x1B8E;
	s24 =	sld [smem:$0x3FFE];
	[sflag:s23] =	ssyncadd.s32 $0xFFFFFFFF  }
0xa5: {  	s26 =	simm.s32 $execute0_lowered;
	[smem:$0x3FD2] =	sst s25  }
0xa6: {  	s5 =	sshll.u32 s26, $0x1;
	_ =	strace $0x80000046;
	[dreg:$0x1] =	wrdreg $0xFFFFFFFF  }
0xa7: {  	s28 =	simm.s32 $_size_execute0_lowered;
	s3 =	sadd.s32 s3, s5;
	[dreg:$0x0] =	wrdreg $0x0  }
0xa8: {  	s5 =	sshll.u32 s28, $0x1;
	[dreg:$0x2] =	wrdreg s3  }
0xa9: {  	[dreg:$0x3] =	wrdreg s5  }
0xaa: {  	[dreg:$0x4] =	wrdreg $0xC0  }
0xab: {  	_ =	task [dreg:s7], $0x5FFFF  }
0xac: {  	[dreg:$0x1] =	wrdreg $0xFFFFFFFF  }
0xad: {  	[dreg:$0x0] =	wrdreg $0x60  }
0xae: {  	[dreg:$0x2] =	wrdreg s24  }
0xaf: {  	[dreg:$0x3] =	wrdreg s2  }
0xb0: {  	[dreg:$0x4] =	wrdreg $0x9  }
0xb1: {  	_ =	task.clear_ibuf [dreg:s7], $0x5FFFF;
	_ =	strace $0x90000046  }
0xb2: {  	s29 =	simm.s32 $0x9;
	_ =	strace $0x80000048  }
0xb3: {  	_ =	swait.ge [sflag:s29], $0x1  }
0xb4: {  	[sflag:s29] =	ssyncadd.s32 $0xFFFFFFFF  }
0xb5: {  	_ =	strace $0x90000048  }
0xb6: {  	_ =	sfence  }
0xb7: {  	s30 =	sld [smem:$0x0];
	_ =	sdelay $0x2  }
0xb8: {  	s31 =	sshll.u32 s1, $0xD;
	s1 =	sshrl.u32 s1, $0x2  }
0xb9: {  	s3 =	sand.u32 $0x4000, s31;
	s1 =	sadd.s32 s1, s30  }
0xba: {  	s0 =	sor.u32 s3, s0;
	s1 =	sshll.u32 s1, $0x11  }
0xbb: {  	s0 =	sor.u32 s1, s0  }
0xbc: {  	s0 =	sadd.s32 $0x8F2B, s0  }
0xbd: {  	[sflag:s0] =	ssyncadd.remote.s32 $0x1  }
0xbe: {  	_ =	sfence.sel $0xFFFF  }
0xbf: {  	[dreg:$0x0] =	wrdreg $0xFFFFFFFF;
	(pc) =	sbr.abs _section_cstart, $3  }
0xc0: {  	[dreg:$0x1] =	wrdreg $0xFFFFFFFF  }
0xc1: {  	_ =	task.clear_ibuf [dreg:s7], $0x2FFFF;
	_ =	strace $0x9FFFFFFF  }
0xc2: {  	(tm) =	ssettm $0x7FFFFFFF  }
0xc3: {  	_ =	shalt  }
tec
execute0_lowered:
.L_overlay_start_1:
0x0: {  	(tag) =	ssettag $0x1  }
0x1: {  	s4 =	rddreg [dreg:$0x0]  }
0x2: {  	v35 =	vlaneseq.u32;
	s6 =	rddreg [dreg:$0x1];
	s2 =	simm.s32 $0x0  }
0x3: {  	[smem:$0x7FF] =	sst s2;
	v26 =	vand.u32 $0x7, v35  }
0x4: {  	s0 =	rddreg [dreg:$0x2];
	v27 =	vor.u32 $0x10, v35;
	_ =	strace $0x80000047;
	[tilespmem:$0x1FF10] =	vst v26  }
0x5: {  	v28 =	vor.u32 $0x20, v35;
	[tilespmem:$0x1FF20] =	vst v27  }
0x6: {  	v29 =	vor.u32 $0x30, v35;
	[tilespmem:$0x1FF30] =	vst v28  }
0x7: {  	v0 =	vmul.u32 $0x20, v35;
	v55 =	vor.u32 $0x70, v35;
	[tilespmem:$0x1FF40] =	vst v29  }
0x8: {  	[tilespmem:$0x1FF80] =	vst v55  }
0x9: {  	v57 =	vor.u32 $0x1000, v26;
	[tilespmem:$0x1FDD0] =	vst v0  }
0xa: {  	v53 =	vor.u32 $0x2000, v26;
	[tilespmem:$0x1FF90] =	vst v57  }
0xb: {  	v51 =	vor.u32 $0x3000, v26;
	[tilespmem:$0x1FFA0] =	vst v53  }
0xc: {  	v1 =	vor.u32 $0x200, v0;
	[tilespmem:$0x1FFB0] =	vst v51  }
0xd: {  	v2 =	vor.u32 $0x400, v0;
	[tilespmem:$0x1FDE0] =	vst v1  }
0xe: {  	v3 =	vor.u32 $0x600, v0;
	[tilespmem:$0x1FDF0] =	vst v2  }
0xf: {  	v4 =	vor.u32 $0x800, v0;
	[tilespmem:$0x1FE00] =	vst v3  }
0x10: {  	v9 =	vor.u32 $0xA00, v0;
	[tilespmem:$0x1FE10] =	vst v4  }
0x11: {  	v11 =	vor.u32 $0xC00, v0;
	[tilespmem:$0x1FE20] =	vst v9  }
0x12: {  	v12 =	vor.u32 $0xE00, v0;
	[tilespmem:$0x1FE30] =	vst v11  }
0x13: {  	v14 =	vor.u32 $0x1000, v0;
	[tilespmem:$0x1FE40] =	vst v12  }
0x14: {  	v15 =	vor.u32 $0x2C00, v0;
	[tilespmem:$0x1FE50] =	vst v14  }
0x15: {  	v16 =	vor.u32 $0x2E00, v0;
	[tilespmem:$0x1FE60] =	vst v15  }
0x16: {  	v17 =	vor.u32 $0x3000, v0;
	[tilespmem:$0x1FE70] =	vst v16  }
0x17: {  	v18 =	vor.u32 $0x3200, v0;
	[tilespmem:$0x1FE80] =	vst v17  }
0x18: {  	v19 =	vor.u32 $0x3400, v0;
	[tilespmem:$0x1FE90] =	vst v18  }
0x19: {  	v20 =	vor.u32 $0x3600, v0;
	[tilespmem:$0x1FEA0] =	vst v19  }
0x1a: {  	v21 =	vor.u32 $0x3800, v0;
	[tilespmem:$0x1FEB0] =	vst v20  }
0x1b: {  	v22 =	vor.u32 $0x3A00, v0;
	[tilespmem:$0x1FEC0] =	vst v21  }
0x1c: {  	s3 =	srdreg.scid;
	v33 =	vshrl.u32 v35, $0x3;
	v23 =	vor.u32 $0x3C00, v0;
	[tilespmem:$0x1FED0] =	vst v22  }
0x1d: {  	s1 =	stileid.u32;
	s10 =	simm.s32 $0x80;
	s11 =	simm.s32 $0x1000;
	v25 =	vmul.u32 $0x8, v33;
	v24 =	vor.u32 $0x3E00, v0;
	[tilespmem:$0x1FEE0] =	vst v23  }
0x1e: {  	s12 =	simm.s32 $0x200;
	s13 =	simm.s32 $0x1200;
	s14 =	simm.s32 $0x100;
	[tilespmem:$0x1FEF0] =	vst v24  }
0x1f: {  	s15 =	simm.s32 $0x2200;
	s16 =	simm.s32 $0x180;
	s17 =	simm.s32 $0x3200;
	v31 =	vor.u32 $0x1200, v0;
	[tilespmem:$0x1FF00] =	vst v25  }
0x20: {  	s18 =	simm.s32 $0x1;
	s19 =	simm.s32 $0x4200;
	s20 =	simm.s32 $0x400;
	v32 =	vor.u32 $0x1400, v0;
	[tilespmem:$0x1FF50] =	vst v31  }
0x21: {  	s21 =	simm.s32 $0x8000;
	s3 =	sand.u32 $0x1, s3;
	s5 =	sshll.u32 s1, $0x1;
	v34 =	vor.u32 $0x1600, v0;
	[tilespmem:$0x1FF60] =	vst v32  }
0x22: {  	s22 =	simm.s32 $0x0;
	s5 =	sor.u32 s3, s5;
	s8 =	ssub.s32 $0x2, s3;
	v36 =	vor.u32 $0x1A00, v0;
	[tilespmem:$0x1FF70] =	vst v34  }
0x23: {  	v37 =	vor.u32 $0x40, v35;
	v38 =	vor.u32 $0x50, v35;
	s3 =	sadd.s32 $0x19600, s4;
	v40 =	vor.u32 $0x1800, v0;
	s7 =	sshll.u32 s5, $0x4;
	s9 =	sshrl.u32 s8, $0x1;
	[tilespmem:$0x1FFC0] =	vst v36  }
0x24: {  	v39 =	vor.u32 $0x60, v35;
	v5 =	vor.u32 $0x1C00, v0;
	v6 =	vor.u32 $0x1E00, v0;
	s31 =	sshll.u32 s5, $0x7;
	s7 =	sadd.s32 s7, s4;
	s4 =	sadd.s32 $0x7B200, s4;
	[tilespmem:$0x1FFD0] =	vst v40  }
0x25: {  	v48 =	vor.u32 $0x2000, v0;
	v46 =	vor.u32 $0x2200, v0;
	v47 =	vor.u32 $0x2400, v0;
	s8 =	ssub.s32 s8, s9;
	s6 =	sadd.s32 s6, s31;
	s9 =	simm.s32 $0x2;
	[tilespmem:$0x1FFE0] =	vst v5  }
0x26: {  	v45 =	vor.u32 $0x2600, v0;
	v43 =	vor.u32 $0x2800, v0;
	v13 =	vor.u32 $0x2A00, v0;
	[tilespmem:$0x1FFF0] =	vst v6;
	s5 =	sadd.s32 $0x600, s7;
	s7 =	smax.u32 s8, $0x1;
	s8 =	simm.s32 $0x8200  }
.LBB2_1:
0x27: {  	[tilespmem:s8], [sflag:$0x2] =	stream.linear.gather [hbm4b:s4+s2], $0x1900, $0x38;
	[tilespmem:$0x9B00] =	vst v63  }
0x28: {  	_ =	swait.ge [sflag:s9], $0x1900  }
0x29: {  	[sflag:s9] =	ssyncset.done $0x0  }
0x2a: {  	s23 =	simm.s32 $0x0;
	[sflag:s9] =	ssyncadd.s32 $0xFFFFE700  }
.LBB2_2:
0x2b: {  	s24 =	sshll.u32 s23, $0xB  }
0x2c: {  	s25 =	sadd.s32 s24, s5;
	s24 =	simm.s32 $0x0  }
0x2d: {  	[tilespmem:s24], [sflag:$0x2] =	stream.strided.gather [hbm4b:s25+s10], $0x200, s11, s10, $0x38;
	[tilespmem:$0x9B00] =	vst v63  }
0x2e: {  	_ =	swait.ge [sflag:s9], $0x200  }
0x2f: {  	[sflag:s9] =	ssyncset.done $0x0  }
0x30: {  	[sflag:s9] =	ssyncadd.s32 $0xFFFFFE00  }
0x31: {  	[tilespmem:s12], [sflag:$0x1] =	stream.indirect.gather [hbm4b:s3+s10], $0x20, s24, s10, $0xb8;
	[tilespmem:$0x9B00] =	vst v63  }
0x32: {  	_ = 	snop  }
0x33: {  	[tilespmem:s13], [sflag:$0x1] =	stream.indirect.gather [hbm4b:s3+s10], $0x20, s10, s10, $0xb8;
	[tilespmem:$0x9B00] =	vst v63  }
0x34: {  	_ = 	snop  }
0x35: {  	[tilespmem:s15], [sflag:$0x1] =	stream.indirect.gather [hbm4b:s3+s10], $0x20, s14, s10, $0xb8;
	[tilespmem:$0x9B00] =	vst v63  }
0x36: {  	_ = 	snop  }
0x37: {  	[tilespmem:s17], [sflag:$0x1] =	stream.indirect.gather [hbm4b:s3+s10], $0x20, s16, s10, $0xb8;
	[tilespmem:$0x9B00] =	vst v63  }
0x38: {  	_ =	swait.ge [sflag:s18], $0x1000  }
0x39: {  	[sflag:s18] =	ssyncset.done $0x0  }
0x3a: {  	[sflag:s18] =	ssyncadd.s32 $0xFFFFF000  }
0x3b: {  	_ =	swait.ge [sflag:s18], $0x1000  }
0x3c: {  	[sflag:s18] =	ssyncset.done $0x0  }
0x3d: {  	[sflag:s18] =	ssyncadd.s32 $0xFFFFF000  }
0x3e: {  	_ =	swait.ge [sflag:s18], $0x1000  }
0x3f: {  	[sflag:s18] =	ssyncset.done $0x0  }
0x40: {  	s31 =	sshll.u32 s23, $0x7;
	[sflag:s18] =	ssyncadd.s32 $0xFFFFF000  }
0x41: {  	v33 =	vmov s31;
	s26 =	sor.u32 $0x20, s31;
	_ =	swait.ge [sflag:s18], $0x1000  }
0x42: {  	s28 =	sor.u32 $0x40, s31;
	v61 =	vmov s26;
	[tilespmem:$0x1FD90] =	vst v33  }
0x43: {  	s25 =	sor.u32 $0x60, s31;
	v62 =	vmov s28;
	[tilespmem:$0x1FDA0] =	vst v61  }
0x44: {  	v63 =	vmov s25;
	[sflag:s18] =	ssyncset.done $0x0;
	[tilespmem:$0x1FDB0] =	vst v62  }
0x45: {  	[tilespmem:$0x1FDC0] =	vst v63;
	[sflag:s18] =	ssyncadd.s32 $0xFFFFF000  }
.LBB2_3:
0x46: {  	v40 =	vld [tilespmem:$0x1FD90]  }
0x47: {  	v41 =	vld [tilespmem:$0x1FDA0]  }
0x48: {  	v42 =	vld [tilespmem:$0x1FDB0]  }
0x49: {  	v44 =	vld [tilespmem:$0x1FDC0]  }
0x4a: {  	v52 =	vadd.s32 s24, v35;
	v5 =	vld [tilespmem:$0x1FFE0]  }
0x4b: {  	v6 =	vld [tilespmem:$0x1FFF0];
	v53 =	vand.u32 $0x1F, v52  }
0x4c: {  	v7 =	vor.u32 v48, v53;
	v56 =	vor.u32 v0, v53;
	v0 =	vld [tilespmem:$0x1FF50]  }
0x4d: {  	v8 =	vor.u32 v46, v53;
	v58 =	vor.u32 v1, v53;
	v1 =	vld [tilespmem:$0x1FF60]  }
0x4e: {  	v10 =	vor.u32 v45, v53;
	v59 =	vor.u32 v2, v53;
	v2 =	vld [tilespmem:$0x1FF70]  }
0x4f: {  	v36 =	vmov v13;
	v13 =	vor.u32 v13, v53;
	v32 =	vor.u32 v3, v53;
	v3 =	vld [tilespmem:$0x1FFD0]  }
0x50: {  	v33 =	vor.u32 v4, v53;
	v4 =	vld [tilespmem:$0x1FFC0]  }
0x51: {  	v7 =	vld.idx.msk [tilespmem:v7+s12+$0x0], $0xffff  }
0x52: {  	v8 =	vld.idx.msk [tilespmem:v8+s12+$0x0], $0xffff  }
0x53: {  	v60 =	vor.u32 v9, v53;
	v10 =	vld.idx.msk [tilespmem:v10+s12+$0x0], $0xffff  }
0x54: {  	v61 =	vor.u32 v11, v53;
	v13 =	vld.idx.msk [tilespmem:v13+s12+$0x0], $0xffff  }
0x55: {  	v62 =	vor.u32 v12, v53;
	v56 =	vld.idx.msk [tilespmem:v56+s12+$0x0], $0xffff  }
0x56: {  	v63 =	vor.u32 v14, v53;
	v58 =	vld.idx.msk [tilespmem:v58+s12+$0x0], $0xffff  }
0x57: {  	v9 =	vor.u32 v47, v53;
	v59 =	vld.idx.msk [tilespmem:v59+s12+$0x0], $0xffff  }
0x58: {  	v11 =	vor.u32 v43, v53;
	v60 =	vld.idx.msk [tilespmem:v60+s12+$0x0], $0xffff  }
0x59: {  	v14 =	vor.u32 v15, v53;
	v61 =	vld.idx.msk [tilespmem:v61+s12+$0x0], $0xffff  }
0x5a: {  	v15 =	vor.u32 v16, v53;
	v62 =	vld.idx.msk [tilespmem:v62+s12+$0x0], $0xffff  }
0x5b: {  	v16 =	vor.u32 v17, v53;
	v63 =	vld.idx.msk [tilespmem:v63+s12+$0x0], $0xffff  }
0x5c: {  	v17 =	vor.u32 v18, v53;
	v9 =	vld.idx.msk [tilespmem:v9+s12+$0x0], $0xffff  }
0x5d: {  	v18 =	vor.u32 v19, v53;
	v11 =	vld.idx.msk [tilespmem:v11+s12+$0x0], $0xffff  }
0x5e: {  	v19 =	vor.u32 v20, v53;
	v14 =	vld.idx.msk [tilespmem:v14+s12+$0x0], $0xffff  }
0x5f: {  	v20 =	vor.u32 v21, v53;
	v15 =	vld.idx.msk [tilespmem:v15+s12+$0x0], $0xffff  }
0x60: {  	v21 =	vor.u32 v23, v53;
	v16 =	vld.idx.msk [tilespmem:v16+s12+$0x0], $0xffff  }
0x61: {  	v49 =	vor.u32 v40, v53;
	v17 =	vld.idx.msk [tilespmem:v17+s12+$0x0], $0xffff  }
0x62: {  	v50 =	vor.u32 v41, v53;
	v18 =	vld.idx.msk [tilespmem:v18+s12+$0x0], $0xffff  }
0x63: {  	v54 =	vor.u32 v42, v53;
	v19 =	vld.idx.msk [tilespmem:v19+s12+$0x0], $0xffff  }
0x64: {  	v55 =	vor.u32 v44, v53;
	v20 =	vld.idx.msk [tilespmem:v20+s12+$0x0], $0xffff  }
0x65: {  	v21 =	vld.idx.msk [tilespmem:v21+s12+$0x0], $0xffff  }
0x66: {  	v52 =	vshll.u32 v52, $0x7;
	v57 =	vld.idx.msk [tilespmem:v49+s8+$0x0], $0xffff  }
0x67: {  	v12 =	vand.u32 $0x380, v52;
	v5 =	vor.u32 v5, v53;
	v51 =	vld.idx.msk [tilespmem:v50+s8+$0x0], $0xffff  }
0x68: {  	v34 =	vor.u32 v22, v53;
	v22 =	vand.u32 $0xC00, v52;
	v6 =	vor.u32 v6, v53;
	v50 =	vld.idx.msk [tilespmem:v54+s8+$0x0], $0xffff  }
0x69: {  	v12 =	vor.u32 v25, v12;
	v23 =	vor.u32 v26, v22;
	v0 =	vor.u32 v0, v53;
	v49 =	vld.idx.msk [tilespmem:v55+s8+$0x0], $0xffff  }
0x6a: {  	v26 =	vor.u32 v28, v52;
	v28 =	vor.u32 v29, v52;
	v1 =	vor.u32 v1, v53;
	v54 =	vld.idx.msk [tilespmem:v32+s12+$0x0], $0xffff  }
0x6b: {  	v25 =	vor.u32 v12, v23;
	v26 =	vand.u32 $0x3A8, v26;
	v2 =	vor.u32 v2, v53;
	v55 =	vld.idx.msk [tilespmem:v33+s12+$0x0], $0xffff  }
0x6c: {  	v29 =	vor.u32 v26, v23;
	v3 =	vor.u32 v3, v53;
	v4 =	vor.u32 v4, v53;
	v5 =	vld.idx.msk [tilespmem:v5+s12+$0x0], $0xffff  }
0x6d: {  	v53 =	vor.u32 v24, v53;
	v24 =	vor.u32 v27, v52;
	v6 =	vld.idx.msk [tilespmem:v6+s12+$0x0], $0xffff;
	v56 =	vmul.f32 $5.656854150e+00, v56  }
0x6e: {  	v24 =	vand.u32 $0x398, v24;
	v0 =	vld.idx.msk [tilespmem:v0+s12+$0x0], $0xffff;
	v58 =	vmul.f32 $5.656854150e+00, v58;
	v59 =	vmul.f32 $5.656854150e+00, v59  }
0x6f: {  	v27 =	vor.u32 v24, v23;
	v1 =	vld.idx.msk [tilespmem:v1+s12+$0x0], $0xffff;
	v60 =	vmul.f32 $5.656854150e+00, v60;
	v61 =	vmul.f32 $5.656854150e+00, v61  }
0x70: {  	v2 =	vld.idx.msk [tilespmem:v2+s12+$0x0], $0xffff;
	v62 =	vmul.f32 $5.656854150e+00, v62;
	v54 =	vmul.f32 $5.656854150e+00, v54;
	v56 =	vadd.f32 v56, v57  }
0x71: {  	v3 =	vld.idx.msk [tilespmem:v3+s12+$0x0], $0xffff;
	v55 =	vmul.f32 $5.656854150e+00, v55;
	v58 =	vadd.f32 v58, v57;
	v59 =	vadd.f32 v59, v57  }
0x72: {  	v4 =	vld.idx.msk [tilespmem:v4+s12+$0x0], $0xffff;
	v63 =	vmul.f32 $5.656854150e+00, v63;
	v60 =	vadd.f32 v60, v57;
	v61 =	vadd.f32 v61, v57  }
0x73: {  	v53 =	vld.idx.msk [tilespmem:v53+s12+$0x0], $0xffff;
	v54 =	vadd.f32 v54, v57;
	v55 =	vadd.f32 v55, v57  }
0x74: {  	v57 =	vadd.f32 v62, v57;
	v62 =	vadd.f32 v63, v51;
	v63 =	vld.idx.msk [tilespmem:v34+s12+$0x0], $0xffff  }
0x75: {  	[tilespmem:v25+s19+$0x0] =	vst.idx.msk $0xffff, v56;
	v56 =	vld [tilespmem:$0x1FF80]  }
0x76: {  	[tilespmem:v27+s19+$0x0] =	vst.idx.msk $0xffff, v58  }
0x77: {  	v30 =	vor.u32 v37, v52;
	v28 =	vand.u32 $0x3B8, v28;
	[tilespmem:v29+s19+$0x0] =	vst.idx.msk $0xffff, v59;
	v29 =	vld [tilespmem:$0x1FF90]  }
0x78: {  	v30 =	vand.u32 $0x3C8, v30;
	v31 =	vor.u32 v28, v23;
	v32 =	vor.u32 v38, v52  }
0x79: {  	v33 =	vor.u32 v30, v23;
	v32 =	vand.u32 $0x3D8, v32;
	v34 =	vor.u32 v39, v52  }
0x7a: {  	v25 =	vor.u32 v32, v23;
	v34 =	vand.u32 $0x3E8, v34;
	v52 =	vor.u32 v56, v52  }
0x7b: {  	v27 =	vor.u32 v34, v23;
	v52 =	vand.u32 $0x3F8, v52  }
0x7c: {  	v23 =	vor.u32 v52, v23;
	v29 =	vor.u32 v29, v22  }
0x7d: {  	[tilespmem:v31+s19+$0x0] =	vst.idx.msk $0xffff, v54;
	v31 =	vor.u32 v12, v29  }
0x7e: {  	[tilespmem:v33+s19+$0x0] =	vst.idx.msk $0xffff, v55;
	v54 =	vor.u32 v24, v29  }
0x7f: {  	v0 =	vmul.f32 $5.656854150e+00, v0;
	[tilespmem:v25+s19+$0x0] =	vst.idx.msk $0xffff, v60;
	v25 =	vor.u32 v26, v29  }
0x80: {  	v1 =	vmul.f32 $5.656854150e+00, v1;
	[tilespmem:v27+s19+$0x0] =	vst.idx.msk $0xffff, v61  }
0x81: {  	v0 =	vadd.f32 v0, v51;
	[tilespmem:v23+s19+$0x0] =	vst.idx.msk $0xffff, v57  }
0x82: {  	v1 =	vadd.f32 v1, v51;
	[tilespmem:v31+s19+$0x0] =	vst.idx.msk $0xffff, v62  }
0x83: {  	[tilespmem:v54+s19+$0x0] =	vst.idx.msk $0xffff, v0  }
0x84: {  	[tilespmem:v25+s19+$0x0] =	vst.idx.msk $0xffff, v1;
	v25 =	vld [tilespmem:$0x1FFA0]  }
0x85: {  	v27 =	vor.u32 v28, v29  }
0x86: {  	v2 =	vmul.f32 $5.656854150e+00, v2;
	v23 =	vor.u32 v30, v29  }
0x87: {  	v5 =	vmul.f32 $5.656854150e+00, v5;
	v3 =	vmul.f32 $5.656854150e+00, v3;
	v31 =	vor.u32 v32, v29  }
0x88: {  	v4 =	vmul.f32 $5.656854150e+00, v4;
	v2 =	vadd.f32 v2, v51;
	v0 =	vor.u32 v34, v29  }
0x89: {  	v58 =	vld [tilespmem:$0x1FF00];
	v3 =	vadd.f32 v3, v51;
	v1 =	vor.u32 v52, v29;
	v25 =	vor.u32 v25, v22  }
0x8a: {  	v6 =	vmul.f32 $5.656854150e+00, v6;
	v59 =	vld [tilespmem:$0x1FF10];
	v4 =	vadd.f32 v4, v51;
	[tilespmem:v27+s19+$0x0] =	vst.idx.msk $0xffff, v2;
	v2 =	vor.u32 v12, v25  }
0x8b: {  	v7 =	vmul.f32 $5.656854150e+00, v7;
	v5 =	vadd.f32 v5, v51;
	v55 =	vld [tilespmem:$0x1FEC0];
	[tilespmem:v23+s19+$0x0] =	vst.idx.msk $0xffff, v3;
	v3 =	vor.u32 v24, v25  }
0x8c: {  	v8 =	vmul.f32 $5.656854150e+00, v8;
	v6 =	vadd.f32 v6, v51;
	v56 =	vld [tilespmem:$0x1FEE0];
	[tilespmem:v31+s19+$0x0] =	vst.idx.msk $0xffff, v4;
	v4 =	vor.u32 v26, v25  }
0x8d: {  	v9 =	vmul.f32 $5.656854150e+00, v9;
	v7 =	vadd.f32 v7, v50;
	v60 =	vld [tilespmem:$0x1FF20];
	[tilespmem:v0+s19+$0x0] =	vst.idx.msk $0xffff, v5  }
0x8e: {  	v8 =	vadd.f32 v8, v50;
	v61 =	vld [tilespmem:$0x1FF30];
	[tilespmem:v1+s19+$0x0] =	vst.idx.msk $0xffff, v6  }
0x8f: {  	v9 =	vadd.f32 v9, v50;
	v57 =	vld [tilespmem:$0x1FEF0];
	[tilespmem:v2+s19+$0x0] =	vst.idx.msk $0xffff, v7  }
0x90: {  	v62 =	vld [tilespmem:$0x1FF40];
	[tilespmem:v3+s19+$0x0] =	vst.idx.msk $0xffff, v8  }
0x91: {  	v11 =	vmul.f32 $5.656854150e+00, v11;
	[tilespmem:v4+s19+$0x0] =	vst.idx.msk $0xffff, v9;
	v9 =	vld [tilespmem:$0x1FFB0]  }
0x92: {  	v10 =	vmul.f32 $5.656854150e+00, v10;
	v13 =	vmul.f32 $5.656854150e+00, v13;
	v29 =	vld [tilespmem:$0x1FE90];
	v0 =	vor.u32 v28, v25  }
0x93: {  	v27 =	vld [tilespmem:$0x1FE70];
	v5 =	vadd.f32 v11, v50;
	v11 =	vmul.f32 $5.656854150e+00, v14;
	v1 =	vor.u32 v30, v25  }
0x94: {  	v10 =	vadd.f32 v10, v50;
	v31 =	vld [tilespmem:$0x1FEB0];
	v6 =	vadd.f32 v13, v50;
	v2 =	vor.u32 v32, v25  }
0x95: {  	v14 =	vld [tilespmem:$0x1FF70];
	v13 =	vmul.f32 $5.656854150e+00, v17;
	v7 =	vadd.f32 v11, v50;
	v3 =	vor.u32 v34, v25  }
0x96: {  	v17 =	vld [tilespmem:$0x1FFE0];
	v11 =	vmul.f32 $5.656854150e+00, v15;
	v4 =	vor.u32 v52, v25;
	v9 =	vor.u32 v9, v22  }
0x97: {  	v15 =	vld [tilespmem:$0x1FFD0];
	v8 =	vmul.f32 $5.656854150e+00, v16;
	[tilespmem:v0+s19+$0x0] =	vst.idx.msk $0xffff, v10;
	v0 =	vor.u32 v12, v9  }
0x98: {  	v16 =	vld [tilespmem:$0x1FFC0];
	v11 =	vadd.f32 v11, v50;
	[tilespmem:v1+s19+$0x0] =	vst.idx.msk $0xffff, v5;
	v1 =	vor.u32 v24, v9  }
0x99: {  	v8 =	vadd.f32 v8, v49;
	v10 =	vmul.f32 $5.656854150e+00, v18;
	v18 =	vld [tilespmem:$0x1FFF0];
	[tilespmem:v2+s19+$0x0] =	vst.idx.msk $0xffff, v6;
	v2 =	vor.u32 v26, v9  }
0x9a: {  	v5 =	vadd.f32 v13, v49;
	v13 =	vld [tilespmem:$0x1FF60];
	[tilespmem:v3+s19+$0x0] =	vst.idx.msk $0xffff, v7;
	v12 =	vmul.f32 $5.656854150e+00, v19;
	v3 =	vor.u32 v28, v9  }
0x9b: {  	v6 =	vadd.f32 v10, v49;
	v10 =	vmul.f32 $5.656854150e+00, v20;
	[tilespmem:v4+s19+$0x0] =	vst.idx.msk $0xffff, v11;
	v4 =	vor.u32 v30, v9;
	v26 =	vld [tilespmem:$0x1FE60]  }
0x9c: {  	s25 =	sadd.s32 $0x1, s24;
	v11 =	vmul.f32 $5.656854150e+00, v21;
	v7 =	vadd.f32 v12, v49;
	v12 =	vld [tilespmem:$0x1FF50];
	[tilespmem:v0+s19+$0x0] =	vst.idx.msk $0xffff, v8;
	v0 =	vor.u32 v32, v9  }
0x9d: {  	v28 =	vld [tilespmem:$0x1FE80];
	v8 =	vmul.f32 $5.656854150e+00, v63;
	[tilespmem:v1+s19+$0x0] =	vst.idx.msk $0xffff, v5;
	v1 =	vor.u32 v34, v9;
	v5 =	vadd.s32 s25, v35  }
0x9e: {  	v10 =	vadd.f32 v10, v49;
	v30 =	vld [tilespmem:$0x1FEA0];
	[tilespmem:v2+s19+$0x0] =	vst.idx.msk $0xffff, v6;
	v2 =	vor.u32 v52, v9;
	v6 =	vand.u32 $0x1F, v5  }
0x9f: {  	v8 =	vadd.f32 v8, v49;
	v9 =	vmul.f32 $5.656854150e+00, v53;
	[tilespmem:v3+s19+$0x0] =	vst.idx.msk $0xffff, v7;
	v7 =	vadd.f32 v11, v49;
	v11 =	vld [tilespmem:$0x1FE50]  }
0xa0: {  	v3 =	vor.u32 v40, v6;
	[tilespmem:v4+s19+$0x0] =	vst.idx.msk $0xffff, v10;
	v10 =	vld [tilespmem:$0x1FE40]  }
0xa1: {  	v12 =	vor.u32 v12, v6;
	v9 =	vadd.f32 v9, v49;
	[tilespmem:v0+s19+$0x0] =	vst.idx.msk $0xffff, v8;
	v8 =	vld [tilespmem:$0x1FE20]  }
0xa2: {  	v13 =	vor.u32 v13, v6;
	[tilespmem:v1+s19+$0x0] =	vst.idx.msk $0xffff, v7;
	v7 =	vld [tilespmem:$0x1FDE0]  }
0xa3: {  	v14 =	vor.u32 v14, v6;
	[tilespmem:v2+s19+$0x0] =	vst.idx.msk $0xffff, v9;
	v2 =	vld [tilespmem:$0x1FDD0]  }
0xa4: {  	v4 =	vor.u32 v41, v6;
	v9 =	vld [tilespmem:$0x1FE30]  }
0xa5: {  	v3 =	vld.idx.msk [tilespmem:v3+s8+$0x0], $0xffff  }
0xa6: {  	v0 =	vor.u32 v42, v6;
	v12 =	vld.idx.msk [tilespmem:v12+s12+$0x0], $0xffff  }
0xa7: {  	v13 =	vld.idx.msk [tilespmem:v13+s12+$0x0], $0xffff  }
0xa8: {  	v1 =	vor.u32 v44, v6;
	v14 =	vld.idx.msk [tilespmem:v14+s12+$0x0], $0xffff  }
0xa9: {  	v51 =	vld.idx.msk [tilespmem:v4+s8+$0x0], $0xffff  }
0xaa: {  	v15 =	vor.u32 v15, v6;
	v4 =	vld [tilespmem:$0x1FDF0]  }
0xab: {  	v16 =	vor.u32 v16, v6;
	v50 =	vld.idx.msk [tilespmem:v0+s8+$0x0], $0xffff  }
0xac: {  	v11 =	vor.u32 v11, v6;
	v0 =	vld [tilespmem:$0x1FE00]  }
0xad: {  	v8 =	vor.u32 v8, v6;
	v49 =	vld.idx.msk [tilespmem:v1+s8+$0x0], $0xffff  }
0xae: {  	v7 =	vor.u32 v7, v6;
	v1 =	vld [tilespmem:$0x1FE10]  }
0xaf: {  	v15 =	vld.idx.msk [tilespmem:v15+s12+$0x0], $0xffff;
	v2 =	vor.u32 v2, v6  }
0xb0: {  	v16 =	vld.idx.msk [tilespmem:v16+s12+$0x0], $0xffff;
	v9 =	vor.u32 v9, v6  }
0xb1: {  	v11 =	vld.idx.msk [tilespmem:v11+s12+$0x0], $0xffff;
	v4 =	vor.u32 v4, v6  }
0xb2: {  	v0 =	vor.u32 v0, v6;
	v8 =	vld.idx.msk [tilespmem:v8+s12+$0x0], $0xffff  }
0xb3: {  	v1 =	vor.u32 v1, v6;
	v7 =	vld.idx.msk [tilespmem:v7+s12+$0x0], $0xffff  }
0xb4: {  	v10 =	vor.u32 v10, v6;
	v2 =	vld.idx.msk [tilespmem:v2+s12+$0x0], $0xffff  }
0xb5: {  	v17 =	vor.u32 v17, v6;
	v9 =	vld.idx.msk [tilespmem:v9+s12+$0x0], $0xffff  }
0xb6: {  	v18 =	vor.u32 v18, v6;
	v4 =	vld.idx.msk [tilespmem:v4+s12+$0x0], $0xffff  }
0xb7: {  	v19 =	vor.u32 v48, v6;
	v0 =	vld.idx.msk [tilespmem:v0+s12+$0x0], $0xffff  }
0xb8: {  	v20 =	vor.u32 v46, v6;
	v21 =	vor.u32 v47, v6;
	v1 =	vld.idx.msk [tilespmem:v1+s12+$0x0], $0xffff  }
0xb9: {  	v22 =	vor.u32 v45, v6;
	v23 =	vor.u32 v43, v6;
	v10 =	vld.idx.msk [tilespmem:v10+s12+$0x0], $0xffff;
	v11 =	vmul.f32 $5.656854150e+00, v11  }
0xba: {  	v25 =	vor.u32 v36, v6;
	v17 =	vld.idx.msk [tilespmem:v17+s12+$0x0], $0xffff;
	v8 =	vmul.f32 $5.656854150e+00, v8;
	v7 =	vmul.f32 $5.656854150e+00, v7  }
0xbb: {  	v28 =	vor.u32 v28, v6;
	v18 =	vld.idx.msk [tilespmem:v18+s12+$0x0], $0xffff;
	v2 =	vmul.f32 $5.656854150e+00, v2;
	v9 =	vmul.f32 $5.656854150e+00, v9  }
0xbc: {  	v19 =	vld.idx.msk [tilespmem:v19+s12+$0x0], $0xffff;
	v8 =	vadd.f32 v8, v3;
	v7 =	vadd.f32 v7, v3;
	v4 =	vmul.f32 $5.656854150e+00, v4  }
0xbd: {  	v20 =	vld.idx.msk [tilespmem:v20+s12+$0x0], $0xffff;
	v2 =	vadd.f32 v2, v3;
	v0 =	vmul.f32 $5.656854150e+00, v0;
	v1 =	vmul.f32 $5.656854150e+00, v1  }
0xbe: {  	v21 =	vld.idx.msk [tilespmem:v21+s12+$0x0], $0xffff;
	v10 =	vmul.f32 $5.656854150e+00, v10;
	v9 =	vadd.f32 v9, v3;
	v4 =	vadd.f32 v4, v3  }
0xbf: {  	v26 =	vor.u32 v26, v6;
	v22 =	vld.idx.msk [tilespmem:v22+s12+$0x0], $0xffff;
	v0 =	vadd.f32 v0, v3;
	v1 =	vadd.f32 v1, v3  }
0xc0: {  	v27 =	vor.u32 v27, v6;
	v3 =	vadd.f32 v10, v3;
	v10 =	vadd.f32 v11, v51;
	v11 =	vld.idx.msk [tilespmem:v28+s12+$0x0], $0xffff  }
0xc1: {  	v29 =	vor.u32 v29, v6;
	v28 =	vld [tilespmem:$0x1FED0]  }
0xc2: {  	v30 =	vor.u32 v30, v6;
	v23 =	vld.idx.msk [tilespmem:v23+s12+$0x0], $0xffff  }
0xc3: {  	v31 =	vor.u32 v31, v6;
	v25 =	vld.idx.msk [tilespmem:v25+s12+$0x0], $0xffff  }
0xc4: {  	v32 =	vor.u32 v55, v6;
	v26 =	vld.idx.msk [tilespmem:v26+s12+$0x0], $0xffff  }
0xc5: {  	v5 =	vshll.u32 v5, $0x7;
	v33 =	vor.u32 v56, v6;
	v27 =	vld.idx.msk [tilespmem:v27+s12+$0x0], $0xffff  }
0xc6: {  	v24 =	vand.u32 $0x380, v5;
	v34 =	vand.u32 $0xC00, v5;
	v29 =	vld.idx.msk [tilespmem:v29+s12+$0x0], $0xffff;
	v28 =	vor.u32 v28, v6  }
0xc7: {  	v24 =	vor.u32 v58, v24;
	v52 =	vor.u32 v59, v34;
	v30 =	vld.idx.msk [tilespmem:v30+s12+$0x0], $0xffff;
	v6 =	vor.u32 v57, v6  }
0xc8: {  	v54 =	vor.u32 v24, v52;
	v31 =	vld.idx.msk [tilespmem:v31+s12+$0x0], $0xffff  }
0xc9: {  	v32 =	vld.idx.msk [tilespmem:v32+s12+$0x0], $0xffff  }
0xca: {  	v33 =	vld.idx.msk [tilespmem:v33+s12+$0x0], $0xffff  }
0xcb: {  	v28 =	vld.idx.msk [tilespmem:v28+s12+$0x0], $0xffff  }
0xcc: {  	v63 =	vor.u32 v39, v5;
	v6 =	vld.idx.msk [tilespmem:v6+s12+$0x0], $0xffff  }
0xcd: {  	[tilespmem:v54+s19+$0x0] =	vst.idx.msk $0xffff, v2;
	v54 =	vand.u32 $0x3E8, v63;
	v63 =	vld [tilespmem:$0x1FF80];
	_ =	sdelay $0x1  }
0xce: {  	v53 =	vor.u32 v60, v5;
	v55 =	vor.u32 v61, v5  }
0xcf: {  	v61 =	vor.u32 v38, v5;
	v53 =	vand.u32 $0x398, v53;
	v55 =	vand.u32 $0x3A8, v55  }
0xd0: {  	v59 =	vor.u32 v37, v5;
	v56 =	vor.u32 v53, v52;
	v57 =	vor.u32 v62, v5  }
0xd1: {  	v58 =	vor.u32 v55, v52;
	v57 =	vand.u32 $0x3B8, v57;
	v5 =	vor.u32 v63, v5;
	v63 =	vld [tilespmem:$0x1FF90]  }
0xd2: {  	v59 =	vand.u32 $0x3C8, v59;
	v60 =	vor.u32 v57, v52  }
0xd3: {  	v61 =	vand.u32 $0x3D8, v61;
	v62 =	vor.u32 v59, v52  }
0xd4: {  	v2 =	vor.u32 v61, v52  }
0xd5: {  	[tilespmem:v56+s19+$0x0] =	vst.idx.msk $0xffff, v7;
	v7 =	vor.u32 v54, v52;
	v5 =	vand.u32 $0x3F8, v5  }
0xd6: {  	[tilespmem:v58+s19+$0x0] =	vst.idx.msk $0xffff, v4;
	v4 =	vor.u32 v5, v52;
	v52 =	vor.u32 v63, v34  }
0xd7: {  	[tilespmem:v60+s19+$0x0] =	vst.idx.msk $0xffff, v0;
	v0 =	vor.u32 v24, v52  }
0xd8: {  	[tilespmem:v62+s19+$0x0] =	vst.idx.msk $0xffff, v1;
	v1 =	vor.u32 v53, v52  }
0xd9: {  	v12 =	vmul.f32 $5.656854150e+00, v12;
	[tilespmem:v2+s19+$0x0] =	vst.idx.msk $0xffff, v8;
	v2 =	vor.u32 v55, v52  }
0xda: {  	v13 =	vmul.f32 $5.656854150e+00, v13;
	[tilespmem:v7+s19+$0x0] =	vst.idx.msk $0xffff, v9  }
0xdb: {  	v12 =	vadd.f32 v12, v51;
	[tilespmem:v4+s19+$0x0] =	vst.idx.msk $0xffff, v3  }
0xdc: {  	v13 =	vadd.f32 v13, v51;
	[tilespmem:v0+s19+$0x0] =	vst.idx.msk $0xffff, v10  }
0xdd: {  	[tilespmem:v1+s19+$0x0] =	vst.idx.msk $0xffff, v12  }
0xde: {  	[tilespmem:v2+s19+$0x0] =	vst.idx.msk $0xffff, v13;
	v13 =	vld [tilespmem:$0x1FFA0]  }
0xdf: {  	v14 =	vmul.f32 $5.656854150e+00, v14;
	v15 =	vmul.f32 $5.656854150e+00, v15;
	v7 =	vor.u32 v57, v52  }
0xe0: {  	v16 =	vmul.f32 $5.656854150e+00, v16;
	v3 =	vor.u32 v59, v52  }
0xe1: {  	v14 =	vadd.f32 v14, v51;
	v8 =	vadd.f32 v15, v51;
	v0 =	vor.u32 v61, v52  }
0xe2: {  	v15 =	vmul.f32 $5.656854150e+00, v17;
	v9 =	vadd.f32 v16, v51;
	v1 =	vor.u32 v54, v52  }
0xe3: {  	v16 =	vmul.f32 $5.656854150e+00, v18;
	v2 =	vor.u32 v5, v52;
	v13 =	vor.u32 v13, v34  }
0xe4: {  	v56 =	vld [tilespmem:$0x1FEE0];
	v4 =	vadd.f32 v15, v51;
	[tilespmem:v7+s19+$0x0] =	vst.idx.msk $0xffff, v14;
	v7 =	vor.u32 v24, v13  }
0xe5: {  	v58 =	vld [tilespmem:$0x1FF00];
	v15 =	vmul.f32 $5.656854150e+00, v19;
	v10 =	vadd.f32 v16, v51;
	[tilespmem:v3+s19+$0x0] =	vst.idx.msk $0xffff, v8;
	v3 =	vor.u32 v53, v13  }
0xe6: {  	v60 =	vld [tilespmem:$0x1FF20];
	v16 =	vmul.f32 $5.656854150e+00, v21;
	v12 =	vmul.f32 $5.656854150e+00, v20;
	[tilespmem:v0+s19+$0x0] =	vst.idx.msk $0xffff, v9;
	v0 =	vor.u32 v55, v13  }
0xe7: {  	v62 =	vld [tilespmem:$0x1FF40];
	v15 =	vadd.f32 v15, v50;
	v14 =	vmul.f32 $5.656854150e+00, v22;
	[tilespmem:v1+s19+$0x0] =	vst.idx.msk $0xffff, v4  }
0xe8: {  	v17 =	vld [tilespmem:$0x1FFE0];
	v12 =	vadd.f32 v12, v50;
	v8 =	vadd.f32 v16, v50;
	v16 =	vmul.f32 $5.656854150e+00, v23;
	[tilespmem:v2+s19+$0x0] =	vst.idx.msk $0xffff, v10  }
0xe9: {  	v18 =	vld [tilespmem:$0x1FFF0];
	v9 =	vadd.f32 v14, v50;
	v14 =	vmul.f32 $5.656854150e+00, v25;
	[tilespmem:v7+s19+$0x0] =	vst.idx.msk $0xffff, v15  }
0xea: {  	v4 =	vadd.f32 v16, v50;
	v16 =	vmul.f32 $5.656854150e+00, v26;
	v26 =	vld [tilespmem:$0x1FE60];
	v1 =	vor.u32 v57, v13;
	[tilespmem:v3+s19+$0x0] =	vst.idx.msk $0xffff, v12  }
0xeb: {  	v10 =	vadd.f32 v14, v50;
	v2 =	vor.u32 v59, v13;
	[tilespmem:v0+s19+$0x0] =	vst.idx.msk $0xffff, v8;
	v8 =	vld [tilespmem:$0x1FFB0]  }
0xec: {  	v14 =	vadd.f32 v16, v50;
	v16 =	vld [tilespmem:$0x1FFC0];
	v7 =	vor.u32 v61, v13;
	v15 =	vmul.f32 $5.656854150e+00, v27  }
0xed: {  	v27 =	vld [tilespmem:$0x1FE70];
	v3 =	vor.u32 v54, v13  }
0xee: {  	v11 =	vmul.f32 $5.656854150e+00, v11;
	v12 =	vadd.f32 v15, v50;
	v15 =	vld [tilespmem:$0x1FFD0]  }
0xef: {  	v0 =	vor.u32 v5, v13;
	v13 =	vmul.f32 $5.656854150e+00, v29;
	v29 =	vld [tilespmem:$0x1FE90];
	[tilespmem:v1+s19+$0x0] =	vst.idx.msk $0xffff, v9  }
0xf0: {  	v9 =	vadd.f32 v11, v49;
	v11 =	vmul.f32 $5.656854150e+00, v30;
	v30 =	vld [tilespmem:$0x1FEA0];
	[tilespmem:v2+s19+$0x0] =	vst.idx.msk $0xffff, v4;
	v8 =	vor.u32 v8, v34  }
0xf1: {  	v4 =	vadd.f32 v13, v49;
	v13 =	vmul.f32 $5.656854150e+00, v31;
	v31 =	vld [tilespmem:$0x1FEB0];
	[tilespmem:v7+s19+$0x0] =	vst.idx.msk $0xffff, v10;
	v1 =	vor.u32 v24, v8  }
0xf2: {  	[tilespmem:v3+s19+$0x0] =	vst.idx.msk $0xffff, v14;
	v14 =	vld [tilespmem:$0x1FF70];
	v2 =	vor.u32 v53, v8  }
0xf3: {  	v7 =	vor.u32 v55, v8;
	v55 =	vld [tilespmem:$0x1FEC0]  }
0xf4: {  	v3 =	vor.u32 v57, v8;
	v57 =	vld [tilespmem:$0x1FEF0]  }
0xf5: {  	v10 =	vadd.f32 v11, v49;
	v11 =	vmul.f32 $5.656854150e+00, v32;
	[tilespmem:v0+s19+$0x0] =	vst.idx.msk $0xffff, v12;
	v0 =	vor.u32 v59, v8;
	v59 =	vld [tilespmem:$0x1FF10]  }
0xf6: {  	v13 =	vadd.f32 v13, v49;
	[tilespmem:v1+s19+$0x0] =	vst.idx.msk $0xffff, v9;
	v9 =	vmul.f32 $5.656854150e+00, v28;
	v28 =	vld [tilespmem:$0x1FE80]  }
0xf7: {  	v11 =	vadd.f32 v11, v49;
	v12 =	vmul.f32 $5.656854150e+00, v33;
	v1 =	vor.u32 v61, v8;
	v61 =	vld [tilespmem:$0x1FF30];
	[tilespmem:v2+s19+$0x0] =	vst.idx.msk $0xffff, v4  }
0xf8: {  	s30 =	sadd.s32 $0x2, s24;
	v5 =	vor.u32 v5, v8;
	v2 =	vor.u32 v54, v8;
	[tilespmem:v7+s19+$0x0] =	vst.idx.msk $0xffff, v10;
	v10 =	vld [tilespmem:$0x1FE40]  }
0xf9: {  	v4 =	vadd.s32 s30, v35;
	v8 =	vadd.f32 v9, v49;
	v9 =	vadd.f32 v12, v49;
	v12 =	vld [tilespmem:$0x1FF50]  }
0xfa: {  	v6 =	vmul.f32 $5.656854150e+00, v6;
	v7 =	vand.u32 $0x1F, v4;
	[tilespmem:v3+s19+$0x0] =	vst.idx.msk $0xffff, v13;
	v13 =	vld [tilespmem:$0x1FF60]  }
0xfb: {  	v3 =	vor.u32 v40, v7;
	[tilespmem:v0+s19+$0x0] =	vst.idx.msk $0xffff, v11;
	v11 =	vld [tilespmem:$0x1FE50]  }
0xfc: {  	v6 =	vadd.f32 v6, v49;
	v14 =	vor.u32 v14, v7;
	[tilespmem:v1+s19+$0x0] =	vst.idx.msk $0xffff, v8;
	v8 =	vld [tilespmem:$0x1FE20]  }
0xfd: {  	v15 =	vor.u32 v15, v7;
	[tilespmem:v2+s19+$0x0] =	vst.idx.msk $0xffff, v9;
	v9 =	vld [tilespmem:$0x1FE30]  }
0xfe: {  	v16 =	vor.u32 v16, v7;
	[tilespmem:v5+s19+$0x0] =	vst.idx.msk $0xffff, v6;
	v5 =	vld [tilespmem:$0x1FDD0]  }
0xff: {  	v0 =	vor.u32 v41, v7;
	v6 =	vld [tilespmem:$0x1FDE0]  }
0x100: {  	v3 =	vld.idx.msk [tilespmem:v3+s8+$0x0], $0xffff  }
0x101: {  	v1 =	vor.u32 v42, v7;
	v14 =	vld.idx.msk [tilespmem:v14+s12+$0x0], $0xffff  }
0x102: {  	v15 =	vld.idx.msk [tilespmem:v15+s12+$0x0], $0xffff  }
0x103: {  	v2 =	vor.u32 v44, v7;
	v16 =	vld.idx.msk [tilespmem:v16+s12+$0x0], $0xffff  }
0x104: {  	v51 =	vld.idx.msk [tilespmem:v0+s8+$0x0], $0xffff  }
0x105: {  	v17 =	vor.u32 v17, v7;
	v0 =	vld [tilespmem:$0x1FDF0]  }
0x106: {  	v18 =	vor.u32 v18, v7;
	v50 =	vld.idx.msk [tilespmem:v1+s8+$0x0], $0xffff  }
0x107: {  	v10 =	vor.u32 v10, v7;
	v1 =	vld [tilespmem:$0x1FE00]  }
0x108: {  	v8 =	vor.u32 v8, v7;
	v49 =	vld.idx.msk [tilespmem:v2+s8+$0x0], $0xffff  }
0x109: {  	v2 =	vld [tilespmem:$0x1FE10];
	v9 =	vor.u32 v9, v7  }
0x10a: {  	v17 =	vld.idx.msk [tilespmem:v17+s12+$0x0], $0xffff;
	v5 =	vor.u32 v5, v7  }
0x10b: {  	v18 =	vld.idx.msk [tilespmem:v18+s12+$0x0], $0xffff;
	v6 =	vor.u32 v6, v7  }
0x10c: {  	v10 =	vld.idx.msk [tilespmem:v10+s12+$0x0], $0xffff;
	v0 =	vor.u32 v0, v7  }
0x10d: {  	v1 =	vor.u32 v1, v7;
	v8 =	vld.idx.msk [tilespmem:v8+s12+$0x0], $0xffff  }
0x10e: {  	v2 =	vor.u32 v2, v7;
	v9 =	vld.idx.msk [tilespmem:v9+s12+$0x0], $0xffff  }
0x10f: {  	v11 =	vor.u32 v11, v7;
	v5 =	vld.idx.msk [tilespmem:v5+s12+$0x0], $0xffff  }
0x110: {  	v19 =	vor.u32 v48, v7;
	v6 =	vld.idx.msk [tilespmem:v6+s12+$0x0], $0xffff  }
0x111: {  	v20 =	vor.u32 v46, v7;
	v0 =	vld.idx.msk [tilespmem:v0+s12+$0x0], $0xffff  }
0x112: {  	v21 =	vor.u32 v47, v7;
	v1 =	vld.idx.msk [tilespmem:v1+s12+$0x0], $0xffff  }
0x113: {  	v22 =	vor.u32 v45, v7;
	v23 =	vor.u32 v43, v7;
	v2 =	vld.idx.msk [tilespmem:v2+s12+$0x0], $0xffff  }
0x114: {  	v25 =	vor.u32 v36, v7;
	v26 =	vor.u32 v26, v7;
	v11 =	vld.idx.msk [tilespmem:v11+s12+$0x0], $0xffff;
	v10 =	vmul.f32 $5.656854150e+00, v10  }
0x115: {  	v27 =	vor.u32 v27, v7;
	v19 =	vld.idx.msk [tilespmem:v19+s12+$0x0], $0xffff;
	v8 =	vmul.f32 $5.656854150e+00, v8;
	v9 =	vmul.f32 $5.656854150e+00, v9  }
0x116: {  	v28 =	vor.u32 v28, v7;
	v20 =	vld.idx.msk [tilespmem:v20+s12+$0x0], $0xffff;
	v5 =	vmul.f32 $5.656854150e+00, v5;
	v6 =	vmul.f32 $5.656854150e+00, v6  }
0x117: {  	v21 =	vld.idx.msk [tilespmem:v21+s12+$0x0], $0xffff;
	v8 =	vadd.f32 v8, v3;
	v9 =	vadd.f32 v9, v3;
	v0 =	vmul.f32 $5.656854150e+00, v0  }
0x118: {  	v22 =	vld.idx.msk [tilespmem:v22+s12+$0x0], $0xffff;
	v5 =	vadd.f32 v5, v3;
	v1 =	vmul.f32 $5.656854150e+00, v1;
	v2 =	vmul.f32 $5.656854150e+00, v2  }
0x119: {  	v23 =	vld.idx.msk [tilespmem:v23+s12+$0x0], $0xffff;
	v11 =	vmul.f32 $5.656854150e+00, v11;
	v6 =	vadd.f32 v6, v3;
	v0 =	vadd.f32 v0, v3  }
0x11a: {  	v29 =	vor.u32 v29, v7;
	v25 =	vld.idx.msk [tilespmem:v25+s12+$0x0], $0xffff;
	v1 =	vadd.f32 v1, v3;
	v2 =	vadd.f32 v2, v3  }
0x11b: {  	v30 =	vor.u32 v30, v7;
	v3 =	vadd.f32 v10, v3;
	v10 =	vadd.f32 v11, v51;
	v11 =	vld.idx.msk [tilespmem:v28+s12+$0x0], $0xffff  }
0x11c: {  	v31 =	vor.u32 v31, v7;
	v28 =	vld [tilespmem:$0x1FED0]  }
0x11d: {  	v32 =	vor.u32 v55, v7;
	v26 =	vld.idx.msk [tilespmem:v26+s12+$0x0], $0xffff  }
0x11e: {  	v33 =	vor.u32 v56, v7;
	v27 =	vld.idx.msk [tilespmem:v27+s12+$0x0], $0xffff  }
0x11f: {  	v12 =	vor.u32 v12, v7;
	v29 =	vld.idx.msk [tilespmem:v29+s12+$0x0], $0xffff  }
0x120: {  	v4 =	vshll.u32 v4, $0x7;
	v13 =	vor.u32 v13, v7;
	v30 =	vld.idx.msk [tilespmem:v30+s12+$0x0], $0xffff  }
0x121: {  	v24 =	vand.u32 $0x380, v4;
	v34 =	vand.u32 $0xC00, v4;
	v31 =	vld.idx.msk [tilespmem:v31+s12+$0x0], $0xffff;
	v28 =	vor.u32 v28, v7  }
0x122: {  	v24 =	vor.u32 v58, v24;
	v52 =	vor.u32 v59, v34;
	v32 =	vld.idx.msk [tilespmem:v32+s12+$0x0], $0xffff;
	v7 =	vor.u32 v57, v7  }
0x123: {  	v54 =	vor.u32 v24, v52;
	v33 =	vld.idx.msk [tilespmem:v33+s12+$0x0], $0xffff  }
0x124: {  	v12 =	vld.idx.msk [tilespmem:v12+s12+$0x0], $0xffff  }
0x125: {  	v13 =	vld.idx.msk [tilespmem:v13+s12+$0x0], $0xffff  }
0x126: {  	v28 =	vld.idx.msk [tilespmem:v28+s12+$0x0], $0xffff  }
0x127: {  	v63 =	vor.u32 v39, v4;
	v7 =	vld.idx.msk [tilespmem:v7+s12+$0x0], $0xffff  }
0x128: {  	[tilespmem:v54+s19+$0x0] =	vst.idx.msk $0xffff, v5;
	v54 =	vand.u32 $0x3E8, v63;
	v63 =	vld [tilespmem:$0x1FF80]  }
0x129: {  	v53 =	vor.u32 v60, v4  }
0x12a: {  	v53 =	vand.u32 $0x398, v53  }
0x12b: {  	v59 =	vor.u32 v37, v4;
	v55 =	vor.u32 v61, v4;
	v56 =	vor.u32 v53, v52  }
0x12c: {  	v61 =	vor.u32 v38, v4;
	v55 =	vand.u32 $0x3A8, v55;
	v57 =	vor.u32 v62, v4  }
0x12d: {  	v58 =	vor.u32 v55, v52;
	v57 =	vand.u32 $0x3B8, v57;
	v4 =	vor.u32 v63, v4;
	v63 =	vld [tilespmem:$0x1FF90]  }
0x12e: {  	v59 =	vand.u32 $0x3C8, v59;
	v60 =	vor.u32 v57, v52  }
0x12f: {  	v61 =	vand.u32 $0x3D8, v61;
	v62 =	vor.u32 v59, v52  }
0x130: {  	v5 =	vor.u32 v61, v52  }
0x131: {  	[tilespmem:v56+s19+$0x0] =	vst.idx.msk $0xffff, v6;
	v6 =	vor.u32 v54, v52;
	v4 =	vand.u32 $0x3F8, v4  }
0x132: {  	[tilespmem:v58+s19+$0x0] =	vst.idx.msk $0xffff, v0;
	v0 =	vor.u32 v4, v52;
	v52 =	vor.u32 v63, v34  }
0x133: {  	[tilespmem:v60+s19+$0x0] =	vst.idx.msk $0xffff, v1;
	v1 =	vor.u32 v24, v52  }
0x134: {  	[tilespmem:v62+s19+$0x0] =	vst.idx.msk $0xffff, v2;
	v2 =	vor.u32 v53, v52  }
0x135: {  	v12 =	vmul.f32 $5.656854150e+00, v12;
	[tilespmem:v5+s19+$0x0] =	vst.idx.msk $0xffff, v8;
	v5 =	vor.u32 v55, v52  }
0x136: {  	v13 =	vmul.f32 $5.656854150e+00, v13;
	[tilespmem:v6+s19+$0x0] =	vst.idx.msk $0xffff, v9  }
0x137: {  	v12 =	vadd.f32 v12, v51;
	[tilespmem:v0+s19+$0x0] =	vst.idx.msk $0xffff, v3  }
0x138: {  	v13 =	vadd.f32 v13, v51;
	[tilespmem:v1+s19+$0x0] =	vst.idx.msk $0xffff, v10  }
0x139: {  	[tilespmem:v2+s19+$0x0] =	vst.idx.msk $0xffff, v12  }
0x13a: {  	[tilespmem:v5+s19+$0x0] =	vst.idx.msk $0xffff, v13;
	v13 =	vld [tilespmem:$0x1FFA0]  }
0x13b: {  	v6 =	vor.u32 v57, v52  }
0x13c: {  	v14 =	vmul.f32 $5.656854150e+00, v14;
	v15 =	vmul.f32 $5.656854150e+00, v15;
	v0 =	vor.u32 v59, v52  }
0x13d: {  	v16 =	vmul.f32 $5.656854150e+00, v16;
	v1 =	vor.u32 v61, v52  }
0x13e: {  	v14 =	vadd.f32 v14, v51;
	v8 =	vadd.f32 v15, v51;
	v2 =	vor.u32 v54, v52  }
0x13f: {  	v15 =	vmul.f32 $5.656854150e+00, v17;
	v5 =	vor.u32 v4, v52;
	v13 =	vor.u32 v13, v34  }
0x140: {  	v56 =	vld [tilespmem:$0x1FED0];
	v9 =	vadd.f32 v16, v51;
	v16 =	vmul.f32 $5.656854150e+00, v18;
	[tilespmem:v6+s19+$0x0] =	vst.idx.msk $0xffff, v14;
	v6 =	vor.u32 v24, v13  }
0x141: {  	v58 =	vld [tilespmem:$0x1FEF0];
	v3 =	vadd.f32 v15, v51;
	v15 =	vmul.f32 $5.656854150e+00, v19;
	[tilespmem:v0+s19+$0x0] =	vst.idx.msk $0xffff, v8;
	v0 =	vor.u32 v53, v13  }
0x142: {  	v60 =	vld [tilespmem:$0x1FF10];
	v10 =	vadd.f32 v16, v51;
	v12 =	vmul.f32 $5.656854150e+00, v20;
	[tilespmem:v1+s19+$0x0] =	vst.idx.msk $0xffff, v9;
	v1 =	vor.u32 v55, v13  }
0x143: {  	v17 =	vld [tilespmem:$0x1FFE0];
	v15 =	vadd.f32 v15, v50;
	v16 =	vmul.f32 $5.656854150e+00, v21;
	[tilespmem:v2+s19+$0x0] =	vst.idx.msk $0xffff, v3  }
0x144: {  	v18 =	vld [tilespmem:$0x1FFF0];
	v12 =	vadd.f32 v12, v50;
	v14 =	vmul.f32 $5.656854150e+00, v22;
	[tilespmem:v5+s19+$0x0] =	vst.idx.msk $0xffff, v10  }
0x145: {  	v63 =	vld [tilespmem:$0x1FF30];
	v8 =	vadd.f32 v16, v50;
	v16 =	vmul.f32 $5.656854150e+00, v23;
	[tilespmem:v6+s19+$0x0] =	vst.idx.msk $0xffff, v15  }
0x146: {  	v9 =	vadd.f32 v14, v50;
	v14 =	vmul.f32 $5.656854150e+00, v25;
	v25 =	vld [tilespmem:$0x1FE60];
	[tilespmem:v0+s19+$0x0] =	vst.idx.msk $0xffff, v12  }
0x147: {  	v3 =	vadd.f32 v16, v50;
	v16 =	vmul.f32 $5.656854150e+00, v26;
	v2 =	vor.u32 v57, v13;
	[tilespmem:v1+s19+$0x0] =	vst.idx.msk $0xffff, v8;
	v8 =	vld [tilespmem:$0x1FFB0]  }
0x148: {  	v26 =	vld [tilespmem:$0x1FE70];
	v10 =	vadd.f32 v14, v50;
	v5 =	vor.u32 v59, v13  }
0x149: {  	v14 =	vadd.f32 v16, v50;
	v16 =	vld [tilespmem:$0x1FFC0];
	v6 =	vor.u32 v61, v13;
	v15 =	vmul.f32 $5.656854150e+00, v27  }
0x14a: {  	v27 =	vld [tilespmem:$0x1FE80];
	v0 =	vor.u32 v54, v13  }
0x14b: {  	v11 =	vmul.f32 $5.656854150e+00, v11;
	v12 =	vadd.f32 v15, v50;
	v15 =	vld [tilespmem:$0x1FFD0]  }
0x14c: {  	v1 =	vor.u32 v4, v13;
	v13 =	vmul.f32 $5.656854150e+00, v29;
	v29 =	vld [tilespmem:$0x1FE90];
	[tilespmem:v2+s19+$0x0] =	vst.idx.msk $0xffff, v9;
	v8 =	vor.u32 v8, v34  }
0x14d: {  	v9 =	vadd.f32 v11, v49;
	v11 =	vmul.f32 $5.656854150e+00, v30;
	v30 =	vld [tilespmem:$0x1FEA0];
	[tilespmem:v5+s19+$0x0] =	vst.idx.msk $0xffff, v3;
	v2 =	vor.u32 v24, v8  }
0x14e: {  	v5 =	vadd.f32 v13, v49;
	v13 =	vmul.f32 $5.656854150e+00, v31;
	v31 =	vld [tilespmem:$0x1FEB0];
	[tilespmem:v6+s19+$0x0] =	vst.idx.msk $0xffff, v10;
	v3 =	vor.u32 v53, v8  }
0x14f: {  	[tilespmem:v0+s19+$0x0] =	vst.idx.msk $0xffff, v14;
	v14 =	vld [tilespmem:$0x1FF70];
	v6 =	vor.u32 v55, v8  }
0x150: {  	v55 =	vld [tilespmem:$0x1FEC0]  }
0x151: {  	v10 =	vadd.f32 v11, v49;
	[tilespmem:v1+s19+$0x0] =	vst.idx.msk $0xffff, v12;
	v0 =	vor.u32 v57, v8;
	v57 =	vld [tilespmem:$0x1FEE0]  }
0x152: {  	v11 =	vmul.f32 $5.656854150e+00, v32;
	v13 =	vadd.f32 v13, v49;
	v1 =	vor.u32 v59, v8;
	v59 =	vld [tilespmem:$0x1FF00];
	[tilespmem:v2+s19+$0x0] =	vst.idx.msk $0xffff, v9  }
0x153: {  	v12 =	vmul.f32 $5.656854150e+00, v33;
	v2 =	vor.u32 v61, v8;
	v9 =	vmul.f32 $5.656854150e+00, v28;
	v61 =	vld [tilespmem:$0x1FF20];
	[tilespmem:v3+s19+$0x0] =	vst.idx.msk $0xffff, v5  }
0x154: {  	v11 =	vadd.f32 v11, v49;
	v4 =	vor.u32 v4, v8;
	[tilespmem:v6+s19+$0x0] =	vst.idx.msk $0xffff, v10;
	v10 =	vld [tilespmem:$0x1FE40]  }
0x155: {  	s31 =	sadd.s32 $0x3, s24;
	v3 =	vor.u32 v54, v8;
	v8 =	vadd.f32 v9, v49;
	v9 =	vadd.f32 v12, v49;
	v12 =	vld [tilespmem:$0x1FF50]  }
0x156: {  	v5 =	vadd.s32 s31, v35;
	[tilespmem:v0+s19+$0x0] =	vst.idx.msk $0xffff, v13;
	v13 =	vld [tilespmem:$0x1FF60]  }
0x157: {  	v7 =	vmul.f32 $5.656854150e+00, v7;
	v6 =	vand.u32 $0x1F, v5;
	[tilespmem:v1+s19+$0x0] =	vst.idx.msk $0xffff, v11;
	v11 =	vld [tilespmem:$0x1FE50]  }
0x158: {  	v1 =	vor.u32 v41, v6;
	v41 =	vld [tilespmem:$0x1FF40]  }
0x159: {  	v7 =	vadd.f32 v7, v49;
	v0 =	vor.u32 v40, v6;
	[tilespmem:v2+s19+$0x0] =	vst.idx.msk $0xffff, v8;
	v8 =	vld [tilespmem:$0x1FE20]  }
0x15a: {  	v14 =	vor.u32 v14, v6;
	[tilespmem:v3+s19+$0x0] =	vst.idx.msk $0xffff, v9;
	v9 =	vld [tilespmem:$0x1FE30]  }
0x15b: {  	v5 =	vshll.u32 v5, $0x7;
	v15 =	vor.u32 v15, v6;
	v16 =	vor.u32 v16, v6;
	[tilespmem:v4+s19+$0x0] =	vst.idx.msk $0xffff, v7;
	v4 =	vld [tilespmem:$0x1FDD0]  }
0x15c: {  	v52 =	vand.u32 $0xC00, v5;
	v3 =	vor.u32 v44, v6;
	v44 =	vor.u32 v37, v5;
	v7 =	vld [tilespmem:$0x1FDE0]  }
0x15d: {  	v17 =	vor.u32 v17, v6;
	v53 =	vor.u32 v60, v52;
	v60 =	vand.u32 $0x3C8, v44;
	v44 =	vld [tilespmem:$0x1FF80]  }
0x15e: {  	v18 =	vor.u32 v18, v6;
	v0 =	vld.idx.msk [tilespmem:v0+s8+$0x0], $0xffff  }
0x15f: {  	v19 =	vor.u32 v48, v6;
	v14 =	vld.idx.msk [tilespmem:v14+s12+$0x0], $0xffff  }
0x160: {  	v20 =	vor.u32 v46, v6;
	v15 =	vld.idx.msk [tilespmem:v15+s12+$0x0], $0xffff  }
0x161: {  	v21 =	vor.u32 v47, v6;
	v16 =	vld.idx.msk [tilespmem:v16+s12+$0x0], $0xffff  }
0x162: {  	v22 =	vor.u32 v45, v6;
	v17 =	vld.idx.msk [tilespmem:v17+s12+$0x0], $0xffff  }
0x163: {  	v23 =	vor.u32 v43, v6;
	v18 =	vld.idx.msk [tilespmem:v18+s12+$0x0], $0xffff  }
0x164: {  	v24 =	vor.u32 v36, v6;
	v19 =	vld.idx.msk [tilespmem:v19+s12+$0x0], $0xffff  }
0x165: {  	v25 =	vor.u32 v25, v6;
	v20 =	vld.idx.msk [tilespmem:v20+s12+$0x0], $0xffff  }
0x166: {  	v26 =	vor.u32 v26, v6;
	v21 =	vld.idx.msk [tilespmem:v21+s12+$0x0], $0xffff  }
0x167: {  	v27 =	vor.u32 v27, v6;
	v22 =	vld.idx.msk [tilespmem:v22+s12+$0x0], $0xffff  }
0x168: {  	v29 =	vor.u32 v29, v6;
	v23 =	vld.idx.msk [tilespmem:v23+s12+$0x0], $0xffff  }
0x169: {  	v30 =	vor.u32 v30, v6;
	v24 =	vld.idx.msk [tilespmem:v24+s12+$0x0], $0xffff  }
0x16a: {  	v31 =	vor.u32 v31, v6;
	v25 =	vld.idx.msk [tilespmem:v25+s12+$0x0], $0xffff  }
0x16b: {  	v32 =	vor.u32 v55, v6;
	v26 =	vld.idx.msk [tilespmem:v26+s12+$0x0], $0xffff  }
0x16c: {  	v33 =	vor.u32 v56, v6;
	v27 =	vld.idx.msk [tilespmem:v27+s12+$0x0], $0xffff  }
0x16d: {  	v34 =	vor.u32 v57, v6;
	v29 =	vld.idx.msk [tilespmem:v29+s12+$0x0], $0xffff  }
0x16e: {  	v30 =	vld.idx.msk [tilespmem:v30+s12+$0x0], $0xffff  }
0x16f: {  	v31 =	vld.idx.msk [tilespmem:v31+s12+$0x0], $0xffff  }
0x170: {  	v2 =	vor.u32 v42, v6;
	v32 =	vld.idx.msk [tilespmem:v32+s12+$0x0], $0xffff  }
0x171: {  	v33 =	vld.idx.msk [tilespmem:v33+s12+$0x0], $0xffff  }
0x172: {  	v34 =	vld.idx.msk [tilespmem:v34+s12+$0x0], $0xffff  }
0x173: {  	v51 =	vld.idx.msk [tilespmem:v1+s8+$0x0], $0xffff  }
0x174: {  	v10 =	vor.u32 v10, v6;
	v1 =	vld [tilespmem:$0x1FDF0]  }
0x175: {  	v12 =	vor.u32 v12, v6;
	v50 =	vld.idx.msk [tilespmem:v2+s8+$0x0], $0xffff  }
0x176: {  	v13 =	vor.u32 v13, v6;
	v2 =	vld [tilespmem:$0x1FE00]  }
0x177: {  	v49 =	vld.idx.msk [tilespmem:v3+s8+$0x0], $0xffff;
	v4 =	vor.u32 v4, v6  }
0x178: {  	v11 =	vor.u32 v11, v6;
	v3 =	vld [tilespmem:$0x1FE10]  }
0x179: {  	v8 =	vor.u32 v8, v6;
	v10 =	vld.idx.msk [tilespmem:v10+s12+$0x0], $0xffff  }
0x17a: {  	v7 =	vor.u32 v7, v6;
	v12 =	vld.idx.msk [tilespmem:v12+s12+$0x0], $0xffff  }
0x17b: {  	v13 =	vld.idx.msk [tilespmem:v13+s12+$0x0], $0xffff;
	v1 =	vor.u32 v1, v6  }
0x17c: {  	v2 =	vor.u32 v2, v6;
	v4 =	vld.idx.msk [tilespmem:v4+s12+$0x0], $0xffff  }
0x17d: {  	v11 =	vld.idx.msk [tilespmem:v11+s12+$0x0], $0xffff;
	v3 =	vor.u32 v3, v6  }
0x17e: {  	v28 =	vand.u32 $0x380, v5;
	v9 =	vor.u32 v9, v6;
	v8 =	vld.idx.msk [tilespmem:v8+s12+$0x0], $0xffff  }
0x17f: {  	v40 =	vor.u32 v63, v5;
	v28 =	vor.u32 v59, v28;
	v6 =	vor.u32 v58, v6;
	v7 =	vld.idx.msk [tilespmem:v7+s12+$0x0], $0xffff  }
0x180: {  	v56 =	vand.u32 $0x3A8, v40;
	v55 =	vor.u32 v28, v53;
	v1 =	vld.idx.msk [tilespmem:v1+s12+$0x0], $0xffff  }
0x181: {  	v40 =	vor.u32 v38, v5;
	v62 =	vor.u32 v61, v5;
	v2 =	vld.idx.msk [tilespmem:v2+s12+$0x0], $0xffff;
	v4 =	vmul.f32 $5.656854150e+00, v4  }
0x182: {  	v59 =	vor.u32 v56, v53;
	v54 =	vand.u32 $0x398, v62;
	v62 =	vand.u32 $0x3D8, v40;
	v3 =	vld.idx.msk [tilespmem:v3+s12+$0x0], $0xffff  }
0x183: {  	v57 =	vor.u32 v54, v53;
	v42 =	vor.u32 v41, v5;
	v9 =	vld.idx.msk [tilespmem:v9+s12+$0x0], $0xffff;
	v4 =	vadd.f32 v4, v0  }
0x184: {  	v41 =	vor.u32 v60, v53;
	v58 =	vand.u32 $0x3B8, v42;
	v42 =	vor.u32 v39, v5;
	v6 =	vld.idx.msk [tilespmem:v6+s12+$0x0], $0xffff  }
0x185: {  	v5 =	vor.u32 v44, v5;
	v61 =	vor.u32 v58, v53;
	v7 =	vmul.f32 $5.656854150e+00, v7;
	[tilespmem:v55+s19+$0x0] =	vst.idx.msk $0xffff, v4;
	v55 =	vld [tilespmem:$0x1FF90]  }
0x186: {  	v35 =	vand.u32 $0x3E8, v42;
	v1 =	vmul.f32 $5.656854150e+00, v1;
	v2 =	vmul.f32 $5.656854150e+00, v2  }
0x187: {  	v5 =	vand.u32 $0x3F8, v5;
	v7 =	vadd.f32 v7, v0;
	v3 =	vmul.f32 $5.656854150e+00, v3  }
0x188: {  	v1 =	vadd.f32 v1, v0;
	v4 =	vor.u32 v62, v53;
	v2 =	vadd.f32 v2, v0  }
0x189: {  	[tilespmem:v57+s19+$0x0] =	vst.idx.msk $0xffff, v7;
	v7 =	vmul.f32 $5.656854150e+00, v8;
	v8 =	vor.u32 v35, v53;
	v3 =	vadd.f32 v3, v0  }
0x18a: {  	[tilespmem:v59+s19+$0x0] =	vst.idx.msk $0xffff, v1;
	v1 =	vmul.f32 $5.656854150e+00, v9;
	v9 =	vor.u32 v5, v53;
	v59 =	vor.u32 v55, v52  }
0x18b: {  	[tilespmem:v61+s19+$0x0] =	vst.idx.msk $0xffff, v2;
	v2 =	vadd.f32 v7, v0;
	v7 =	vmul.f32 $5.656854150e+00, v10;
	v10 =	vor.u32 v28, v59  }
0x18c: {  	[tilespmem:v41+s19+$0x0] =	vst.idx.msk $0xffff, v3;
	v1 =	vadd.f32 v1, v0;
	v3 =	vmul.f32 $5.656854150e+00, v11  }
0x18d: {  	[tilespmem:v4+s19+$0x0] =	vst.idx.msk $0xffff, v2;
	v0 =	vadd.f32 v7, v0;
	v2 =	vor.u32 v54, v59  }
0x18e: {  	v61 =	vld [tilespmem:$0x1FFA0];
	[tilespmem:v8+s19+$0x0] =	vst.idx.msk $0xffff, v1;
	v1 =	vadd.f32 v3, v51;
	v3 =	vmul.f32 $5.656854150e+00, v12;
	v4 =	vor.u32 v56, v59  }
0x18f: {  	v7 =	vmul.f32 $5.656854150e+00, v14;
	v8 =	vor.u32 v58, v59;
	[tilespmem:v9+s19+$0x0] =	vst.idx.msk $0xffff, v0;
	v0 =	vmul.f32 $5.656854150e+00, v13  }
0x190: {  	v9 =	vmul.f32 $5.656854150e+00, v15;
	v3 =	vadd.f32 v3, v51;
	[tilespmem:v10+s19+$0x0] =	vst.idx.msk $0xffff, v1;
	v1 =	vor.u32 v60, v59  }
0x191: {  	v7 =	vadd.f32 v7, v51;
	v0 =	vadd.f32 v0, v51;
	v10 =	vor.u32 v62, v59  }
0x192: {  	[tilespmem:v2+s19+$0x0] =	vst.idx.msk $0xffff, v3;
	v2 =	vadd.f32 v9, v51;
	v3 =	vmul.f32 $5.656854150e+00, v16;
	v9 =	vor.u32 v35, v59  }
0x193: {  	v11 =	vor.u32 v61, v52;
	[tilespmem:v4+s19+$0x0] =	vst.idx.msk $0xffff, v0;
	v0 =	vmul.f32 $5.656854150e+00, v17;
	v4 =	vor.u32 v5, v59  }
0x194: {  	v63 =	vld [tilespmem:$0x1FFB0];
	[tilespmem:v8+s19+$0x0] =	vst.idx.msk $0xffff, v7;
	v3 =	vadd.f32 v3, v51;
	v7 =	vmul.f32 $5.656854150e+00, v18;
	v8 =	vor.u32 v28, v11  }
0x195: {  	v14 =	vld [tilespmem:$0x1FE50];
	v0 =	vadd.f32 v0, v51;
	[tilespmem:v1+s19+$0x0] =	vst.idx.msk $0xffff, v2;
	v1 =	vmul.f32 $5.656854150e+00, v19  }
0x196: {  	v12 =	vld [tilespmem:$0x1FE40];
	v2 =	vadd.f32 v7, v51;
	[tilespmem:v10+s19+$0x0] =	vst.idx.msk $0xffff, v3;
	v3 =	vor.u32 v54, v11  }
0x197: {  	v15 =	vld [tilespmem:$0x1FE60];
	v7 =	vor.u32 v56, v11;
	[tilespmem:v9+s19+$0x0] =	vst.idx.msk $0xffff, v0;
	v0 =	vadd.f32 v1, v50;
	v1 =	vmul.f32 $5.656854150e+00, v20  }
0x198: {  	v16 =	vld [tilespmem:$0x1FE70];
	v9 =	vor.u32 v58, v11;
	[tilespmem:v4+s19+$0x0] =	vst.idx.msk $0xffff, v2;
	v2 =	vmul.f32 $5.656854150e+00, v21;
	v4 =	vmul.f32 $5.656854150e+00, v22  }
0x199: {  	v17 =	vld [tilespmem:$0x1FE80];
	v10 =	vmul.f32 $5.656854150e+00, v23;
	v1 =	vadd.f32 v1, v50;
	[tilespmem:v8+s19+$0x0] =	vst.idx.msk $0xffff, v0;
	v0 =	vor.u32 v60, v11  }
0x19a: {  	v18 =	vld [tilespmem:$0x1FE90];
	v8 =	vor.u32 v62, v11;
	v2 =	vadd.f32 v2, v50;
	v4 =	vadd.f32 v4, v50  }
0x19b: {  	v19 =	vld [tilespmem:$0x1FEA0];
	[tilespmem:v3+s19+$0x0] =	vst.idx.msk $0xffff, v1;
	v1 =	vadd.f32 v10, v50;
	v3 =	vmul.f32 $5.656854150e+00, v24;
	v10 =	vor.u32 v35, v11  }
0x19c: {  	v23 =	vld [tilespmem:$0x1FEE0];
	[tilespmem:v7+s19+$0x0] =	vst.idx.msk $0xffff, v2;
	v2 =	vmul.f32 $5.656854150e+00, v25;
	v7 =	vor.u32 v5, v11;
	v11 =	vor.u32 v63, v52  }
0x19d: {  	v20 =	vld [tilespmem:$0x1FEB0];
	[tilespmem:v9+s19+$0x0] =	vst.idx.msk $0xffff, v4;
	v3 =	vadd.f32 v3, v50;
	v4 =	vmul.f32 $5.656854150e+00, v26;
	v9 =	vor.u32 v28, v11  }
0x19e: {  	v21 =	vld [tilespmem:$0x1FEC0];
	[tilespmem:v0+s19+$0x0] =	vst.idx.msk $0xffff, v1;
	v0 =	vadd.f32 v2, v50;
	v1 =	vmul.f32 $5.656854150e+00, v27;
	v2 =	vor.u32 v54, v11  }
0x19f: {  	v22 =	vld [tilespmem:$0x1FED0];
	[tilespmem:v8+s19+$0x0] =	vst.idx.msk $0xffff, v3;
	v3 =	vadd.f32 v4, v50;
	v4 =	vmul.f32 $5.656854150e+00, v29;
	v8 =	vor.u32 v56, v11  }
0x1a0: {  	v24 =	vld [tilespmem:$0x1FEF0];
	[tilespmem:v10+s19+$0x0] =	vst.idx.msk $0xffff, v0;
	v0 =	vadd.f32 v1, v49;
	v1 =	vmul.f32 $5.656854150e+00, v30;
	v10 =	vor.u32 v58, v11  }
0x1a1: {  	v25 =	vld [tilespmem:$0x1FF00];
	[tilespmem:v7+s19+$0x0] =	vst.idx.msk $0xffff, v3;
	v3 =	vadd.f32 v4, v49;
	v4 =	vmul.f32 $5.656854150e+00, v31;
	v7 =	vor.u32 v60, v11  }
0x1a2: {  	v26 =	vld [tilespmem:$0x1FF10];
	[tilespmem:v9+s19+$0x0] =	vst.idx.msk $0xffff, v0;
	v0 =	vadd.f32 v1, v49;
	v1 =	vmul.f32 $5.656854150e+00, v32;
	v9 =	vor.u32 v62, v11  }
0x1a3: {  	v28 =	vld [tilespmem:$0x1FF30];
	[tilespmem:v2+s19+$0x0] =	vst.idx.msk $0xffff, v3;
	v2 =	vadd.f32 v4, v49;
	v3 =	vmul.f32 $5.656854150e+00, v33  }
0x1a4: {  	v27 =	vld [tilespmem:$0x1FF20];
	v4 =	vor.u32 v35, v11;
	[tilespmem:v8+s19+$0x0] =	vst.idx.msk $0xffff, v0;
	v1 =	vadd.f32 v1, v49  }
0x1a5: {  	v29 =	vld [tilespmem:$0x1FF40];
	v0 =	vor.u32 v5, v11;
	v5 =	vmul.f32 $5.656854150e+00, v34;
	[tilespmem:v10+s19+$0x0] =	vst.idx.msk $0xffff, v2;
	v2 =	vadd.f32 v3, v49  }
0x1a6: {  	v11 =	vld [tilespmem:$0x1FE30];
	v3 =	vmul.f32 $5.656854150e+00, v6;
	[tilespmem:v7+s19+$0x0] =	vst.idx.msk $0xffff, v1  }
0x1a7: {  	p0 =	sne.s32 s24, $0x1C;
	v1 =	vadd.f32 v5, v49;
	[tilespmem:v9+s19+$0x0] =	vst.idx.msk $0xffff, v2;
	v9 =	vld [tilespmem:$0x1FE20]  }
.Ltmp0:
0x1a8: {  	v2 =	vadd.f32 v3, v49;
	v3 =	vld [tilespmem:$0x1FE00];
	(pc) =	sbr.rel @p0 .LBB2_3-.Ltmp0, $4  }
0x1a9: {  	[tilespmem:v4+s19+$0x0] =	vst.idx.msk $0xffff, v1;
	v4 =	vld [tilespmem:$0x1FE10]  }
0x1aa: {  	v1 =	vld [tilespmem:$0x1FDE0]  }
0x1ab: {  	[tilespmem:v0+s19+$0x0] =	vst.idx.msk $0xffff, v2;
	v2 =	vld [tilespmem:$0x1FDF0]  }
0x1ac: {  	s24 =	sadd.s32 $0x4, s24;
	v13 =	vmov v36;
	v35 =	vlaneseq.u32;
	v0 =	vld [tilespmem:$0x1FDD0]  }
0x1ad: {  	s24 =	sshll.u32 s23, $0x10;
	s23 =	sadd.s32 $0x1, s23  }
0x1ae: {  	p0 =	sne.s32 s23, $0x32  }
.Ltmp1:
0x1af: {  	s24 =	sadd.s32 s24, s6;
	(pc) =	sbr.rel @p0 .LBB2_2-.Ltmp1, $4  }
0x1b0: {  	[hbm4b:s24+s20] =	stream.strided.scatter [tilespmem:s19], [sflag:$0x2], $0x4000, s21, s20, $0x38;
	[tilespmem:$0x9B00] =	vst v63  }
0x1b1: {  	_ =	swait.ge [sflag:s9], $0x4000  }
0x1b2: {  	[sflag:s9] =	ssyncset.done $0x0  }
0x1b3: {  	[sflag:s9] =	ssyncadd.s32 $0xFFFFC000  }
0x1b4: {  	s22 =	sadd.s32 $0x1, s22  }
0x1b5: {  	p0 =	sne.s32 s22, s7  }
.Ltmp2:
0x1b6: {  	_ = 	snop;
	(pc) =	sbr.rel @p0 .LBB2_1-.Ltmp2, $1  }
0x1b7: {  	_ =	sdelay $0x3  }
0x1b8: {  	_ =	sfence.sel $0x180000  }
0x1b9: {  	[bflag:$0x0] =	sbarrier.arrive $0xFFFF  }
0x1ba: {  	p0 =	sne.s32 s1, $0x0;
	_ =	strace $0x90000047  }
0x1bb: {  	s0 =	sadd.s32 @!p0 $0x100000, s0;
	[bflag:$0x2] =	sbarrier.arrive $0xFFFF  }
0x1bc: {  	[sflag:s0] =	ssyncadd.tile.s32 @!p0 $0x1;
	_ =	shalt  }
.Lfunc_end2:
_tile_overlayer_lowered:
.L_overlay_start_2:
0x1bd: {  	(tag) =	ssettag $0x2  }
0x1be: {  	s0 =	rddreg [dreg:$0x0];
	s2 =	stileid.u32  }
0x1bf: {  	s1 =	rddreg [dreg:$0x1];
	p0 =	sne.s32 s2, $0x0  }
0x1c0: {  	s3 =	rddreg [dreg:$0x2];
	[bflag:$0x3] =	sbarrier.arrive $0xFFFF;
	s2 =	simm.s32 @!p0 $0x1C02  }
0x1c1: {  	[timem:s3], [sflag:s2] =	dma.local @!p0 [hbm:s0], s1  }
0x1c2: {  	s0 =	simm.s32 @!p0 $0x2  }
0x1c3: {  	_ =	swait.ge @!p0 [sflag:s0], s1  }
0x1c4: {  	s1 =	ssub.s32 @!p0 $0x0, s1;
	[sflag:s0] =	ssyncset.done @!p0 $0x0  }
0x1c5: {  	[sflag:s0] =	ssyncadd.s32 @!p0 s1  }
0x1c6: {  	[bflag:$0x3] =	sbarrier.arrive $0xFFFF  }
0x1c7: {  	_ =	shalt  }

</sc_bundles>
